<compile_context>
chip_gen: v7x
topology: tpu7x:2x2x1
jax: 0.10.2.dev20260603
libtpu: 0.0.44.dev20260713+nightly
codegen_flags: <defaults>
</compile_context>

<pallas_src>
import jax
import jax.numpy as jnp
from jax import lax
from jax.experimental import pallas as pl
from jax.experimental.pallas import tpu as pltpu
from jax.experimental.pallas import tpu_sc as plsc

_FMIN = 0.1
_FMAX = 0.5

_B, _T, _F = 64, 512, 1024
_ROWS = _B * _T
_NW = 32
_L = 16

_TCB = 512
_RT = 36 * _TCB
_NBLK = _RT // _TCB
_NBUF = 4
_RS = _ROWS - _RT
_RPW = _RS // _NW
_G = 32
_STEPS = _RPW // _G


_RPAR = 8


def _rows_argmax(buf, rbase):
    lanes = lax.iota(jnp.int32, _L)

    def chunk(c, carry):
        bests, bestis, ivec = carry
        nb, ni = [], []
        for k in range(_RPAR):
            v = buf[rbase + k, pl.ds(c * _L, _L)]
            m = v > bests[k]
            nb.append(jnp.maximum(bests[k], v))
            ni.append(jnp.where(m, ivec, bestis[k]))
        return tuple(nb), tuple(ni), ivec + _L

    best0 = jnp.full((_L,), -jnp.inf, jnp.float32)
    bests, bestis, _ = lax.fori_loop(
        0, _F // _L, chunk,
        ((best0,) * _RPAR, (lanes,) * _RPAR, lanes),
        unroll=4,
    )
    return bests, bestis


def _perm(x, pidx):
    return lax.gather(
        x,
        pidx[:, None],
        lax.GatherDimensionNumbers(
            offset_dims=(), collapsed_slice_dims=(0,), start_index_map=(0,)
        ),
        slice_sizes=(1,),
        mode=lax.GatherScatterMode.PROMISE_IN_BOUNDS,
    )


def _lane_argmax(best, besti):
    lanes = lax.iota(jnp.int32, _L)
    for shift in (8, 4, 2, 1):
        pidx = lanes ^ shift
        pv = _perm(best, pidx)
        pi = _perm(besti, pidx)
        take = (pv > best) | ((pv == best) & (pi < besti))
        best = jnp.where(take, pv, best)
        besti = jnp.where(take, pi, besti)
    return besti


def _compute_block(buf, out_v, step):
    lanes = lax.iota(jnp.int32, _L)
    scale = (_FMAX - _FMIN) / (_F - 1) * 60.0
    bias = _FMIN * 60.0

    def group(g, _):
        def quad(r4, acc):
            bests, bestis = _rows_argmax(buf, g * _L + r4 * _RPAR)
            for k in range(_RPAR):
                wini = _lane_argmax(bests[k], bestis[k])
                rr = wini.astype(jnp.float32) * scale + bias
                acc = jnp.where(lanes == r4 * _RPAR + k, rr, acc)
            return acc

        acc = lax.fori_loop(0, _L // _RPAR, quad, jnp.zeros((_L,), jnp.float32))
        out_v[pl.ds(step * _G + g * _L, _L)] = acc
        return 0

    lax.fori_loop(0, _G // _L, group, 0)


def _psd_body(x_hbm, out_hbm, buf0, buf1, out_v, sem0, sem1):
    wid = lax.axis_index("s") * 2 + lax.axis_index("c")
    row0 = wid * _RPW
    in0 = _RT + row0

    def start(step, buf, sem):
        pltpu.async_copy(x_hbm.at[pl.ds(in0 + step * _G, _G)], buf, sem)

    def wait(step, buf, sem):
        pltpu.make_async_copy(x_hbm.at[pl.ds(in0 + step * _G, _G)], buf, sem).wait()

    start(0, buf0, sem0)

    def pair(p, _):
        s0 = p * 2
        wait(s0, buf0, sem0)
        start(s0 + 1, buf1, sem1)
        _compute_block(buf0, out_v, s0)
        wait(s0 + 1, buf1, sem1)

        @pl.when(p < _STEPS // 2 - 1)
        def _():
            start(s0 + 2, buf0, sem0)

        _compute_block(buf1, out_v, s0 + 1)
        return 0

    lax.fori_loop(0, _STEPS // 2, pair, 0)
    pltpu.sync_copy(out_v, out_hbm.at[pl.ds(row0, _RPW)])


def _tc_block_argmax(buf):
    nch = _F // 128
    best = buf[:, 0:128]
    bestj = jnp.zeros((_TCB, 128), jnp.int32)
    for j in range(1, nch):
        v = buf[:, j * 128:(j + 1) * 128]
        m = v > best
        best = jnp.maximum(best, v)
        bestj = jnp.where(m, j, bestj)
    m2 = jnp.max(best, axis=1, keepdims=True)
    lane = lax.broadcasted_iota(jnp.int32, (_TCB, 128), 1)
    key = bestj * 128 + lane
    cand = jnp.where(best == m2, key, _F)
    wini = jnp.min(cand, axis=1).astype(jnp.float32)
    scale = (_FMAX - _FMIN) / (_F - 1) * 60.0
    return wini * scale + _FMIN * 60.0


def _tc_body(x_hbm, o_hbm, bufs, out_v, sems):
    def start(i, k):
        pltpu.async_copy(
            x_hbm.at[pl.ds(i * _TCB, _TCB)], bufs.at[k], sems.at[k]
        )

    def wait(i, k):
        pltpu.make_async_copy(
            x_hbm.at[pl.ds(i * _TCB, _TCB)], bufs.at[k], sems.at[k]
        ).wait()

    for k in range(_NBUF):
        start(k, k)

    def ring(p, _):
        for k in range(_NBUF):
            i = p * _NBUF + k
            wait(i, k)
            out_v[pl.ds(i * _TCB, _TCB)] = _tc_block_argmax(bufs.at[k])

            @pl.when(i + _NBUF < _NBLK)
            def _():
                start(i + _NBUF, k)

        return 0

    lax.fori_loop(0, _NBLK // _NBUF, ring, 0)
    pltpu.sync_copy(out_v, o_hbm)


@jax.jit
def _psd_peaks(x2d):
    mesh = plsc.VectorSubcoreMesh(
        core_axis_name="c", subcore_axis_name="s", num_cores=2, num_subcores=16
    )
    sc_rr = pl.kernel(
        _psd_body,
        out_type=jax.ShapeDtypeStruct((_RS,), jnp.float32),
        mesh=mesh,
        scratch_types=[
            pltpu.VMEM((_G, _F), jnp.float32),
            pltpu.VMEM((_G, _F), jnp.float32),
            pltpu.VMEM((_RPW,), jnp.float32),
            pltpu.SemaphoreType.DMA,
            pltpu.SemaphoreType.DMA,
        ],
    )(x2d)
    tc_rr = pl.pallas_call(
        _tc_body,
        in_specs=[pl.BlockSpec(memory_space=pl.ANY)],
        out_specs=pl.BlockSpec(memory_space=pl.ANY),
        out_shape=jax.ShapeDtypeStruct((_RT,), jnp.float32),
        scratch_shapes=[
            pltpu.VMEM((_NBUF, _TCB, _F), jnp.float32),
            pltpu.VMEM((_RT,), jnp.float32),
            pltpu.SemaphoreType.DMA((_NBUF,)),
        ],
    )(x2d)
    return jnp.concatenate([tc_rr, sc_rr])


def kernel(x):
    rr = _psd_peaks(x.reshape(_ROWS, _F))
    return rr.reshape(_B, _T)

# --- scband reference (transcript-rebuilt; emitter-appended) ---
"""Pipeline reference for scband-psdpeak-detector-seq-37039797960745 (READ-ONLY COPY).

The authoritative reference and input builder live on the scoring server;
editing this copy changes nothing except your own understanding.
"""

import jax, jax.numpy as jnp
import numpy as np

FMIN = 0.1
FMAX = 0.5

def setup_inputs(seed: int = 0) -> dict:
    key = jax.random.key(seed)
    x = jax.random.uniform(key, (64, 512, 1024), dtype=jnp.float32)
    return {"x": x}

def reference(x):
    # x: [B, T, F] power spectral density per frame
    Fbins = x.shape[-1]
    peak_idx = jnp.argmax(x, axis=-1)  # [B, T] int
    freq_hz = FMIN + (FMAX - FMIN) * peak_idx.astype(jnp.float32) / (Fbins - 1)
    rr_seq = freq_hz * 60.0
    return rr_seq.astype(jnp.float32)

if __name__ == "__main__":
    import jax
    _d = setup_inputs()
    print(jax.jit(kernel)(*tuple(_d.values())))

</pallas_src>

<mosaic_0001>
#map = affine_map<(d0, d1) -> (0, 0)>
#map1 = affine_map<(d0, d1) -> (0)>
module attributes {stable_mosaic.version = 14 : i64} {
  func.func @_psd_body(%arg0: i32, %arg1: i32, %arg2: memref<32768x1024xf32, #tpu.memory_space<hbm>>, %arg3: memref<14336xf32, #tpu.memory_space<hbm>>, %arg4: memref<32x1024xf32, #tpu.memory_space<vmem>>, %arg5: memref<32x1024xf32, #tpu.memory_space<vmem>>, %arg6: memref<448xf32, #tpu.memory_space<vmem>>, %arg7: memref<!tpu.dma_semaphore, #tpu.memory_space<semaphore_mem>>, %arg8: memref<!tpu.dma_semaphore, #tpu.memory_space<semaphore_mem>>) attributes {dimension_semantics = [#tpu.dimension_semantics<core_parallel>, #tpu.dimension_semantics<subcore_parallel>], iteration_bounds = array<i64: 2, 16>, scalar_prefetch = 0 : i64, scratch_operands = 5 : i64, tpu.core_type = #tpu.core_type<sc_vector_subcore>, window_params = [{transform_indices = #map}, {transform_indices = #map1}]} {
    %mul3A = arith.constant 2 : i32
    %mul3A_0 = arith.muli %arg1, %mul3A : i32
    %add3A = arith.addi %mul3A_0, %arg0 : i32
    %mul3A_1 = arith.constant 448 : i32
    %mul3A_2 = arith.muli %add3A, %mul3A_1 : i32
    %add3A_3 = arith.constant 18432 : i32
    %add3A_4 = arith.addi %add3A_3, %mul3A_2 : i32
    %add3A_5 = arith.constant 0 : i32
    %add3A_6 = arith.addi %add3A_4, %add3A_5 : i32
    %dma_start3A = arith.constant 0 : i32
    %dma_start3A_7 = tpu.memref_slice %arg2[%add3A_6, %dma_start3A] : memref<32768x1024xf32, #tpu.memory_space<hbm>> -> memref<32x1024xf32, #tpu.memory_space<hbm>>
    %dma_start3A_8 = arith.constant 0 : i32
    %dma_start3A_9 = tpu.memref_slice %arg2[%add3A_6, %dma_start3A_8] : memref<32768x1024xf32, #tpu.memory_space<hbm>> -> memref<32x1024xf32, #tpu.memory_space<hbm>>
    tpu.enqueue_dma source(%dma_start3A_9 : memref<32x1024xf32, #tpu.memory_space<hbm>>) target(%arg4 : memref<32x1024xf32, #tpu.memory_space<vmem>>) target_semaphore(%arg7 : memref<!tpu.dma_semaphore, #tpu.memory_space<semaphore_mem>>)
    %scan3A = arith.constant 0 : i32
    %scan3A_10 = arith.constant 0 : i32
    %scan3A_11 = arith.constant 7 : i32
    %scan3A_12 = arith.addi %scan3A_10, %scan3A_11 : i32
    %scan3A_13 = arith.constant 1 : i32
    %scan3A_14 = scf.for %scan3A_16 = %scan3A_10 to %scan3A_12 step %scan3A_13 iter_args(%scan3A_17 = %scan3A) -> (i32)  : i32 {
      %mul3A_18 = arith.constant 2 : i32
      %mul3A_19 = arith.muli %scan3A_16, %mul3A_18 : i32
      %mul3A_20 = arith.constant 32 : i32
      %mul3A_21 = arith.muli %mul3A_19, %mul3A_20 : i32
      %add3A_22 = arith.addi %add3A_4, %mul3A_21 : i32
      %dma_wait3A = arith.constant 0 : i32
      %dma_wait3A_23 = tpu.memref_slice %arg2[%add3A_22, %dma_wait3A] : memref<32768x1024xf32, #tpu.memory_space<hbm>> -> memref<32x1024xf32, #tpu.memory_space<hbm>>
      %dma_wait3A_24 = arith.constant 0 : i32
      %dma_wait3A_25 = tpu.memref_slice %arg2[%add3A_22, %dma_wait3A_24] : memref<32768x1024xf32, #tpu.memory_space<hbm>> -> memref<32x1024xf32, #tpu.memory_space<hbm>>
      tpu.wait_dma2 semaphore(%arg7 : memref<!tpu.dma_semaphore, #tpu.memory_space<semaphore_mem>>) src(%dma_wait3A_25 : memref<32x1024xf32, #tpu.memory_space<hbm>>) dst(%arg4 : memref<32x1024xf32, #tpu.memory_space<vmem>>)
      %add3A_26 = arith.constant 1 : i32
      %add3A_27 = arith.addi %mul3A_19, %add3A_26 : i32
      %mul3A_28 = arith.constant 32 : i32
      %mul3A_29 = arith.muli %add3A_27, %mul3A_28 : i32
      %add3A_30 = arith.addi %add3A_4, %mul3A_29 : i32
      %dma_start3A_31 = arith.constant 0 : i32
      %dma_start3A_32 = tpu.memref_slice %arg2[%add3A_30, %dma_start3A_31] : memref<32768x1024xf32, #tpu.memory_space<hbm>> -> memref<32x1024xf32, #tpu.memory_space<hbm>>
      %dma_start3A_33 = arith.constant 0 : i32
      %dma_start3A_34 = tpu.memref_slice %arg2[%add3A_30, %dma_start3A_33] : memref<32768x1024xf32, #tpu.memory_space<hbm>> -> memref<32x1024xf32, #tpu.memory_space<hbm>>
      tpu.enqueue_dma source(%dma_start3A_34 : memref<32x1024xf32, #tpu.memory_space<hbm>>) target(%arg5 : memref<32x1024xf32, #tpu.memory_space<vmem>>) target_semaphore(%arg8 : memref<!tpu.dma_semaphore, #tpu.memory_space<semaphore_mem>>)
      %iota3A = tpu.iota {dimensions = array<i32: 0>} : vector<16xi32>
      %scan3A_35 = arith.constant 0 : i32
      %scan3A_36 = arith.constant 0 : i32
      %scan3A_37 = arith.constant 2 : i32
      %scan3A_38 = arith.addi %scan3A_36, %scan3A_37 : i32
      %scan3A_39 = arith.constant 1 : i32
      %scan3A_40 = scf.for %scan3A_64 = %scan3A_36 to %scan3A_38 step %scan3A_39 iter_args(%scan3A_65 = %scan3A_35) -> (i32)  : i32 {
        %broadcast_in_dim3A = arith.constant 0.000000e+00 : f32
        %broadcast_in_dim3A_66 = vector.broadcast %broadcast_in_dim3A : f32 to vector<16xf32>
        %scan3A_67 = arith.constant 0 : i32
        %scan3A_68 = arith.constant 2 : i32
        %scan3A_69 = arith.addi %scan3A_67, %scan3A_68 : i32
        %scan3A_70 = arith.constant 1 : i32
        %scan3A_71 = scf.for %scan3A_82 = %scan3A_67 to %scan3A_69 step %scan3A_70 iter_args(%scan3A_83 = %broadcast_in_dim3A_66) -> (vector<16xf32>)  : i32 {
          %mul3A_84 = arith.constant 16 : i32
          %mul3A_85 = arith.muli %scan3A_64, %mul3A_84 : i32
          %mul3A_86 = arith.constant 8 : i32
          %mul3A_87 = arith.muli %scan3A_82, %mul3A_86 : i32
          %add3A_88 = arith.addi %mul3A_85, %mul3A_87 : i32
          %iota3A_89 = tpu.iota {dimensions = array<i32: 0>} : vector<16xi32>
          %broadcast_in_dim3A_90 = arith.constant 0xFF800000 : f32
          %broadcast_in_dim3A_91 = vector.broadcast %broadcast_in_dim3A_90 : f32 to vector<16xf32>
          %scan3A_92 = arith.constant 0 : i32
          %scan3A_93 = arith.constant 64 : i32
          %scan3A_94 = arith.addi %scan3A_92, %scan3A_93 : i32
          %scan3A_95 = arith.constant 4 : i32
          %scan3A_96:17 = scf.for %scan3A_723 = %scan3A_92 to %scan3A_94 step %scan3A_95 iter_args(%scan3A_724 = %broadcast_in_dim3A_91, %scan3A_725 = %broadcast_in_dim3A_91, %scan3A_726 = %broadcast_in_dim3A_91, %scan3A_727 = %broadcast_in_dim3A_91, %scan3A_728 = %broadcast_in_dim3A_91, %scan3A_729 = %broadcast_in_dim3A_91, %scan3A_730 = %broadcast_in_dim3A_91, %scan3A_731 = %broadcast_in_dim3A_91, %scan3A_732 = %iota3A_89, %scan3A_733 = %iota3A_89, %scan3A_734 = %iota3A_89, %scan3A_735 = %iota3A_89, %scan3A_736 = %iota3A_89, %scan3A_737 = %iota3A_89, %scan3A_738 = %iota3A_89, %scan3A_739 = %iota3A_89, %scan3A_740 = %iota3A_89) -> (vector<16xf32>, vector<16xf32>, vector<16xf32>, vector<16xf32>, vector<16xf32>, vector<16xf32>, vector<16xf32>, vector<16xf32>, vector<16xi32>, vector<16xi32>, vector<16xi32>, vector<16xi32>, vector<16xi32>, vector<16xi32>, vector<16xi32>, vector<16xi32>, vector<16xi32>)  : i32 {
            %add3A_741 = arith.constant 0 : i32
            %add3A_742 = arith.addi %add3A_88, %add3A_741 : i32
            %mul3A_743 = arith.constant 16 : i32
            %mul3A_744 = arith.muli %scan3A_723, %mul3A_743 : i32
            %get3A = arith.index_cast %add3A_742 : i32 to index
            %get3A_745 = arith.index_cast %mul3A_744 : i32 to index
            %get3A_746 = tpu.vector_load %arg4[%get3A, %get3A_745] {strides = array<i32>} : memref<32x1024xf32, #tpu.memory_space<vmem>>, vector<1x16xf32>,
            %get3A_747 = vector.shape_cast %get3A_746 : vector<1x16xf32> to vector<16xf32>
            %gt3A_748 = arith.cmpf ogt, %get3A_747, %scan3A_724 : vector<16xf32>
            %max3A = arith.maximumf %scan3A_724, %get3A_747 : vector<16xf32>
            %select_n3A_749 = arith.select %gt3A_748, %scan3A_740, %scan3A_732 : vector<16xi1>, vector<16xi32>
            %add3A_750 = arith.constant 1 : i32
            %add3A_751 = arith.addi %add3A_88, %add3A_750 : i32
            %mul3A_752 = arith.constant 16 : i32
            %mul3A_753 = arith.muli %scan3A_723, %mul3A_752 : i32
            %get3A_754 = arith.index_cast %add3A_751 : i32 to index
            %get3A_755 = arith.index_cast %mul3A_753 : i32 to index
            %get3A_756 = tpu.vector_load %arg4[%get3A_754, %get3A_755] {strides = array<i32>} : memref<32x1024xf32, #tpu.memory_space<vmem>>, vector<1x16xf32>,
            %get3A_757 = vector.shape_cast %get3A_756 : vector<1x16xf32> to vector<16xf32>
            %gt3A_758 = arith.cmpf ogt, %get3A_757, %scan3A_725 : vector<16xf32>
            %max3A_759 = arith.maximumf %scan3A_725, %get3A_757 : vector<16xf32>
            %select_n3A_760 = arith.select %gt3A_758, %scan3A_740, %scan3A_733 : vector<16xi1>, vector<16xi32>
            %add3A_761 = arith.constant 2 : i32
            %add3A_762 = arith.addi %add3A_88, %add3A_761 : i32
            %mul3A_763 = arith.constant 16 : i32
            %mul3A_764 = arith.muli %scan3A_723, %mul3A_763 : i32
            %get3A_765 = arith.index_cast %add3A_762 : i32 to index
            %get3A_766 = arith.index_cast %mul3A_764 : i32 to index
            %get3A_767 = tpu.vector_load %arg4[%get3A_765, %get3A_766] {strides = array<i32>} : memref<32x1024xf32, #tpu.memory_space<vmem>>, vector<1x16xf32>,
            %get3A_768 = vector.shape_cast %get3A_767 : vector<1x16xf32> to vector<16xf32>
            %gt3A_769 = arith.cmpf ogt, %get3A_768, %scan3A_726 : vector<16xf32>
            %max3A_770 = arith.maximumf %scan3A_726, %get3A_768 : vector<16xf32>
            %select_n3A_771 = arith.select %gt3A_769, %scan3A_740, %scan3A_734 : vector<16xi1>, vector<16xi32>
            %add3A_772 = arith.constant 3 : i32
            %add3A_773 = arith.addi %add3A_88, %add3A_772 : i32
            %mul3A_774 = arith.constant 16 : i32
            %mul3A_775 = arith.muli %scan3A_723, %mul3A_774 : i32
            %get3A_776 = arith.index_cast %add3A_773 : i32 to index
            %get3A_777 = arith.index_cast %mul3A_775 : i32 to index
            %get3A_778 = tpu.vector_load %arg4[%get3A_776, %get3A_777] {strides = array<i32>} : memref<32x1024xf32, #tpu.memory_space<vmem>>, vector<1x16xf32>,
            %get3A_779 = vector.shape_cast %get3A_778 : vector<1x16xf32> to vector<16xf32>
            %gt3A_780 = arith.cmpf ogt, %get3A_779, %scan3A_727 : vector<16xf32>
            %max3A_781 = arith.maximumf %scan3A_727, %get3A_779 : vector<16xf32>
            %select_n3A_782 = arith.select %gt3A_780, %scan3A_740, %scan3A_735 : vector<16xi1>, vector<16xi32>
            %add3A_783 = arith.constant 4 : i32
            %add3A_784 = arith.addi %add3A_88, %add3A_783 : i32
            %mul3A_785 = arith.constant 16 : i32
            %mul3A_786 = arith.muli %scan3A_723, %mul3A_785 : i32
            %get3A_787 = arith.index_cast %add3A_784 : i32 to index
            %get3A_788 = arith.index_cast %mul3A_786 : i32 to index
            %get3A_789 = tpu.vector_load %arg4[%get3A_787, %get3A_788] {strides = array<i32>} : memref<32x1024xf32, #tpu.memory_space<vmem>>, vector<1x16xf32>,
            %get3A_790 = vector.shape_cast %get3A_789 : vector<1x16xf32> to vector<16xf32>
            %gt3A_791 = arith.cmpf ogt, %get3A_790, %scan3A_728 : vector<16xf32>
            %max3A_792 = arith.maximumf %scan3A_728, %get3A_790 : vector<16xf32>
            %select_n3A_793 = arith.select %gt3A_791, %scan3A_740, %scan3A_736 : vector<16xi1>, vector<16xi32>
            %add3A_794 = arith.constant 5 : i32
            %add3A_795 = arith.addi %add3A_88, %add3A_794 : i32
            %mul3A_796 = arith.constant 16 : i32
            %mul3A_797 = arith.muli %scan3A_723, %mul3A_796 : i32
            %get3A_798 = arith.index_cast %add3A_795 : i32 to index
            %get3A_799 = arith.index_cast %mul3A_797 : i32 to index
            %get3A_800 = tpu.vector_load %arg4[%get3A_798, %get3A_799] {strides = array<i32>} : memref<32x1024xf32, #tpu.memory_space<vmem>>, vector<1x16xf32>,
            %get3A_801 = vector.shape_cast %get3A_800 : vector<1x16xf32> to vector<16xf32>
            %gt3A_802 = arith.cmpf ogt, %get3A_801, %scan3A_729 : vector<16xf32>
            %max3A_803 = arith.maximumf %scan3A_729, %get3A_801 : vector<16xf32>
            %select_n3A_804 = arith.select %gt3A_802, %scan3A_740, %scan3A_737 : vector<16xi1>, vector<16xi32>
            %add3A_805 = arith.constant 6 : i32
            %add3A_806 = arith.addi %add3A_88, %add3A_805 : i32
            %mul3A_807 = arith.constant 16 : i32
            %mul3A_808 = arith.muli %scan3A_723, %mul3A_807 : i32
            %get3A_809 = arith.index_cast %add3A_806 : i32 to index
            %get3A_810 = arith.index_cast %mul3A_808 : i32 to index
            %get3A_811 = tpu.vector_load %arg4[%get3A_809, %get3A_810] {strides = array<i32>} : memref<32x1024xf32, #tpu.memory_space<vmem>>, vector<1x16xf32>,
            %get3A_812 = vector.shape_cast %get3A_811 : vector<1x16xf32> to vector<16xf32>
            %gt3A_813 = arith.cmpf ogt, %get3A_812, %scan3A_730 : vector<16xf32>
            %max3A_814 = arith.maximumf %scan3A_730, %get3A_812 : vector<16xf32>
            %select_n3A_815 = arith.select %gt3A_813, %scan3A_740, %scan3A_738 : vector<16xi1>, vector<16xi32>
            %add3A_816 = arith.constant 7 : i32
            %add3A_817 = arith.addi %add3A_88, %add3A_816 : i32
            %mul3A_818 = arith.constant 16 : i32
            %mul3A_819 = arith.muli %scan3A_723, %mul3A_818 : i32
            %get3A_820 = arith.index_cast %add3A_817 : i32 to index
            %get3A_821 = arith.index_cast %mul3A_819 : i32 to index
            %get3A_822 = tpu.vector_load %arg4[%get3A_820, %get3A_821] {strides = array<i32>} : memref<32x1024xf32, #tpu.memory_space<vmem>>, vector<1x16xf32>,
            %get3A_823 = vector.shape_cast %get3A_822 : vector<1x16xf32> to vector<16xf32>
            %gt3A_824 = arith.cmpf ogt, %get3A_823, %scan3A_731 : vector<16xf32>
            %max3A_825 = arith.maximumf %scan3A_731, %get3A_823 : vector<16xf32>
            %select_n3A_826 = arith.select %gt3A_824, %scan3A_740, %scan3A_739 : vector<16xi1>, vector<16xi32>
            %add3A_827 = arith.constant 16 : i32
            %add3A_828 = vector.broadcast %add3A_827 : i32 to vector<16xi32>
            %add3A_829 = arith.addi %scan3A_740, %add3A_828 : vector<16xi32>
            %scan3A_830 = arith.constant 1 : i32
            %scan3A_831 = arith.addi %scan3A_723, %scan3A_830 : i32
            %add3A_832 = arith.constant 0 : i32
            %add3A_833 = arith.addi %add3A_88, %add3A_832 : i32
            %mul3A_834 = arith.constant 16 : i32
            %mul3A_835 = arith.muli %scan3A_831, %mul3A_834 : i32
            %get3A_836 = arith.index_cast %add3A_833 : i32 to index
            %get3A_837 = arith.index_cast %mul3A_835 : i32 to index
            %get3A_838 = tpu.vector_load %arg4[%get3A_836, %get3A_837] {strides = array<i32>} : memref<32x1024xf32, #tpu.memory_space<vmem>>, vector<1x16xf32>,
            %get3A_839 = vector.shape_cast %get3A_838 : vector<1x16xf32> to vector<16xf32>
            %gt3A_840 = arith.cmpf ogt, %get3A_839, %max3A : vector<16xf32>
            %max3A_841 = arith.maximumf %max3A, %get3A_839 : vector<16xf32>
            %select_n3A_842 = arith.select %gt3A_840, %add3A_829, %select_n3A_749 : vector<16xi1>, vector<16xi32>
            %add3A_843 = arith.constant 1 : i32
            %add3A_844 = arith.addi %add3A_88, %add3A_843 : i32
            %mul3A_845 = arith.constant 16 : i32
            %mul3A_846 = arith.muli %scan3A_831, %mul3A_845 : i32
            %get3A_847 = arith.index_cast %add3A_844 : i32 to index
            %get3A_848 = arith.index_cast %mul3A_846 : i32 to index
            %get3A_849 = tpu.vector_load %arg4[%get3A_847, %get3A_848] {strides = array<i32>} : memref<32x1024xf32, #tpu.memory_space<vmem>>, vector<1x16xf32>,
            %get3A_850 = vector.shape_cast %get3A_849 : vector<1x16xf32> to vector<16xf32>
            %gt3A_851 = arith.cmpf ogt, %get3A_850, %max3A_759 : vector<16xf32>
            %max3A_852 = arith.maximumf %max3A_759, %get3A_850 : vector<16xf32>
            %select_n3A_853 = arith.select %gt3A_851, %add3A_829, %select_n3A_760 : vector<16xi1>, vector<16xi32>
            %add3A_854 = arith.constant 2 : i32
            %add3A_855 = arith.addi %add3A_88, %add3A_854 : i32
            %mul3A_856 = arith.constant 16 : i32
            %mul3A_857 = arith.muli %scan3A_831, %mul3A_856 : i32
            %get3A_858 = arith.index_cast %add3A_855 : i32 to index
            %get3A_859 = arith.index_cast %mul3A_857 : i32 to index
            %get3A_860 = tpu.vector_load %arg4[%get3A_858, %get3A_859] {strides = array<i32>} : memref<32x1024xf32, #tpu.memory_space<vmem>>, vector<1x16xf32>,
            %get3A_861 = vector.shape_cast %get3A_860 : vector<1x16xf32> to vector<16xf32>
            %gt3A_862 = arith.cmpf ogt, %get3A_861, %max3A_770 : vector<16xf32>
            %max3A_863 = arith.maximumf %max3A_770, %get3A_861 : vector<16xf32>
            %select_n3A_864 = arith.select %gt3A_862, %add3A_829, %select_n3A_771 : vector<16xi1>, vector<16xi32>
            %add3A_865 = arith.constant 3 : i32
            %add3A_866 = arith.addi %add3A_88, %add3A_865 : i32
            %mul3A_867 = arith.constant 16 : i32
            %mul3A_868 = arith.muli %scan3A_831, %mul3A_867 : i32
            %get3A_869 = arith.index_cast %add3A_866 : i32 to index
            %get3A_870 = arith.index_cast %mul3A_868 : i32 to index
            %get3A_871 = tpu.vector_load %arg4[%get3A_869, %get3A_870] {strides = array<i32>} : memref<32x1024xf32, #tpu.memory_space<vmem>>, vector<1x16xf32>,
            %get3A_872 = vector.shape_cast %get3A_871 : vector<1x16xf32> to vector<16xf32>
            %gt3A_873 = arith.cmpf ogt, %get3A_872, %max3A_781 : vector<16xf32>
            %max3A_874 = arith.maximumf %max3A_781, %get3A_872 : vector<16xf32>
            %select_n3A_875 = arith.select %gt3A_873, %add3A_829, %select_n3A_782 : vector<16xi1>, vector<16xi32>
            %add3A_876 = arith.constant 4 : i32
            %add3A_877 = arith.addi %add3A_88, %add3A_876 : i32
            %mul3A_878 = arith.constant 16 : i32
            %mul3A_879 = arith.muli %scan3A_831, %mul3A_878 : i32
            %get3A_880 = arith.index_cast %add3A_877 : i32 to index
            %get3A_881 = arith.index_cast %mul3A_879 : i32 to index
            %get3A_882 = tpu.vector_load %arg4[%get3A_880, %get3A_881] {strides = array<i32>} : memref<32x1024xf32, #tpu.memory_space<vmem>>, vector<1x16xf32>,
            %get3A_883 = vector.shape_cast %get3A_882 : vector<1x16xf32> to vector<16xf32>
            %gt3A_884 = arith.cmpf ogt, %get3A_883, %max3A_792 : vector<16xf32>
            %max3A_885 = arith.maximumf %max3A_792, %get3A_883 : vector<16xf32>
            %select_n3A_886 = arith.select %gt3A_884, %add3A_829, %select_n3A_793 : vector<16xi1>, vector<16xi32>
            %add3A_887 = arith.constant 5 : i32
            %add3A_888 = arith.addi %add3A_88, %add3A_887 : i32
            %mul3A_889 = arith.constant 16 : i32
            %mul3A_890 = arith.muli %scan3A_831, %mul3A_889 : i32
            %get3A_891 = arith.index_cast %add3A_888 : i32 to index
            %get3A_892 = arith.index_cast %mul3A_890 : i32 to index
            %get3A_893 = tpu.vector_load %arg4[%get3A_891, %get3A_892] {strides = array<i32>} : memref<32x1024xf32, #tpu.memory_space<vmem>>, vector<1x16xf32>,
            %get3A_894 = vector.shape_cast %get3A_893 : vector<1x16xf32> to vector<16xf32>
            %gt3A_895 = arith.cmpf ogt, %get3A_894, %max3A_803 : vector<16xf32>
            %max3A_896 = arith.maximumf %max3A_803, %get3A_894 : vector<16xf32>
            %select_n3A_897 = arith.select %gt3A_895, %add3A_829, %select_n3A_804 : vector<16xi1>, vector<16xi32>
            %add3A_898 = arith.constant 6 : i32
            %add3A_899 = arith.addi %add3A_88, %add3A_898 : i32
            %mul3A_900 = arith.constant 16 : i32
            %mul3A_901 = arith.muli %scan3A_831, %mul3A_900 : i32
            %get3A_902 = arith.index_cast %add3A_899 : i32 to index
            %get3A_903 = arith.index_cast %mul3A_901 : i32 to index
            %get3A_904 = tpu.vector_load %arg4[%get3A_902, %get3A_903] {strides = array<i32>} : memref<32x1024xf32, #tpu.memory_space<vmem>>, vector<1x16xf32>,
            %get3A_905 = vector.shape_cast %get3A_904 : vector<1x16xf32> to vector<16xf32>
            %gt3A_906 = arith.cmpf ogt, %get3A_905, %max3A_814 : vector<16xf32>
            %max3A_907 = arith.maximumf %max3A_814, %get3A_905 : vector<16xf32>
            %select_n3A_908 = arith.select %gt3A_906, %add3A_829, %select_n3A_815 : vector<16xi1>, vector<16xi32>
            %add3A_909 = arith.constant 7 : i32
            %add3A_910 = arith.addi %add3A_88, %add3A_909 : i32
            %mul3A_911 = arith.constant 16 : i32
            %mul3A_912 = arith.muli %scan3A_831, %mul3A_911 : i32
            %get3A_913 = arith.index_cast %add3A_910 : i32 to index
            %get3A_914 = arith.index_cast %mul3A_912 : i32 to index
            %get3A_915 = tpu.vector_load %arg4[%get3A_913, %get3A_914] {strides = array<i32>} : memref<32x1024xf32, #tpu.memory_space<vmem>>, vector<1x16xf32>,
            %get3A_916 = vector.shape_cast %get3A_915 : vector<1x16xf32> to vector<16xf32>
            %gt3A_917 = arith.cmpf ogt, %get3A_916, %max3A_825 : vector<16xf32>
            %max3A_918 = arith.maximumf %max3A_825, %get3A_916 : vector<16xf32>
            %select_n3A_919 = arith.select %gt3A_917, %add3A_829, %select_n3A_826 : vector<16xi1>, vector<16xi32>
            %add3A_920 = arith.constant 16 : i32
            %add3A_921 = vector.broadcast %add3A_920 : i32 to vector<16xi32>
            %add3A_922 = arith.addi %add3A_829, %add3A_921 : vector<16xi32>
            %scan3A_923 = arith.constant 2 : i32
            %scan3A_924 = arith.addi %scan3A_723, %scan3A_923 : i32
            %add3A_925 = arith.constant 0 : i32
            %add3A_926 = arith.addi %add3A_88, %add3A_925 : i32
            %mul3A_927 = arith.constant 16 : i32
            %mul3A_928 = arith.muli %scan3A_924, %mul3A_927 : i32
            %get3A_929 = arith.index_cast %add3A_926 : i32 to index
            %get3A_930 = arith.index_cast %mul3A_928 : i32 to index
            %get3A_931 = tpu.vector_load %arg4[%get3A_929, %get3A_930] {strides = array<i32>} : memref<32x1024xf32, #tpu.memory_space<vmem>>, vector<1x16xf32>,
            %get3A_932 = vector.shape_cast %get3A_931 : vector<1x16xf32> to vector<16xf32>
            %gt3A_933 = arith.cmpf ogt, %get3A_932, %max3A_841 : vector<16xf32>
            %max3A_934 = arith.maximumf %max3A_841, %get3A_932 : vector<16xf32>
            %select_n3A_935 = arith.select %gt3A_933, %add3A_922, %select_n3A_842 : vector<16xi1>, vector<16xi32>
            %add3A_936 = arith.constant 1 : i32
            %add3A_937 = arith.addi %add3A_88, %add3A_936 : i32
            %mul3A_938 = arith.constant 16 : i32
            %mul3A_939 = arith.muli %scan3A_924, %mul3A_938 : i32
            %get3A_940 = arith.index_cast %add3A_937 : i32 to index
            %get3A_941 = arith.index_cast %mul3A_939 : i32 to index
            %get3A_942 = tpu.vector_load %arg4[%get3A_940, %get3A_941] {strides = array<i32>} : memref<32x1024xf32, #tpu.memory_space<vmem>>, vector<1x16xf32>,
            %get3A_943 = vector.shape_cast %get3A_942 : vector<1x16xf32> to vector<16xf32>
            %gt3A_944 = arith.cmpf ogt, %get3A_943, %max3A_852 : vector<16xf32>
            %max3A_945 = arith.maximumf %max3A_852, %get3A_943 : vector<16xf32>
            %select_n3A_946 = arith.select %gt3A_944, %add3A_922, %select_n3A_853 : vector<16xi1>, vector<16xi32>
            %add3A_947 = arith.constant 2 : i32
            %add3A_948 = arith.addi %add3A_88, %add3A_947 : i32
            %mul3A_949 = arith.constant 16 : i32
            %mul3A_950 = arith.muli %scan3A_924, %mul3A_949 : i32
            %get3A_951 = arith.index_cast %add3A_948 : i32 to index
            %get3A_952 = arith.index_cast %mul3A_950 : i32 to index
            %get3A_953 = tpu.vector_load %arg4[%get3A_951, %get3A_952] {strides = array<i32>} : memref<32x1024xf32, #tpu.memory_space<vmem>>, vector<1x16xf32>,
            %get3A_954 = vector.shape_cast %get3A_953 : vector<1x16xf32> to vector<16xf32>
            %gt3A_955 = arith.cmpf ogt, %get3A_954, %max3A_863 : vector<16xf32>
            %max3A_956 = arith.maximumf %max3A_863, %get3A_954 : vector<16xf32>
            %select_n3A_957 = arith.select %gt3A_955, %add3A_922, %select_n3A_864 : vector<16xi1>, vector<16xi32>
            %add3A_958 = arith.constant 3 : i32
            %add3A_959 = arith.addi %add3A_88, %add3A_958 : i32
            %mul3A_960 = arith.constant 16 : i32
            %mul3A_961 = arith.muli %scan3A_924, %mul3A_960 : i32
            %get3A_962 = arith.index_cast %add3A_959 : i32 to index
            %get3A_963 = arith.index_cast %mul3A_961 : i32 to index
            %get3A_964 = tpu.vector_load %arg4[%get3A_962, %get3A_963] {strides = array<i32>} : memref<32x1024xf32, #tpu.memory_space<vmem>>, vector<1x16xf32>,
            %get3A_965 = vector.shape_cast %get3A_964 : vector<1x16xf32> to vector<16xf32>
            %gt3A_966 = arith.cmpf ogt, %get3A_965, %max3A_874 : vector<16xf32>
            %max3A_967 = arith.maximumf %max3A_874, %get3A_965 : vector<16xf32>
            %select_n3A_968 = arith.select %gt3A_966, %add3A_922, %select_n3A_875 : vector<16xi1>, vector<16xi32>
            %add3A_969 = arith.constant 4 : i32
            %add3A_970 = arith.addi %add3A_88, %add3A_969 : i32
            %mul3A_971 = arith.constant 16 : i32
            %mul3A_972 = arith.muli %scan3A_924, %mul3A_971 : i32
            %get3A_973 = arith.index_cast %add3A_970 : i32 to index
            %get3A_974 = arith.index_cast %mul3A_972 : i32 to index
            %get3A_975 = tpu.vector_load %arg4[%get3A_973, %get3A_974] {strides = array<i32>} : memref<32x1024xf32, #tpu.memory_space<vmem>>, vector<1x16xf32>,
            %get3A_976 = vector.shape_cast %get3A_975 : vector<1x16xf32> to vector<16xf32>
            %gt3A_977 = arith.cmpf ogt, %get3A_976, %max3A_885 : vector<16xf32>
            %max3A_978 = arith.maximumf %max3A_885, %get3A_976 : vector<16xf32>
            %select_n3A_979 = arith.select %gt3A_977, %add3A_922, %select_n3A_886 : vector<16xi1>, vector<16xi32>
            %add3A_980 = arith.constant 5 : i32
            %add3A_981 = arith.addi %add3A_88, %add3A_980 : i32
            %mul3A_982 = arith.constant 16 : i32
            %mul3A_983 = arith.muli %scan3A_924, %mul3A_982 : i32
            %get3A_984 = arith.index_cast %add3A_981 : i32 to index
            %get3A_985 = arith.index_cast %mul3A_983 : i32 to index
            %get3A_986 = tpu.vector_load %arg4[%get3A_984, %get3A_985] {strides = array<i32>} : memref<32x1024xf32, #tpu.memory_space<vmem>>, vector<1x16xf32>,
            %get3A_987 = vector.shape_cast %get3A_986 : vector<1x16xf32> to vector<16xf32>
            %gt3A_988 = arith.cmpf ogt, %get3A_987, %max3A_896 : vector<16xf32>
            %max3A_989 = arith.maximumf %max3A_896, %get3A_987 : vector<16xf32>
            %select_n3A_990 = arith.select %gt3A_988, %add3A_922, %select_n3A_897 : vector<16xi1>, vector<16xi32>
            %add3A_991 = arith.constant 6 : i32
            %add3A_992 = arith.addi %add3A_88, %add3A_991 : i32
            %mul3A_993 = arith.constant 16 : i32
            %mul3A_994 = arith.muli %scan3A_924, %mul3A_993 : i32
            %get3A_995 = arith.index_cast %add3A_992 : i32 to index
            %get3A_996 = arith.index_cast %mul3A_994 : i32 to index
            %get3A_997 = tpu.vector_load %arg4[%get3A_995, %get3A_996] {strides = array<i32>} : memref<32x1024xf32, #tpu.memory_space<vmem>>, vector<1x16xf32>,
            %get3A_998 = vector.shape_cast %get3A_997 : vector<1x16xf32> to vector<16xf32>
            %gt3A_999 = arith.cmpf ogt, %get3A_998, %max3A_907 : vector<16xf32>
            %max3A_1000 = arith.maximumf %max3A_907, %get3A_998 : vector<16xf32>
            %select_n3A_1001 = arith.select %gt3A_999, %add3A_922, %select_n3A_908 : vector<16xi1>, vector<16xi32>
            %add3A_1002 = arith.constant 7 : i32
            %add3A_1003 = arith.addi %add3A_88, %add3A_1002 : i32
            %mul3A_1004 = arith.constant 16 : i32
            %mul3A_1005 = arith.muli %scan3A_924, %mul3A_1004 : i32
            %get3A_1006 = arith.index_cast %add3A_1003 : i32 to index
            %get3A_1007 = arith.index_cast %mul3A_1005 : i32 to index
            %get3A_1008 = tpu.vector_load %arg4[%get3A_1006, %get3A_1007] {strides = array<i32>} : memref<32x1024xf32, #tpu.memory_space<vmem>>, vector<1x16xf32>,
            %get3A_1009 = vector.shape_cast %get3A_1008 : vector<1x16xf32> to vector<16xf32>
            %gt3A_1010 = arith.cmpf ogt, %get3A_1009, %max3A_918 : vector<16xf32>
            %max3A_1011 = arith.maximumf %max3A_918, %get3A_1009 : vector<16xf32>
            %select_n3A_1012 = arith.select %gt3A_1010, %add3A_922, %select_n3A_919 : vector<16xi1>, vector<16xi32>
            %add3A_1013 = arith.constant 16 : i32
            %add3A_1014 = vector.broadcast %add3A_1013 : i32 to vector<16xi32>
            %add3A_1015 = arith.addi %add3A_922, %add3A_1014 : vector<16xi32>
            %scan3A_1016 = arith.constant 3 : i32
            %scan3A_1017 = arith.addi %scan3A_723, %scan3A_1016 : i32
            %add3A_1018 = arith.constant 0 : i32
            %add3A_1019 = arith.addi %add3A_88, %add3A_1018 : i32
            %mul3A_1020 = arith.constant 16 : i32
            %mul3A_1021 = arith.muli %scan3A_1017, %mul3A_1020 : i32
            %get3A_1022 = arith.index_cast %add3A_1019 : i32 to index
            %get3A_1023 = arith.index_cast %mul3A_1021 : i32 to index
            %get3A_1024 = tpu.vector_load %arg4[%get3A_1022, %get3A_1023] {strides = array<i32>} : memref<32x1024xf32, #tpu.memory_space<vmem>>, vector<1x16xf32>,
            %get3A_1025 = vector.shape_cast %get3A_1024 : vector<1x16xf32> to vector<16xf32>
            %gt3A_1026 = arith.cmpf ogt, %get3A_1025, %max3A_934 : vector<16xf32>
            %max3A_1027 = arith.maximumf %max3A_934, %get3A_1025 : vector<16xf32>
            %select_n3A_1028 = arith.select %gt3A_1026, %add3A_1015, %select_n3A_935 : vector<16xi1>, vector<16xi32>
            %add3A_1029 = arith.constant 1 : i32
            %add3A_1030 = arith.addi %add3A_88, %add3A_1029 : i32
            %mul3A_1031 = arith.constant 16 : i32
            %mul3A_1032 = arith.muli %scan3A_1017, %mul3A_1031 : i32
            %get3A_1033 = arith.index_cast %add3A_1030 : i32 to index
            %get3A_1034 = arith.index_cast %mul3A_1032 : i32 to index
            %get3A_1035 = tpu.vector_load %arg4[%get3A_1033, %get3A_1034] {strides = array<i32>} : memref<32x1024xf32, #tpu.memory_space<vmem>>, vector<1x16xf32>,
            %get3A_1036 = vector.shape_cast %get3A_1035 : vector<1x16xf32> to vector<16xf32>
            %gt3A_1037 = arith.cmpf ogt, %get3A_1036, %max3A_945 : vector<16xf32>
            %max3A_1038 = arith.maximumf %max3A_945, %get3A_1036 : vector<16xf32>
            %select_n3A_1039 = arith.select %gt3A_1037, %add3A_1015, %select_n3A_946 : vector<16xi1>, vector<16xi32>
            %add3A_1040 = arith.constant 2 : i32
            %add3A_1041 = arith.addi %add3A_88, %add3A_1040 : i32
            %mul3A_1042 = arith.constant 16 : i32
            %mul3A_1043 = arith.muli %scan3A_1017, %mul3A_1042 : i32
            %get3A_1044 = arith.index_cast %add3A_1041 : i32 to index
            %get3A_1045 = arith.index_cast %mul3A_1043 : i32 to index
            %get3A_1046 = tpu.vector_load %arg4[%get3A_1044, %get3A_1045] {strides = array<i32>} : memref<32x1024xf32, #tpu.memory_space<vmem>>, vector<1x16xf32>,
            %get3A_1047 = vector.shape_cast %get3A_1046 : vector<1x16xf32> to vector<16xf32>
            %gt3A_1048 = arith.cmpf ogt, %get3A_1047, %max3A_956 : vector<16xf32>
            %max3A_1049 = arith.maximumf %max3A_956, %get3A_1047 : vector<16xf32>
            %select_n3A_1050 = arith.select %gt3A_1048, %add3A_1015, %select_n3A_957 : vector<16xi1>, vector<16xi32>
            %add3A_1051 = arith.constant 3 : i32
            %add3A_1052 = arith.addi %add3A_88, %add3A_1051 : i32
            %mul3A_1053 = arith.constant 16 : i32
            %mul3A_1054 = arith.muli %scan3A_1017, %mul3A_1053 : i32
            %get3A_1055 = arith.index_cast %add3A_1052 : i32 to index
            %get3A_1056 = arith.index_cast %mul3A_1054 : i32 to index
            %get3A_1057 = tpu.vector_load %arg4[%get3A_1055, %get3A_1056] {strides = array<i32>} : memref<32x1024xf32, #tpu.memory_space<vmem>>, vector<1x16xf32>,
            %get3A_1058 = vector.shape_cast %get3A_1057 : vector<1x16xf32> to vector<16xf32>
            %gt3A_1059 = arith.cmpf ogt, %get3A_1058, %max3A_967 : vector<16xf32>
            %max3A_1060 = arith.maximumf %max3A_967, %get3A_1058 : vector<16xf32>
            %select_n3A_1061 = arith.select %gt3A_1059, %add3A_1015, %select_n3A_968 : vector<16xi1>, vector<16xi32>
            %add3A_1062 = arith.constant 4 : i32
            %add3A_1063 = arith.addi %add3A_88, %add3A_1062 : i32
            %mul3A_1064 = arith.constant 16 : i32
            %mul3A_1065 = arith.muli %scan3A_1017, %mul3A_1064 : i32
            %get3A_1066 = arith.index_cast %add3A_1063 : i32 to index
            %get3A_1067 = arith.index_cast %mul3A_1065 : i32 to index
            %get3A_1068 = tpu.vector_load %arg4[%get3A_1066, %get3A_1067] {strides = array<i32>} : memref<32x1024xf32, #tpu.memory_space<vmem>>, vector<1x16xf32>,
            %get3A_1069 = vector.shape_cast %get3A_1068 : vector<1x16xf32> to vector<16xf32>
            %gt3A_1070 = arith.cmpf ogt, %get3A_1069, %max3A_978 : vector<16xf32>
            %max3A_1071 = arith.maximumf %max3A_978, %get3A_1069 : vector<16xf32>
            %select_n3A_1072 = arith.select %gt3A_1070, %add3A_1015, %select_n3A_979 : vector<16xi1>, vector<16xi32>
            %add3A_1073 = arith.constant 5 : i32
            %add3A_1074 = arith.addi %add3A_88, %add3A_1073 : i32
            %mul3A_1075 = arith.constant 16 : i32
            %mul3A_1076 = arith.muli %scan3A_1017, %mul3A_1075 : i32
            %get3A_1077 = arith.index_cast %add3A_1074 : i32 to index
            %get3A_1078 = arith.index_cast %mul3A_1076 : i32 to index
            %get3A_1079 = tpu.vector_load %arg4[%get3A_1077, %get3A_1078] {strides = array<i32>} : memref<32x1024xf32, #tpu.memory_space<vmem>>, vector<1x16xf32>,
            %get3A_1080 = vector.shape_cast %get3A_1079 : vector<1x16xf32> to vector<16xf32>
            %gt3A_1081 = arith.cmpf ogt, %get3A_1080, %max3A_989 : vector<16xf32>
            %max3A_1082 = arith.maximumf %max3A_989, %get3A_1080 : vector<16xf32>
            %select_n3A_1083 = arith.select %gt3A_1081, %add3A_1015, %select_n3A_990 : vector<16xi1>, vector<16xi32>
            %add3A_1084 = arith.constant 6 : i32
            %add3A_1085 = arith.addi %add3A_88, %add3A_1084 : i32
            %mul3A_1086 = arith.constant 16 : i32
            %mul3A_1087 = arith.muli %scan3A_1017, %mul3A_1086 : i32
            %get3A_1088 = arith.index_cast %add3A_1085 : i32 to index
            %get3A_1089 = arith.index_cast %mul3A_1087 : i32 to index
            %get3A_1090 = tpu.vector_load %arg4[%get3A_1088, %get3A_1089] {strides = array<i32>} : memref<32x1024xf32, #tpu.memory_space<vmem>>, vector<1x16xf32>,
            %get3A_1091 = vector.shape_cast %get3A_1090 : vector<1x16xf32> to vector<16xf32>
            %gt3A_1092 = arith.cmpf ogt, %get3A_1091, %max3A_1000 : vector<16xf32>
            %max3A_1093 = arith.maximumf %max3A_1000, %get3A_1091 : vector<16xf32>
            %select_n3A_1094 = arith.select %gt3A_1092, %add3A_1015, %select_n3A_1001 : vector<16xi1>, vector<16xi32>
            %add3A_1095 = arith.constant 7 : i32
            %add3A_1096 = arith.addi %add3A_88, %add3A_1095 : i32
            %mul3A_1097 = arith.constant 16 : i32
            %mul3A_1098 = arith.muli %scan3A_1017, %mul3A_1097 : i32
            %get3A_1099 = arith.index_cast %add3A_1096 : i32 to index
            %get3A_1100 = arith.index_cast %mul3A_1098 : i32 to index
            %get3A_1101 = tpu.vector_load %arg4[%get3A_1099, %get3A_1100] {strides = array<i32>} : memref<32x1024xf32, #tpu.memory_space<vmem>>, vector<1x16xf32>,
            %get3A_1102 = vector.shape_cast %get3A_1101 : vector<1x16xf32> to vector<16xf32>
            %gt3A_1103 = arith.cmpf ogt, %get3A_1102, %max3A_1011 : vector<16xf32>
            %max3A_1104 = arith.maximumf %max3A_1011, %get3A_1102 : vector<16xf32>
            %select_n3A_1105 = arith.select %gt3A_1103, %add3A_1015, %select_n3A_1012 : vector<16xi1>, vector<16xi32>
            %add3A_1106 = arith.constant 16 : i32
            %add3A_1107 = vector.broadcast %add3A_1106 : i32 to vector<16xi32>
            %add3A_1108 = arith.addi %add3A_1015, %add3A_1107 : vector<16xi32>
            scf.yield %max3A_1027, %max3A_1038, %max3A_1049, %max3A_1060, %max3A_1071, %max3A_1082, %max3A_1093, %max3A_1104, %select_n3A_1028, %select_n3A_1039, %select_n3A_1050, %select_n3A_1061, %select_n3A_1072, %select_n3A_1083, %select_n3A_1094, %select_n3A_1105, %add3A_1108 : vector<16xf32>, vector<16xf32>, vector<16xf32>, vector<16xf32>, vector<16xf32>, vector<16xf32>, vector<16xf32>, vector<16xf32>, vector<16xi32>, vector<16xi32>, vector<16xi32>, vector<16xi32>, vector<16xi32>, vector<16xi32>, vector<16xi32>, vector<16xi32>, vector<16xi32>
          }
          %scan3A_97 = arith.constant 64 : i32
          %iota3A_98 = tpu.iota {dimensions = array<i32: 0>} : vector<16xi32>
          %xor3A = arith.constant 8 : i32
          %xor3A_99 = vector.broadcast %xor3A : i32 to vector<16xi32>
          %xor3A_100 = arith.xori %iota3A_98, %xor3A_99 : vector<16xi32>
          %broadcast_in_dim3A_101 = vector.shape_cast %xor3A_100 : vector<16xi32> to vector<16x1xi32>
          %gather3A = vector.shape_cast %broadcast_in_dim3A_101 : vector<16x1xi32> to vector<16xi32>
          %gather3A_102 = tpu.dynamic_gather %scan3A_96#0[%gather3A] in [0] : vector<16xf32>, vector<16xi32> -> vector<16xf32>
          %broadcast_in_dim3A_103 = vector.shape_cast %xor3A_100 : vector<16xi32> to vector<16x1xi32>
          %gather3A_104 = vector.shape_cast %broadcast_in_dim3A_103 : vector<16x1xi32> to vector<16xi32>
          %gather3A_105 = tpu.dynamic_gather %scan3A_96#8[%gather3A_104] in [0] : vector<16xi32>, vector<16xi32> -> vector<16xi32>
          %gt3A = arith.cmpf ogt, %gather3A_102, %scan3A_96#0 : vector<16xf32>
          %eq3A = arith.cmpf oeq, %gather3A_102, %scan3A_96#0 : vector<16xf32>
          %lt3A_106 = arith.cmpi slt, %gather3A_105, %scan3A_96#8 : vector<16xi32>
          %and3A = arith.andi %eq3A, %lt3A_106 : vector<16xi1>
          %or3A = arith.ori %gt3A, %and3A : vector<16xi1>
          %select_n3A = arith.select %or3A, %gather3A_102, %scan3A_96#0 : vector<16xi1>, vector<16xf32>
          %select_n3A_107 = arith.select %or3A, %gather3A_105, %scan3A_96#8 : vector<16xi1>, vector<16xi32>
          %xor3A_108 = arith.constant 4 : i32
          %xor3A_109 = vector.broadcast %xor3A_108 : i32 to vector<16xi32>
          %xor3A_110 = arith.xori %iota3A_98, %xor3A_109 : vector<16xi32>
          %broadcast_in_dim3A_111 = vector.shape_cast %xor3A_110 : vector<16xi32> to vector<16x1xi32>
          %gather3A_112 = vector.shape_cast %broadcast_in_dim3A_111 : vector<16x1xi32> to vector<16xi32>
          %gather3A_113 = tpu.dynamic_gather %select_n3A[%gather3A_112] in [0] : vector<16xf32>, vector<16xi32> -> vector<16xf32>
          %broadcast_in_dim3A_114 = vector.shape_cast %xor3A_110 : vector<16xi32> to vector<16x1xi32>
          %gather3A_115 = vector.shape_cast %broadcast_in_dim3A_114 : vector<16x1xi32> to vector<16xi32>
          %gather3A_116 = tpu.dynamic_gather %select_n3A_107[%gather3A_115] in [0] : vector<16xi32>, vector<16xi32> -> vector<16xi32>
          %gt3A_117 = arith.cmpf ogt, %gather3A_113, %select_n3A : vector<16xf32>
          %eq3A_118 = arith.cmpf oeq, %gather3A_113, %select_n3A : vector<16xf32>
          %lt3A_119 = arith.cmpi slt, %gather3A_116, %select_n3A_107 : vector<16xi32>
          %and3A_120 = arith.andi %eq3A_118, %lt3A_119 : vector<16xi1>
          %or3A_121 = arith.ori %gt3A_117, %and3A_120 : vector<16xi1>
          %select_n3A_122 = arith.select %or3A_121, %gather3A_113, %select_n3A : vector<16xi1>, vector<16xf32>
          %select_n3A_123 = arith.select %or3A_121, %gather3A_116, %select_n3A_107 : vector<16xi1>, vector<16xi32>
          %xor3A_124 = arith.constant 2 : i32
          %xor3A_125 = vector.broadcast %xor3A_124 : i32 to vector<16xi32>
          %xor3A_126 = arith.xori %iota3A_98, %xor3A_125 : vector<16xi32>
          %broadcast_in_dim3A_127 = vector.shape_cast %xor3A_126 : vector<16xi32> to vector<16x1xi32>
          %gather3A_128 = vector.shape_cast %broadcast_in_dim3A_127 : vector<16x1xi32> to vector<16xi32>
          %gather3A_129 = tpu.dynamic_gather %select_n3A_122[%gather3A_128] in [0] : vector<16xf32>, vector<16xi32> -> vector<16xf32>
          %broadcast_in_dim3A_130 = vector.shape_cast %xor3A_126 : vector<16xi32> to vector<16x1xi32>
          %gather3A_131 = vector.shape_cast %broadcast_in_dim3A_130 : vector<16x1xi32> to vector<16xi32>
          %gather3A_132 = tpu.dynamic_gather %select_n3A_123[%gather3A_131] in [0] : vector<16xi32>, vector<16xi32> -> vector<16xi32>
          %gt3A_133 = arith.cmpf ogt, %gather3A_129, %select_n3A_122 : vector<16xf32>
          %eq3A_134 = arith.cmpf oeq, %gather3A_129, %select_n3A_122 : vector<16xf32>
          %lt3A_135 = arith.cmpi slt, %gather3A_132, %select_n3A_123 : vector<16xi32>
          %and3A_136 = arith.andi %eq3A_134, %lt3A_135 : vector<16xi1>
          %or3A_137 = arith.ori %gt3A_133, %and3A_136 : vector<16xi1>
          %select_n3A_138 = arith.select %or3A_137, %gather3A_129, %select_n3A_122 : vector<16xi1>, vector<16xf32>
          %select_n3A_139 = arith.select %or3A_137, %gather3A_132, %select_n3A_123 : vector<16xi1>, vector<16xi32>
          %xor3A_140 = arith.constant 1 : i32
          %xor3A_141 = vector.broadcast %xor3A_140 : i32 to vector<16xi32>
          %xor3A_142 = arith.xori %iota3A_98, %xor3A_141 : vector<16xi32>
          %broadcast_in_dim3A_143 = vector.shape_cast %xor3A_142 : vector<16xi32> to vector<16x1xi32>
          %gather3A_144 = vector.shape_cast %broadcast_in_dim3A_143 : vector<16x1xi32> to vector<16xi32>
          %gather3A_145 = tpu.dynamic_gather %select_n3A_138[%gather3A_144] in [0] : vector<16xf32>, vector<16xi32> -> vector<16xf32>
          %broadcast_in_dim3A_146 = vector.shape_cast %xor3A_142 : vector<16xi32> to vector<16x1xi32>
          %gather3A_147 = vector.shape_cast %broadcast_in_dim3A_146 : vector<16x1xi32> to vector<16xi32>
          %gather3A_148 = tpu.dynamic_gather %select_n3A_139[%gather3A_147] in [0] : vector<16xi32>, vector<16xi32> -> vector<16xi32>
          %gt3A_149 = arith.cmpf ogt, %gather3A_145, %select_n3A_138 : vector<16xf32>
          %eq3A_150 = arith.cmpf oeq, %gather3A_145, %select_n3A_138 : vector<16xf32>
          %lt3A_151 = arith.cmpi slt, %gather3A_148, %select_n3A_139 : vector<16xi32>
          %and3A_152 = arith.andi %eq3A_150, %lt3A_151 : vector<16xi1>
          %or3A_153 = arith.ori %gt3A_149, %and3A_152 : vector<16xi1>
          %select_n3A_154 = arith.select %or3A_153, %gather3A_145, %select_n3A_138 : vector<16xi1>, vector<16xf32>
          %select_n3A_155 = arith.select %or3A_153, %gather3A_148, %select_n3A_139 : vector<16xi1>, vector<16xi32>
          %convert_element_type3A_156 = arith.sitofp %select_n3A_155 : vector<16xi32> to vector<16xf32>
          %mul3A_157 = arith.constant 0.0234604105 : f32
          %mul3A_158 = vector.broadcast %mul3A_157 : f32 to vector<16xf32>
          %mul3A_159 = arith.mulf %convert_element_type3A_156, %mul3A_158 : vector<16xf32>
          %add3A_160 = arith.constant 6.000000e+00 : f32
          %add3A_161 = vector.broadcast %add3A_160 : f32 to vector<16xf32>
          %add3A_162 = arith.addf %mul3A_159, %add3A_161 : vector<16xf32>
          %mul3A_163 = arith.constant 8 : i32
          %mul3A_164 = arith.muli %scan3A_82, %mul3A_163 : i32
          %add3A_165 = arith.constant 0 : i32
          %add3A_166 = arith.addi %mul3A_164, %add3A_165 : i32
          %eq3A_167 = vector.broadcast %add3A_166 : i32 to vector<16xi32>
          %eq3A_168 = arith.cmpi eq, %iota3A, %eq3A_167 : vector<16xi32>
          %select_n3A_169 = arith.select %eq3A_168, %add3A_162, %scan3A_83 : vector<16xi1>, vector<16xf32>
          %iota3A_170 = tpu.iota {dimensions = array<i32: 0>} : vector<16xi32>
          %xor3A_171 = arith.constant 8 : i32
          %xor3A_172 = vector.broadcast %xor3A_171 : i32 to vector<16xi32>
          %xor3A_173 = arith.xori %iota3A_170, %xor3A_172 : vector<16xi32>
          %broadcast_in_dim3A_174 = vector.shape_cast %xor3A_173 : vector<16xi32> to vector<16x1xi32>
          %gather3A_175 = vector.shape_cast %broadcast_in_dim3A_174 : vector<16x1xi32> to vector<16xi32>
          %gather3A_176 = tpu.dynamic_gather %scan3A_96#1[%gather3A_175] in [0] : vector<16xf32>, vector<16xi32> -> vector<16xf32>
          %broadcast_in_dim3A_177 = vector.shape_cast %xor3A_173 : vector<16xi32> to vector<16x1xi32>
          %gather3A_178 = vector.shape_cast %broadcast_in_dim3A_177 : vector<16x1xi32> to vector<16xi32>
          %gather3A_179 = tpu.dynamic_gather %scan3A_96#9[%gather3A_178] in [0] : vector<16xi32>, vector<16xi32> -> vector<16xi32>
          %gt3A_180 = arith.cmpf ogt, %gather3A_176, %scan3A_96#1 : vector<16xf32>
          %eq3A_181 = arith.cmpf oeq, %gather3A_176, %scan3A_96#1 : vector<16xf32>
          %lt3A_182 = arith.cmpi slt, %gather3A_179, %scan3A_96#9 : vector<16xi32>
          %and3A_183 = arith.andi %eq3A_181, %lt3A_182 : vector<16xi1>
          %or3A_184 = arith.ori %gt3A_180, %and3A_183 : vector<16xi1>
          %select_n3A_185 = arith.select %or3A_184, %gather3A_176, %scan3A_96#1 : vector<16xi1>, vector<16xf32>
          %select_n3A_186 = arith.select %or3A_184, %gather3A_179, %scan3A_96#9 : vector<16xi1>, vector<16xi32>
          %xor3A_187 = arith.constant 4 : i32
          %xor3A_188 = vector.broadcast %xor3A_187 : i32 to vector<16xi32>
          %xor3A_189 = arith.xori %iota3A_170, %xor3A_188 : vector<16xi32>
          %broadcast_in_dim3A_190 = vector.shape_cast %xor3A_189 : vector<16xi32> to vector<16x1xi32>
          %gather3A_191 = vector.shape_cast %broadcast_in_dim3A_190 : vector<16x1xi32> to vector<16xi32>
          %gather3A_192 = tpu.dynamic_gather %select_n3A_185[%gather3A_191] in [0] : vector<16xf32>, vector<16xi32> -> vector<16xf32>
          %broadcast_in_dim3A_193 = vector.shape_cast %xor3A_189 : vector<16xi32> to vector<16x1xi32>
          %gather3A_194 = vector.shape_cast %broadcast_in_dim3A_193 : vector<16x1xi32> to vector<16xi32>
          %gather3A_195 = tpu.dynamic_gather %select_n3A_186[%gather3A_194] in [0] : vector<16xi32>, vector<16xi32> -> vector<16xi32>
          %gt3A_196 = arith.cmpf ogt, %gather3A_192, %select_n3A_185 : vector<16xf32>
          %eq3A_197 = arith.cmpf oeq, %gather3A_192, %select_n3A_185 : vector<16xf32>
          %lt3A_198 = arith.cmpi slt, %gather3A_195, %select_n3A_186 : vector<16xi32>
          %and3A_199 = arith.andi %eq3A_197, %lt3A_198 : vector<16xi1>
          %or3A_200 = arith.ori %gt3A_196, %and3A_199 : vector<16xi1>
          %select_n3A_201 = arith.select %or3A_200, %gather3A_192, %select_n3A_185 : vector<16xi1>, vector<16xf32>
          %select_n3A_202 = arith.select %or3A_200, %gather3A_195, %select_n3A_186 : vector<16xi1>, vector<16xi32>
          %xor3A_203 = arith.constant 2 : i32
          %xor3A_204 = vector.broadcast %xor3A_203 : i32 to vector<16xi32>
          %xor3A_205 = arith.xori %iota3A_170, %xor3A_204 : vector<16xi32>
          %broadcast_in_dim3A_206 = vector.shape_cast %xor3A_205 : vector<16xi32> to vector<16x1xi32>
          %gather3A_207 = vector.shape_cast %broadcast_in_dim3A_206 : vector<16x1xi32> to vector<16xi32>
          %gather3A_208 = tpu.dynamic_gather %select_n3A_201[%gather3A_207] in [0] : vector<16xf32>, vector<16xi32> -> vector<16xf32>
          %broadcast_in_dim3A_209 = vector.shape_cast %xor3A_205 : vector<16xi32> to vector<16x1xi32>
          %gather3A_210 = vector.shape_cast %broadcast_in_dim3A_209 : vector<16x1xi32> to vector<16xi32>
          %gather3A_211 = tpu.dynamic_gather %select_n3A_202[%gather3A_210] in [0] : vector<16xi32>, vector<16xi32> -> vector<16xi32>
          %gt3A_212 = arith.cmpf ogt, %gather3A_208, %select_n3A_201 : vector<16xf32>
          %eq3A_213 = arith.cmpf oeq, %gather3A_208, %select_n3A_201 : vector<16xf32>
          %lt3A_214 = arith.cmpi slt, %gather3A_211, %select_n3A_202 : vector<16xi32>
          %and3A_215 = arith.andi %eq3A_213, %lt3A_214 : vector<16xi1>
          %or3A_216 = arith.ori %gt3A_212, %and3A_215 : vector<16xi1>
          %select_n3A_217 = arith.select %or3A_216, %gather3A_208, %select_n3A_201 : vector<16xi1>, vector<16xf32>
          %select_n3A_218 = arith.select %or3A_216, %gather3A_211, %select_n3A_202 : vector<16xi1>, vector<16xi32>
          %xor3A_219 = arith.constant 1 : i32
          %xor3A_220 = vector.broadcast %xor3A_219 : i32 to vector<16xi32>
          %xor3A_221 = arith.xori %iota3A_170, %xor3A_220 : vector<16xi32>
          %broadcast_in_dim3A_222 = vector.shape_cast %xor3A_221 : vector<16xi32> to vector<16x1xi32>
          %gather3A_223 = vector.shape_cast %broadcast_in_dim3A_222 : vector<16x1xi32> to vector<16xi32>
          %gather3A_224 = tpu.dynamic_gather %select_n3A_217[%gather3A_223] in [0] : vector<16xf32>, vector<16xi32> -> vector<16xf32>
          %broadcast_in_dim3A_225 = vector.shape_cast %xor3A_221 : vector<16xi32> to vector<16x1xi32>
          %gather3A_226 = vector.shape_cast %broadcast_in_dim3A_225 : vector<16x1xi32> to vector<16xi32>
          %gather3A_227 = tpu.dynamic_gather %select_n3A_218[%gather3A_226] in [0] : vector<16xi32>, vector<16xi32> -> vector<16xi32>
          %gt3A_228 = arith.cmpf ogt, %gather3A_224, %select_n3A_217 : vector<16xf32>
          %eq3A_229 = arith.cmpf oeq, %gather3A_224, %select_n3A_217 : vector<16xf32>
          %lt3A_230 = arith.cmpi slt, %gather3A_227, %select_n3A_218 : vector<16xi32>
          %and3A_231 = arith.andi %eq3A_229, %lt3A_230 : vector<16xi1>
          %or3A_232 = arith.ori %gt3A_228, %and3A_231 : vector<16xi1>
          %select_n3A_233 = arith.select %or3A_232, %gather3A_224, %select_n3A_217 : vector<16xi1>, vector<16xf32>
          %select_n3A_234 = arith.select %or3A_232, %gather3A_227, %select_n3A_218 : vector<16xi1>, vector<16xi32>
          %convert_element_type3A_235 = arith.sitofp %select_n3A_234 : vector<16xi32> to vector<16xf32>
          %mul3A_236 = arith.constant 0.0234604105 : f32
          %mul3A_237 = vector.broadcast %mul3A_236 : f32 to vector<16xf32>
          %mul3A_238 = arith.mulf %convert_element_type3A_235, %mul3A_237 : vector<16xf32>
          %add3A_239 = arith.constant 6.000000e+00 : f32
          %add3A_240 = vector.broadcast %add3A_239 : f32 to vector<16xf32>
          %add3A_241 = arith.addf %mul3A_238, %add3A_240 : vector<16xf32>
          %mul3A_242 = arith.constant 8 : i32
          %mul3A_243 = arith.muli %scan3A_82, %mul3A_242 : i32
          %add3A_244 = arith.constant 1 : i32
          %add3A_245 = arith.addi %mul3A_243, %add3A_244 : i32
          %eq3A_246 = vector.broadcast %add3A_245 : i32 to vector<16xi32>
          %eq3A_247 = arith.cmpi eq, %iota3A, %eq3A_246 : vector<16xi32>
          %select_n3A_248 = arith.select %eq3A_247, %add3A_241, %select_n3A_169 : vector<16xi1>, vector<16xf32>
          %iota3A_249 = tpu.iota {dimensions = array<i32: 0>} : vector<16xi32>
          %xor3A_250 = arith.constant 8 : i32
          %xor3A_251 = vector.broadcast %xor3A_250 : i32 to vector<16xi32>
          %xor3A_252 = arith.xori %iota3A_249, %xor3A_251 : vector<16xi32>
          %broadcast_in_dim3A_253 = vector.shape_cast %xor3A_252 : vector<16xi32> to vector<16x1xi32>
          %gather3A_254 = vector.shape_cast %broadcast_in_dim3A_253 : vector<16x1xi32> to vector<16xi32>
          %gather3A_255 = tpu.dynamic_gather %scan3A_96#2[%gather3A_254] in [0] : vector<16xf32>, vector<16xi32> -> vector<16xf32>
          %broadcast_in_dim3A_256 = vector.shape_cast %xor3A_252 : vector<16xi32> to vector<16x1xi32>
          %gather3A_257 = vector.shape_cast %broadcast_in_dim3A_256 : vector<16x1xi32> to vector<16xi32>
          %gather3A_258 = tpu.dynamic_gather %scan3A_96#10[%gather3A_257] in [0] : vector<16xi32>, vector<16xi32> -> vector<16xi32>
          %gt3A_259 = arith.cmpf ogt, %gather3A_255, %scan3A_96#2 : vector<16xf32>
          %eq3A_260 = arith.cmpf oeq, %gather3A_255, %scan3A_96#2 : vector<16xf32>
          %lt3A_261 = arith.cmpi slt, %gather3A_258, %scan3A_96#10 : vector<16xi32>
          %and3A_262 = arith.andi %eq3A_260, %lt3A_261 : vector<16xi1>
          %or3A_263 = arith.ori %gt3A_259, %and3A_262 : vector<16xi1>
          %select_n3A_264 = arith.select %or3A_263, %gather3A_255, %scan3A_96#2 : vector<16xi1>, vector<16xf32>
          %select_n3A_265 = arith.select %or3A_263, %gather3A_258, %scan3A_96#10 : vector<16xi1>, vector<16xi32>
          %xor3A_266 = arith.constant 4 : i32
          %xor3A_267 = vector.broadcast %xor3A_266 : i32 to vector<16xi32>
          %xor3A_268 = arith.xori %iota3A_249, %xor3A_267 : vector<16xi32>
          %broadcast_in_dim3A_269 = vector.shape_cast %xor3A_268 : vector<16xi32> to vector<16x1xi32>
          %gather3A_270 = vector.shape_cast %broadcast_in_dim3A_269 : vector<16x1xi32> to vector<16xi32>
          %gather3A_271 = tpu.dynamic_gather %select_n3A_264[%gather3A_270] in [0] : vector<16xf32>, vector<16xi32> -> vector<16xf32>
          %broadcast_in_dim3A_272 = vector.shape_cast %xor3A_268 : vector<16xi32> to vector<16x1xi32>
          %gather3A_273 = vector.shape_cast %broadcast_in_dim3A_272 : vector<16x1xi32> to vector<16xi32>
          %gather3A_274 = tpu.dynamic_gather %select_n3A_265[%gather3A_273] in [0] : vector<16xi32>, vector<16xi32> -> vector<16xi32>
          %gt3A_275 = arith.cmpf ogt, %gather3A_271, %select_n3A_264 : vector<16xf32>
          %eq3A_276 = arith.cmpf oeq, %gather3A_271, %select_n3A_264 : vector<16xf32>
          %lt3A_277 = arith.cmpi slt, %gather3A_274, %select_n3A_265 : vector<16xi32>
          %and3A_278 = arith.andi %eq3A_276, %lt3A_277 : vector<16xi1>
          %or3A_279 = arith.ori %gt3A_275, %and3A_278 : vector<16xi1>
          %select_n3A_280 = arith.select %or3A_279, %gather3A_271, %select_n3A_264 : vector<16xi1>, vector<16xf32>
          %select_n3A_281 = arith.select %or3A_279, %gather3A_274, %select_n3A_265 : vector<16xi1>, vector<16xi32>
          %xor3A_282 = arith.constant 2 : i32
          %xor3A_283 = vector.broadcast %xor3A_282 : i32 to vector<16xi32>
          %xor3A_284 = arith.xori %iota3A_249, %xor3A_283 : vector<16xi32>
          %broadcast_in_dim3A_285 = vector.shape_cast %xor3A_284 : vector<16xi32> to vector<16x1xi32>
          %gather3A_286 = vector.shape_cast %broadcast_in_dim3A_285 : vector<16x1xi32> to vector<16xi32>
          %gather3A_287 = tpu.dynamic_gather %select_n3A_280[%gather3A_286] in [0] : vector<16xf32>, vector<16xi32> -> vector<16xf32>
          %broadcast_in_dim3A_288 = vector.shape_cast %xor3A_284 : vector<16xi32> to vector<16x1xi32>
          %gather3A_289 = vector.shape_cast %broadcast_in_dim3A_288 : vector<16x1xi32> to vector<16xi32>
          %gather3A_290 = tpu.dynamic_gather %select_n3A_281[%gather3A_289] in [0] : vector<16xi32>, vector<16xi32> -> vector<16xi32>
          %gt3A_291 = arith.cmpf ogt, %gather3A_287, %select_n3A_280 : vector<16xf32>
          %eq3A_292 = arith.cmpf oeq, %gather3A_287, %select_n3A_280 : vector<16xf32>
          %lt3A_293 = arith.cmpi slt, %gather3A_290, %select_n3A_281 : vector<16xi32>
          %and3A_294 = arith.andi %eq3A_292, %lt3A_293 : vector<16xi1>
          %or3A_295 = arith.ori %gt3A_291, %and3A_294 : vector<16xi1>
          %select_n3A_296 = arith.select %or3A_295, %gather3A_287, %select_n3A_280 : vector<16xi1>, vector<16xf32>
          %select_n3A_297 = arith.select %or3A_295, %gather3A_290, %select_n3A_281 : vector<16xi1>, vector<16xi32>
          %xor3A_298 = arith.constant 1 : i32
          %xor3A_299 = vector.broadcast %xor3A_298 : i32 to vector<16xi32>
          %xor3A_300 = arith.xori %iota3A_249, %xor3A_299 : vector<16xi32>
          %broadcast_in_dim3A_301 = vector.shape_cast %xor3A_300 : vector<16xi32> to vector<16x1xi32>
          %gather3A_302 = vector.shape_cast %broadcast_in_dim3A_301 : vector<16x1xi32> to vector<16xi32>
          %gather3A_303 = tpu.dynamic_gather %select_n3A_296[%gather3A_302] in [0] : vector<16xf32>, vector<16xi32> -> vector<16xf32>
          %broadcast_in_dim3A_304 = vector.shape_cast %xor3A_300 : vector<16xi32> to vector<16x1xi32>
          %gather3A_305 = vector.shape_cast %broadcast_in_dim3A_304 : vector<16x1xi32> to vector<16xi32>
          %gather3A_306 = tpu.dynamic_gather %select_n3A_297[%gather3A_305] in [0] : vector<16xi32>, vector<16xi32> -> vector<16xi32>
          %gt3A_307 = arith.cmpf ogt, %gather3A_303, %select_n3A_296 : vector<16xf32>
          %eq3A_308 = arith.cmpf oeq, %gather3A_303, %select_n3A_296 : vector<16xf32>
          %lt3A_309 = arith.cmpi slt, %gather3A_306, %select_n3A_297 : vector<16xi32>
          %and3A_310 = arith.andi %eq3A_308, %lt3A_309 : vector<16xi1>
          %or3A_311 = arith.ori %gt3A_307, %and3A_310 : vector<16xi1>
          %select_n3A_312 = arith.select %or3A_311, %gather3A_303, %select_n3A_296 : vector<16xi1>, vector<16xf32>
          %select_n3A_313 = arith.select %or3A_311, %gather3A_306, %select_n3A_297 : vector<16xi1>, vector<16xi32>
          %convert_element_type3A_314 = arith.sitofp %select_n3A_313 : vector<16xi32> to vector<16xf32>
          %mul3A_315 = arith.constant 0.0234604105 : f32
          %mul3A_316 = vector.broadcast %mul3A_315 : f32 to vector<16xf32>
          %mul3A_317 = arith.mulf %convert_element_type3A_314, %mul3A_316 : vector<16xf32>
          %add3A_318 = arith.constant 6.000000e+00 : f32
          %add3A_319 = vector.broadcast %add3A_318 : f32 to vector<16xf32>
          %add3A_320 = arith.addf %mul3A_317, %add3A_319 : vector<16xf32>
          %mul3A_321 = arith.constant 8 : i32
          %mul3A_322 = arith.muli %scan3A_82, %mul3A_321 : i32
          %add3A_323 = arith.constant 2 : i32
          %add3A_324 = arith.addi %mul3A_322, %add3A_323 : i32
          %eq3A_325 = vector.broadcast %add3A_324 : i32 to vector<16xi32>
          %eq3A_326 = arith.cmpi eq, %iota3A, %eq3A_325 : vector<16xi32>
          %select_n3A_327 = arith.select %eq3A_326, %add3A_320, %select_n3A_248 : vector<16xi1>, vector<16xf32>
          %iota3A_328 = tpu.iota {dimensions = array<i32: 0>} : vector<16xi32>
          %xor3A_329 = arith.constant 8 : i32
          %xor3A_330 = vector.broadcast %xor3A_329 : i32 to vector<16xi32>
          %xor3A_331 = arith.xori %iota3A_328, %xor3A_330 : vector<16xi32>
          %broadcast_in_dim3A_332 = vector.shape_cast %xor3A_331 : vector<16xi32> to vector<16x1xi32>
          %gather3A_333 = vector.shape_cast %broadcast_in_dim3A_332 : vector<16x1xi32> to vector<16xi32>
          %gather3A_334 = tpu.dynamic_gather %scan3A_96#3[%gather3A_333] in [0] : vector<16xf32>, vector<16xi32> -> vector<16xf32>
          %broadcast_in_dim3A_335 = vector.shape_cast %xor3A_331 : vector<16xi32> to vector<16x1xi32>
          %gather3A_336 = vector.shape_cast %broadcast_in_dim3A_335 : vector<16x1xi32> to vector<16xi32>
          %gather3A_337 = tpu.dynamic_gather %scan3A_96#11[%gather3A_336] in [0] : vector<16xi32>, vector<16xi32> -> vector<16xi32>
          %gt3A_338 = arith.cmpf ogt, %gather3A_334, %scan3A_96#3 : vector<16xf32>
          %eq3A_339 = arith.cmpf oeq, %gather3A_334, %scan3A_96#3 : vector<16xf32>
          %lt3A_340 = arith.cmpi slt, %gather3A_337, %scan3A_96#11 : vector<16xi32>
          %and3A_341 = arith.andi %eq3A_339, %lt3A_340 : vector<16xi1>
          %or3A_342 = arith.ori %gt3A_338, %and3A_341 : vector<16xi1>
          %select_n3A_343 = arith.select %or3A_342, %gather3A_334, %scan3A_96#3 : vector<16xi1>, vector<16xf32>
          %select_n3A_344 = arith.select %or3A_342, %gather3A_337, %scan3A_96#11 : vector<16xi1>, vector<16xi32>
          %xor3A_345 = arith.constant 4 : i32
          %xor3A_346 = vector.broadcast %xor3A_345 : i32 to vector<16xi32>
          %xor3A_347 = arith.xori %iota3A_328, %xor3A_346 : vector<16xi32>
          %broadcast_in_dim3A_348 = vector.shape_cast %xor3A_347 : vector<16xi32> to vector<16x1xi32>
          %gather3A_349 = vector.shape_cast %broadcast_in_dim3A_348 : vector<16x1xi32> to vector<16xi32>
          %gather3A_350 = tpu.dynamic_gather %select_n3A_343[%gather3A_349] in [0] : vector<16xf32>, vector<16xi32> -> vector<16xf32>
          %broadcast_in_dim3A_351 = vector.shape_cast %xor3A_347 : vector<16xi32> to vector<16x1xi32>
          %gather3A_352 = vector.shape_cast %broadcast_in_dim3A_351 : vector<16x1xi32> to vector<16xi32>
          %gather3A_353 = tpu.dynamic_gather %select_n3A_344[%gather3A_352] in [0] : vector<16xi32>, vector<16xi32> -> vector<16xi32>
          %gt3A_354 = arith.cmpf ogt, %gather3A_350, %select_n3A_343 : vector<16xf32>
          %eq3A_355 = arith.cmpf oeq, %gather3A_350, %select_n3A_343 : vector<16xf32>
          %lt3A_356 = arith.cmpi slt, %gather3A_353, %select_n3A_344 : vector<16xi32>
          %and3A_357 = arith.andi %eq3A_355, %lt3A_356 : vector<16xi1>
          %or3A_358 = arith.ori %gt3A_354, %and3A_357 : vector<16xi1>
          %select_n3A_359 = arith.select %or3A_358, %gather3A_350, %select_n3A_343 : vector<16xi1>, vector<16xf32>
          %select_n3A_360 = arith.select %or3A_358, %gather3A_353, %select_n3A_344 : vector<16xi1>, vector<16xi32>
          %xor3A_361 = arith.constant 2 : i32
          %xor3A_362 = vector.broadcast %xor3A_361 : i32 to vector<16xi32>
          %xor3A_363 = arith.xori %iota3A_328, %xor3A_362 : vector<16xi32>
          %broadcast_in_dim3A_364 = vector.shape_cast %xor3A_363 : vector<16xi32> to vector<16x1xi32>
          %gather3A_365 = vector.shape_cast %broadcast_in_dim3A_364 : vector<16x1xi32> to vector<16xi32>
          %gather3A_366 = tpu.dynamic_gather %select_n3A_359[%gather3A_365] in [0] : vector<16xf32>, vector<16xi32> -> vector<16xf32>
          %broadcast_in_dim3A_367 = vector.shape_cast %xor3A_363 : vector<16xi32> to vector<16x1xi32>
          %gather3A_368 = vector.shape_cast %broadcast_in_dim3A_367 : vector<16x1xi32> to vector<16xi32>
          %gather3A_369 = tpu.dynamic_gather %select_n3A_360[%gather3A_368] in [0] : vector<16xi32>, vector<16xi32> -> vector<16xi32>
          %gt3A_370 = arith.cmpf ogt, %gather3A_366, %select_n3A_359 : vector<16xf32>
          %eq3A_371 = arith.cmpf oeq, %gather3A_366, %select_n3A_359 : vector<16xf32>
          %lt3A_372 = arith.cmpi slt, %gather3A_369, %select_n3A_360 : vector<16xi32>
          %and3A_373 = arith.andi %eq3A_371, %lt3A_372 : vector<16xi1>
          %or3A_374 = arith.ori %gt3A_370, %and3A_373 : vector<16xi1>
          %select_n3A_375 = arith.select %or3A_374, %gather3A_366, %select_n3A_359 : vector<16xi1>, vector<16xf32>
          %select_n3A_376 = arith.select %or3A_374, %gather3A_369, %select_n3A_360 : vector<16xi1>, vector<16xi32>
          %xor3A_377 = arith.constant 1 : i32
          %xor3A_378 = vector.broadcast %xor3A_377 : i32 to vector<16xi32>
          %xor3A_379 = arith.xori %iota3A_328, %xor3A_378 : vector<16xi32>
          %broadcast_in_dim3A_380 = vector.shape_cast %xor3A_379 : vector<16xi32> to vector<16x1xi32>
          %gather3A_381 = vector.shape_cast %broadcast_in_dim3A_380 : vector<16x1xi32> to vector<16xi32>
          %gather3A_382 = tpu.dynamic_gather %select_n3A_375[%gather3A_381] in [0] : vector<16xf32>, vector<16xi32> -> vector<16xf32>
          %broadcast_in_dim3A_383 = vector.shape_cast %xor3A_379 : vector<16xi32> to vector<16x1xi32>
          %gather3A_384 = vector.shape_cast %broadcast_in_dim3A_383 : vector<16x1xi32> to vector<16xi32>
          %gather3A_385 = tpu.dynamic_gather %select_n3A_376[%gather3A_384] in [0] : vector<16xi32>, vector<16xi32> -> vector<16xi32>
          %gt3A_386 = arith.cmpf ogt, %gather3A_382, %select_n3A_375 : vector<16xf32>
          %eq3A_387 = arith.cmpf oeq, %gather3A_382, %select_n3A_375 : vector<16xf32>
          %lt3A_388 = arith.cmpi slt, %gather3A_385, %select_n3A_376 : vector<16xi32>
          %and3A_389 = arith.andi %eq3A_387, %lt3A_388 : vector<16xi1>
          %or3A_390 = arith.ori %gt3A_386, %and3A_389 : vector<16xi1>
          %select_n3A_391 = arith.select %or3A_390, %gather3A_382, %select_n3A_375 : vector<16xi1>, vector<16xf32>
          %select_n3A_392 = arith.select %or3A_390, %gather3A_385, %select_n3A_376 : vector<16xi1>, vector<16xi32>
          %convert_element_type3A_393 = arith.sitofp %select_n3A_392 : vector<16xi32> to vector<16xf32>
          %mul3A_394 = arith.constant 0.0234604105 : f32
          %mul3A_395 = vector.broadcast %mul3A_394 : f32 to vector<16xf32>
          %mul3A_396 = arith.mulf %convert_element_type3A_393, %mul3A_395 : vector<16xf32>
          %add3A_397 = arith.constant 6.000000e+00 : f32
          %add3A_398 = vector.broadcast %add3A_397 : f32 to vector<16xf32>
          %add3A_399 = arith.addf %mul3A_396, %add3A_398 : vector<16xf32>
          %mul3A_400 = arith.constant 8 : i32
          %mul3A_401 = arith.muli %scan3A_82, %mul3A_400 : i32
          %add3A_402 = arith.constant 3 : i32
          %add3A_403 = arith.addi %mul3A_401, %add3A_402 : i32
          %eq3A_404 = vector.broadcast %add3A_403 : i32 to vector<16xi32>
          %eq3A_405 = arith.cmpi eq, %iota3A, %eq3A_404 : vector<16xi32>
          %select_n3A_406 = arith.select %eq3A_405, %add3A_399, %select_n3A_327 : vector<16xi1>, vector<16xf32>
          %iota3A_407 = tpu.iota {dimensions = array<i32: 0>} : vector<16xi32>
          %xor3A_408 = arith.constant 8 : i32
          %xor3A_409 = vector.broadcast %xor3A_408 : i32 to vector<16xi32>
          %xor3A_410 = arith.xori %iota3A_407, %xor3A_409 : vector<16xi32>
          %broadcast_in_dim3A_411 = vector.shape_cast %xor3A_410 : vector<16xi32> to vector<16x1xi32>
          %gather3A_412 = vector.shape_cast %broadcast_in_dim3A_411 : vector<16x1xi32> to vector<16xi32>
          %gather3A_413 = tpu.dynamic_gather %scan3A_96#4[%gather3A_412] in [0] : vector<16xf32>, vector<16xi32> -> vector<16xf32>
          %broadcast_in_dim3A_414 = vector.shape_cast %xor3A_410 : vector<16xi32> to vector<16x1xi32>
          %gather3A_415 = vector.shape_cast %broadcast_in_dim3A_414 : vector<16x1xi32> to vector<16xi32>
          %gather3A_416 = tpu.dynamic_gather %scan3A_96#12[%gather3A_415] in [0] : vector<16xi32>, vector<16xi32> -> vector<16xi32>
          %gt3A_417 = arith.cmpf ogt, %gather3A_413, %scan3A_96#4 : vector<16xf32>
          %eq3A_418 = arith.cmpf oeq, %gather3A_413, %scan3A_96#4 : vector<16xf32>
          %lt3A_419 = arith.cmpi slt, %gather3A_416, %scan3A_96#12 : vector<16xi32>
          %and3A_420 = arith.andi %eq3A_418, %lt3A_419 : vector<16xi1>
          %or3A_421 = arith.ori %gt3A_417, %and3A_420 : vector<16xi1>
          %select_n3A_422 = arith.select %or3A_421, %gather3A_413, %scan3A_96#4 : vector<16xi1>, vector<16xf32>
          %select_n3A_423 = arith.select %or3A_421, %gather3A_416, %scan3A_96#12 : vector<16xi1>, vector<16xi32>
          %xor3A_424 = arith.constant 4 : i32
          %xor3A_425 = vector.broadcast %xor3A_424 : i32 to vector<16xi32>
          %xor3A_426 = arith.xori %iota3A_407, %xor3A_425 : vector<16xi32>
          %broadcast_in_dim3A_427 = vector.shape_cast %xor3A_426 : vector<16xi32> to vector<16x1xi32>
          %gather3A_428 = vector.shape_cast %broadcast_in_dim3A_427 : vector<16x1xi32> to vector<16xi32>
          %gather3A_429 = tpu.dynamic_gather %select_n3A_422[%gather3A_428] in [0] : vector<16xf32>, vector<16xi32> -> vector<16xf32>
          %broadcast_in_dim3A_430 = vector.shape_cast %xor3A_426 : vector<16xi32> to vector<16x1xi32>
          %gather3A_431 = vector.shape_cast %broadcast_in_dim3A_430 : vector<16x1xi32> to vector<16xi32>
          %gather3A_432 = tpu.dynamic_gather %select_n3A_423[%gather3A_431] in [0] : vector<16xi32>, vector<16xi32> -> vector<16xi32>
          %gt3A_433 = arith.cmpf ogt, %gather3A_429, %select_n3A_422 : vector<16xf32>
          %eq3A_434 = arith.cmpf oeq, %gather3A_429, %select_n3A_422 : vector<16xf32>
          %lt3A_435 = arith.cmpi slt, %gather3A_432, %select_n3A_423 : vector<16xi32>
          %and3A_436 = arith.andi %eq3A_434, %lt3A_435 : vector<16xi1>
          %or3A_437 = arith.ori %gt3A_433, %and3A_436 : vector<16xi1>
          %select_n3A_438 = arith.select %or3A_437, %gather3A_429, %select_n3A_422 : vector<16xi1>, vector<16xf32>
          %select_n3A_439 = arith.select %or3A_437, %gather3A_432, %select_n3A_423 : vector<16xi1>, vector<16xi32>
          %xor3A_440 = arith.constant 2 : i32
          %xor3A_441 = vector.broadcast %xor3A_440 : i32 to vector<16xi32>
          %xor3A_442 = arith.xori %iota3A_407, %xor3A_441 : vector<16xi32>
          %broadcast_in_dim3A_443 = vector.shape_cast %xor3A_442 : vector<16xi32> to vector<16x1xi32>
          %gather3A_444 = vector.shape_cast %broadcast_in_dim3A_443 : vector<16x1xi32> to vector<16xi32>
          %gather3A_445 = tpu.dynamic_gather %select_n3A_438[%gather3A_444] in [0] : vector<16xf32>, vector<16xi32> -> vector<16xf32>
          %broadcast_in_dim3A_446 = vector.shape_cast %xor3A_442 : vector<16xi32> to vector<16x1xi32>
          %gather3A_447 = vector.shape_cast %broadcast_in_dim3A_446 : vector<16x1xi32> to vector<16xi32>
          %gather3A_448 = tpu.dynamic_gather %select_n3A_439[%gather3A_447] in [0] : vector<16xi32>, vector<16xi32> -> vector<16xi32>
          %gt3A_449 = arith.cmpf ogt, %gather3A_445, %select_n3A_438 : vector<16xf32>
          %eq3A_450 = arith.cmpf oeq, %gather3A_445, %select_n3A_438 : vector<16xf32>
          %lt3A_451 = arith.cmpi slt, %gather3A_448, %select_n3A_439 : vector<16xi32>
          %and3A_452 = arith.andi %eq3A_450, %lt3A_451 : vector<16xi1>
          %or3A_453 = arith.ori %gt3A_449, %and3A_452 : vector<16xi1>
          %select_n3A_454 = arith.select %or3A_453, %gather3A_445, %select_n3A_438 : vector<16xi1>, vector<16xf32>
          %select_n3A_455 = arith.select %or3A_453, %gather3A_448, %select_n3A_439 : vector<16xi1>, vector<16xi32>
          %xor3A_456 = arith.constant 1 : i32
          %xor3A_457 = vector.broadcast %xor3A_456 : i32 to vector<16xi32>
          %xor3A_458 = arith.xori %iota3A_407, %xor3A_457 : vector<16xi32>
          %broadcast_in_dim3A_459 = vector.shape_cast %xor3A_458 : vector<16xi32> to vector<16x1xi32>
          %gather3A_460 = vector.shape_cast %broadcast_in_dim3A_459 : vector<16x1xi32> to vector<16xi32>
          %gather3A_461 = tpu.dynamic_gather %select_n3A_454[%gather3A_460] in [0] : vector<16xf32>, vector<16xi32> -> vector<16xf32>
          %broadcast_in_dim3A_462 = vector.shape_cast %xor3A_458 : vector<16xi32> to vector<16x1xi32>
          %gather3A_463 = vector.shape_cast %broadcast_in_dim3A_462 : vector<16x1xi32> to vector<16xi32>
          %gather3A_464 = tpu.dynamic_gather %select_n3A_455[%gather3A_463] in [0] : vector<16xi32>, vector<16xi32> -> vector<16xi32>
          %gt3A_465 = arith.cmpf ogt, %gather3A_461, %select_n3A_454 : vector<16xf32>
          %eq3A_466 = arith.cmpf oeq, %gather3A_461, %select_n3A_454 : vector<16xf32>
          %lt3A_467 = arith.cmpi slt, %gather3A_464, %select_n3A_455 : vector<16xi32>
          %and3A_468 = arith.andi %eq3A_466, %lt3A_467 : vector<16xi1>
          %or3A_469 = arith.ori %gt3A_465, %and3A_468 : vector<16xi1>
          %select_n3A_470 = arith.select %or3A_469, %gather3A_461, %select_n3A_454 : vector<16xi1>, vector<16xf32>
          %select_n3A_471 = arith.select %or3A_469, %gather3A_464, %select_n3A_455 : vector<16xi1>, vector<16xi32>
          %convert_element_type3A_472 = arith.sitofp %select_n3A_471 : vector<16xi32> to vector<16xf32>
          %mul3A_473 = arith.constant 0.0234604105 : f32
          %mul3A_474 = vector.broadcast %mul3A_473 : f32 to vector<16xf32>
          %mul3A_475 = arith.mulf %convert_element_type3A_472, %mul3A_474 : vector<16xf32>
          %add3A_476 = arith.constant 6.000000e+00 : f32
          %add3A_477 = vector.broadcast %add3A_476 : f32 to vector<16xf32>
          %add3A_478 = arith.addf %mul3A_475, %add3A_477 : vector<16xf32>
          %mul3A_479 = arith.constant 8 : i32
          %mul3A_480 = arith.muli %scan3A_82, %mul3A_479 : i32
          %add3A_481 = arith.constant 4 : i32
          %add3A_482 = arith.addi %mul3A_480, %add3A_481 : i32
          %eq3A_483 = vector.broadcast %add3A_482 : i32 to vector<16xi32>
          %eq3A_484 = arith.cmpi eq, %iota3A, %eq3A_483 : vector<16xi32>
          %select_n3A_485 = arith.select %eq3A_484, %add3A_478, %select_n3A_406 : vector<16xi1>, vector<16xf32>
          %iota3A_486 = tpu.iota {dimensions = array<i32: 0>} : vector<16xi32>
          %xor3A_487 = arith.constant 8 : i32
          %xor3A_488 = vector.broadcast %xor3A_487 : i32 to vector<16xi32>
          %xor3A_489 = arith.xori %iota3A_486, %xor3A_488 : vector<16xi32>
          %broadcast_in_dim3A_490 = vector.shape_cast %xor3A_489 : vector<16xi32> to vector<16x1xi32>
          %gather3A_491 = vector.shape_cast %broadcast_in_dim3A_490 : vector<16x1xi32> to vector<16xi32>
          %gather3A_492 = tpu.dynamic_gather %scan3A_96#5[%gather3A_491] in [0] : vector<16xf32>, vector<16xi32> -> vector<16xf32>
          %broadcast_in_dim3A_493 = vector.shape_cast %xor3A_489 : vector<16xi32> to vector<16x1xi32>
          %gather3A_494 = vector.shape_cast %broadcast_in_dim3A_493 : vector<16x1xi32> to vector<16xi32>
          %gather3A_495 = tpu.dynamic_gather %scan3A_96#13[%gather3A_494] in [0] : vector<16xi32>, vector<16xi32> -> vector<16xi32>
          %gt3A_496 = arith.cmpf ogt, %gather3A_492, %scan3A_96#5 : vector<16xf32>
          %eq3A_497 = arith.cmpf oeq, %gather3A_492, %scan3A_96#5 : vector<16xf32>
          %lt3A_498 = arith.cmpi slt, %gather3A_495, %scan3A_96#13 : vector<16xi32>
          %and3A_499 = arith.andi %eq3A_497, %lt3A_498 : vector<16xi1>
          %or3A_500 = arith.ori %gt3A_496, %and3A_499 : vector<16xi1>
          %select_n3A_501 = arith.select %or3A_500, %gather3A_492, %scan3A_96#5 : vector<16xi1>, vector<16xf32>
          %select_n3A_502 = arith.select %or3A_500, %gather3A_495, %scan3A_96#13 : vector<16xi1>, vector<16xi32>
          %xor3A_503 = arith.constant 4 : i32
          %xor3A_504 = vector.broadcast %xor3A_503 : i32 to vector<16xi32>
          %xor3A_505 = arith.xori %iota3A_486, %xor3A_504 : vector<16xi32>
          %broadcast_in_dim3A_506 = vector.shape_cast %xor3A_505 : vector<16xi32> to vector<16x1xi32>
          %gather3A_507 = vector.shape_cast %broadcast_in_dim3A_506 : vector<16x1xi32> to vector<16xi32>
          %gather3A_508 = tpu.dynamic_gather %select_n3A_501[%gather3A_507] in [0] : vector<16xf32>, vector<16xi32> -> vector<16xf32>
          %broadcast_in_dim3A_509 = vector.shape_cast %xor3A_505 : vector<16xi32> to vector<16x1xi32>
          %gather3A_510 = vector.shape_cast %broadcast_in_dim3A_509 : vector<16x1xi32> to vector<16xi32>
          %gather3A_511 = tpu.dynamic_gather %select_n3A_502[%gather3A_510] in [0] : vector<16xi32>, vector<16xi32> -> vector<16xi32>
          %gt3A_512 = arith.cmpf ogt, %gather3A_508, %select_n3A_501 : vector<16xf32>
          %eq3A_513 = arith.cmpf oeq, %gather3A_508, %select_n3A_501 : vector<16xf32>
          %lt3A_514 = arith.cmpi slt, %gather3A_511, %select_n3A_502 : vector<16xi32>
          %and3A_515 = arith.andi %eq3A_513, %lt3A_514 : vector<16xi1>
          %or3A_516 = arith.ori %gt3A_512, %and3A_515 : vector<16xi1>
          %select_n3A_517 = arith.select %or3A_516, %gather3A_508, %select_n3A_501 : vector<16xi1>, vector<16xf32>
          %select_n3A_518 = arith.select %or3A_516, %gather3A_511, %select_n3A_502 : vector<16xi1>, vector<16xi32>
          %xor3A_519 = arith.constant 2 : i32
          %xor3A_520 = vector.broadcast %xor3A_519 : i32 to vector<16xi32>
          %xor3A_521 = arith.xori %iota3A_486, %xor3A_520 : vector<16xi32>
          %broadcast_in_dim3A_522 = vector.shape_cast %xor3A_521 : vector<16xi32> to vector<16x1xi32>
          %gather3A_523 = vector.shape_cast %broadcast_in_dim3A_522 : vector<16x1xi32> to vector<16xi32>
          %gather3A_524 = tpu.dynamic_gather %select_n3A_517[%gather3A_523] in [0] : vector<16xf32>, vector<16xi32> -> vector<16xf32>
          %broadcast_in_dim3A_525 = vector.shape_cast %xor3A_521 : vector<16xi32> to vector<16x1xi32>
          %gather3A_526 = vector.shape_cast %broadcast_in_dim3A_525 : vector<16x1xi32> to vector<16xi32>
          %gather3A_527 = tpu.dynamic_gather %select_n3A_518[%gather3A_526] in [0] : vector<16xi32>, vector<16xi32> -> vector<16xi32>
          %gt3A_528 = arith.cmpf ogt, %gather3A_524, %select_n3A_517 : vector<16xf32>
          %eq3A_529 = arith.cmpf oeq, %gather3A_524, %select_n3A_517 : vector<16xf32>
          %lt3A_530 = arith.cmpi slt, %gather3A_527, %select_n3A_518 : vector<16xi32>
          %and3A_531 = arith.andi %eq3A_529, %lt3A_530 : vector<16xi1>
          %or3A_532 = arith.ori %gt3A_528, %and3A_531 : vector<16xi1>
          %select_n3A_533 = arith.select %or3A_532, %gather3A_524, %select_n3A_517 : vector<16xi1>, vector<16xf32>
          %select_n3A_534 = arith.select %or3A_532, %gather3A_527, %select_n3A_518 : vector<16xi1>, vector<16xi32>
          %xor3A_535 = arith.constant 1 : i32
          %xor3A_536 = vector.broadcast %xor3A_535 : i32 to vector<16xi32>
          %xor3A_537 = arith.xori %iota3A_486, %xor3A_536 : vector<16xi32>
          %broadcast_in_dim3A_538 = vector.shape_cast %xor3A_537 : vector<16xi32> to vector<16x1xi32>
          %gather3A_539 = vector.shape_cast %broadcast_in_dim3A_538 : vector<16x1xi32> to vector<16xi32>
          %gather3A_540 = tpu.dynamic_gather %select_n3A_533[%gather3A_539] in [0] : vector<16xf32>, vector<16xi32> -> vector<16xf32>
          %broadcast_in_dim3A_541 = vector.shape_cast %xor3A_537 : vector<16xi32> to vector<16x1xi32>
          %gather3A_542 = vector.shape_cast %broadcast_in_dim3A_541 : vector<16x1xi32> to vector<16xi32>
          %gather3A_543 = tpu.dynamic_gather %select_n3A_534[%gather3A_542] in [0] : vector<16xi32>, vector<16xi32> -> vector<16xi32>
          %gt3A_544 = arith.cmpf ogt, %gather3A_540, %select_n3A_533 : vector<16xf32>
          %eq3A_545 = arith.cmpf oeq, %gather3A_540, %select_n3A_533 : vector<16xf32>
          %lt3A_546 = arith.cmpi slt, %gather3A_543, %select_n3A_534 : vector<16xi32>
          %and3A_547 = arith.andi %eq3A_545, %lt3A_546 : vector<16xi1>
          %or3A_548 = arith.ori %gt3A_544, %and3A_547 : vector<16xi1>
          %select_n3A_549 = arith.select %or3A_548, %gather3A_540, %select_n3A_533 : vector<16xi1>, vector<16xf32>
          %select_n3A_550 = arith.select %or3A_548, %gather3A_543, %select_n3A_534 : vector<16xi1>, vector<16xi32>
          %convert_element_type3A_551 = arith.sitofp %select_n3A_550 : vector<16xi32> to vector<16xf32>
          %mul3A_552 = arith.constant 0.0234604105 : f32
          %mul3A_553 = vector.broadcast %mul3A_552 : f32 to vector<16xf32>
          %mul3A_554 = arith.mulf %convert_element_type3A_551, %mul3A_553 : vector<16xf32>
          %add3A_555 = arith.constant 6.000000e+00 : f32
          %add3A_556 = vector.broadcast %add3A_555 : f32 to vector<16xf32>
          %add3A_557 = arith.addf %mul3A_554, %add3A_556 : vector<16xf32>
          %mul3A_558 = arith.constant 8 : i32
          %mul3A_559 = arith.muli %scan3A_82, %mul3A_558 : i32
          %add3A_560 = arith.constant 5 : i32
          %add3A_561 = arith.addi %mul3A_559, %add3A_560 : i32
          %eq3A_562 = vector.broadcast %add3A_561 : i32 to vector<16xi32>
          %eq3A_563 = arith.cmpi eq, %iota3A, %eq3A_562 : vector<16xi32>
          %select_n3A_564 = arith.select %eq3A_563, %add3A_557, %select_n3A_485 : vector<16xi1>, vector<16xf32>
          %iota3A_565 = tpu.iota {dimensions = array<i32: 0>} : vector<16xi32>
          %xor3A_566 = arith.constant 8 : i32
          %xor3A_567 = vector.broadcast %xor3A_566 : i32 to vector<16xi32>
          %xor3A_568 = arith.xori %iota3A_565, %xor3A_567 : vector<16xi32>
          %broadcast_in_dim3A_569 = vector.shape_cast %xor3A_568 : vector<16xi32> to vector<16x1xi32>
          %gather3A_570 = vector.shape_cast %broadcast_in_dim3A_569 : vector<16x1xi32> to vector<16xi32>
          %gather3A_571 = tpu.dynamic_gather %scan3A_96#6[%gather3A_570] in [0] : vector<16xf32>, vector<16xi32> -> vector<16xf32>
          %broadcast_in_dim3A_572 = vector.shape_cast %xor3A_568 : vector<16xi32> to vector<16x1xi32>
          %gather3A_573 = vector.shape_cast %broadcast_in_dim3A_572 : vector<16x1xi32> to vector<16xi32>
          %gather3A_574 = tpu.dynamic_gather %scan3A_96#14[%gather3A_573] in [0] : vector<16xi32>, vector<16xi32> -> vector<16xi32>
          %gt3A_575 = arith.cmpf ogt, %gather3A_571, %scan3A_96#6 : vector<16xf32>
          %eq3A_576 = arith.cmpf oeq, %gather3A_571, %scan3A_96#6 : vector<16xf32>
          %lt3A_577 = arith.cmpi slt, %gather3A_574, %scan3A_96#14 : vector<16xi32>
          %and3A_578 = arith.andi %eq3A_576, %lt3A_577 : vector<16xi1>
          %or3A_579 = arith.ori %gt3A_575, %and3A_578 : vector<16xi1>
          %select_n3A_580 = arith.select %or3A_579, %gather3A_571, %scan3A_96#6 : vector<16xi1>, vector<16xf32>
          %select_n3A_581 = arith.select %or3A_579, %gather3A_574, %scan3A_96#14 : vector<16xi1>, vector<16xi32>
          %xor3A_582 = arith.constant 4 : i32
          %xor3A_583 = vector.broadcast %xor3A_582 : i32 to vector<16xi32>
          %xor3A_584 = arith.xori %iota3A_565, %xor3A_583 : vector<16xi32>
          %broadcast_in_dim3A_585 = vector.shape_cast %xor3A_584 : vector<16xi32> to vector<16x1xi32>
          %gather3A_586 = vector.shape_cast %broadcast_in_dim3A_585 : vector<16x1xi32> to vector<16xi32>
          %gather3A_587 = tpu.dynamic_gather %select_n3A_580[%gather3A_586] in [0] : vector<16xf32>, vector<16xi32> -> vector<16xf32>
          %broadcast_in_dim3A_588 = vector.shape_cast %xor3A_584 : vector<16xi32> to vector<16x1xi32>
          %gather3A_589 = vector.shape_cast %broadcast_in_dim3A_588 : vector<16x1xi32> to vector<16xi32>
          %gather3A_590 = tpu.dynamic_gather %select_n3A_581[%gather3A_589] in [0] : vector<16xi32>, vector<16xi32> -> vector<16xi32>
          %gt3A_591 = arith.cmpf ogt, %gather3A_587, %select_n3A_580 : vector<16xf32>
          %eq3A_592 = arith.cmpf oeq, %gather3A_587, %select_n3A_580 : vector<16xf32>
          %lt3A_593 = arith.cmpi slt, %gather3A_590, %select_n3A_581 : vector<16xi32>
          %and3A_594 = arith.andi %eq3A_592, %lt3A_593 : vector<16xi1>
          %or3A_595 = arith.ori %gt3A_591, %and3A_594 : vector<16xi1>
          %select_n3A_596 = arith.select %or3A_595, %gather3A_587, %select_n3A_580 : vector<16xi1>, vector<16xf32>
          %select_n3A_597 = arith.select %or3A_595, %gather3A_590, %select_n3A_581 : vector<16xi1>, vector<16xi32>
          %xor3A_598 = arith.constant 2 : i32
          %xor3A_599 = vector.broadcast %xor3A_598 : i32 to vector<16xi32>
          %xor3A_600 = arith.xori %iota3A_565, %xor3A_599 : vector<16xi32>
          %broadcast_in_dim3A_601 = vector.shape_cast %xor3A_600 : vector<16xi32> to vector<16x1xi32>
          %gather3A_602 = vector.shape_cast %broadcast_in_dim3A_601 : vector<16x1xi32> to vector<16xi32>
          %gather3A_603 = tpu.dynamic_gather %select_n3A_596[%gather3A_602] in [0] : vector<16xf32>, vector<16xi32> -> vector<16xf32>
          %broadcast_in_dim3A_604 = vector.shape_cast %xor3A_600 : vector<16xi32> to vector<16x1xi32>
          %gather3A_605 = vector.shape_cast %broadcast_in_dim3A_604 : vector<16x1xi32> to vector<16xi32>
          %gather3A_606 = tpu.dynamic_gather %select_n3A_597[%gather3A_605] in [0] : vector<16xi32>, vector<16xi32> -> vector<16xi32>
          %gt3A_607 = arith.cmpf ogt, %gather3A_603, %select_n3A_596 : vector<16xf32>
          %eq3A_608 = arith.cmpf oeq, %gather3A_603, %select_n3A_596 : vector<16xf32>
          %lt3A_609 = arith.cmpi slt, %gather3A_606, %select_n3A_597 : vector<16xi32>
          %and3A_610 = arith.andi %eq3A_608, %lt3A_609 : vector<16xi1>
          %or3A_611 = arith.ori %gt3A_607, %and3A_610 : vector<16xi1>
          %select_n3A_612 = arith.select %or3A_611, %gather3A_603, %select_n3A_596 : vector<16xi1>, vector<16xf32>
          %select_n3A_613 = arith.select %or3A_611, %gather3A_606, %select_n3A_597 : vector<16xi1>, vector<16xi32>
          %xor3A_614 = arith.constant 1 : i32
          %xor3A_615 = vector.broadcast %xor3A_614 : i32 to vector<16xi32>
          %xor3A_616 = arith.xori %iota3A_565, %xor3A_615 : vector<16xi32>
          %broadcast_in_dim3A_617 = vector.shape_cast %xor3A_616 : vector<16xi32> to vector<16x1xi32>
          %gather3A_618 = vector.shape_cast %broadcast_in_dim3A_617 : vector<16x1xi32> to vector<16xi32>
          %gather3A_619 = tpu.dynamic_gather %select_n3A_612[%gather3A_618] in [0] : vector<16xf32>, vector<16xi32> -> vector<16xf32>
          %broadcast_in_dim3A_620 = vector.shape_cast %xor3A_616 : vector<16xi32> to vector<16x1xi32>
          %gather3A_621 = vector.shape_cast %broadcast_in_dim3A_620 : vector<16x1xi32> to vector<16xi32>
          %gather3A_622 = tpu.dynamic_gather %select_n3A_613[%gather3A_621] in [0] : vector<16xi32>, vector<16xi32> -> vector<16xi32>
          %gt3A_623 = arith.cmpf ogt, %gather3A_619, %select_n3A_612 : vector<16xf32>
          %eq3A_624 = arith.cmpf oeq, %gather3A_619, %select_n3A_612 : vector<16xf32>
          %lt3A_625 = arith.cmpi slt, %gather3A_622, %select_n3A_613 : vector<16xi32>
          %and3A_626 = arith.andi %eq3A_624, %lt3A_625 : vector<16xi1>
          %or3A_627 = arith.ori %gt3A_623, %and3A_626 : vector<16xi1>
          %select_n3A_628 = arith.select %or3A_627, %gather3A_619, %select_n3A_612 : vector<16xi1>, vector<16xf32>
          %select_n3A_629 = arith.select %or3A_627, %gather3A_622, %select_n3A_613 : vector<16xi1>, vector<16xi32>
          %convert_element_type3A_630 = arith.sitofp %select_n3A_629 : vector<16xi32> to vector<16xf32>
          %mul3A_631 = arith.constant 0.0234604105 : f32
          %mul3A_632 = vector.broadcast %mul3A_631 : f32 to vector<16xf32>
          %mul3A_633 = arith.mulf %convert_element_type3A_630, %mul3A_632 : vector<16xf32>
          %add3A_634 = arith.constant 6.000000e+00 : f32
          %add3A_635 = vector.broadcast %add3A_634 : f32 to vector<16xf32>
          %add3A_636 = arith.addf %mul3A_633, %add3A_635 : vector<16xf32>
          %mul3A_637 = arith.constant 8 : i32
          %mul3A_638 = arith.muli %scan3A_82, %mul3A_637 : i32
          %add3A_639 = arith.constant 6 : i32
          %add3A_640 = arith.addi %mul3A_638, %add3A_639 : i32
          %eq3A_641 = vector.broadcast %add3A_640 : i32 to vector<16xi32>
          %eq3A_642 = arith.cmpi eq, %iota3A, %eq3A_641 : vector<16xi32>
          %select_n3A_643 = arith.select %eq3A_642, %add3A_636, %select_n3A_564 : vector<16xi1>, vector<16xf32>
          %iota3A_644 = tpu.iota {dimensions = array<i32: 0>} : vector<16xi32>
          %xor3A_645 = arith.constant 8 : i32
          %xor3A_646 = vector.broadcast %xor3A_645 : i32 to vector<16xi32>
          %xor3A_647 = arith.xori %iota3A_644, %xor3A_646 : vector<16xi32>
          %broadcast_in_dim3A_648 = vector.shape_cast %xor3A_647 : vector<16xi32> to vector<16x1xi32>
          %gather3A_649 = vector.shape_cast %broadcast_in_dim3A_648 : vector<16x1xi32> to vector<16xi32>
          %gather3A_650 = tpu.dynamic_gather %scan3A_96#7[%gather3A_649] in [0] : vector<16xf32>, vector<16xi32> -> vector<16xf32>
          %broadcast_in_dim3A_651 = vector.shape_cast %xor3A_647 : vector<16xi32> to vector<16x1xi32>
          %gather3A_652 = vector.shape_cast %broadcast_in_dim3A_651 : vector<16x1xi32> to vector<16xi32>
          %gather3A_653 = tpu.dynamic_gather %scan3A_96#15[%gather3A_652] in [0] : vector<16xi32>, vector<16xi32> -> vector<16xi32>
          %gt3A_654 = arith.cmpf ogt, %gather3A_650, %scan3A_96#7 : vector<16xf32>
          %eq3A_655 = arith.cmpf oeq, %gather3A_650, %scan3A_96#7 : vector<16xf32>
          %lt3A_656 = arith.cmpi slt, %gather3A_653, %scan3A_96#15 : vector<16xi32>
          %and3A_657 = arith.andi %eq3A_655, %lt3A_656 : vector<16xi1>
          %or3A_658 = arith.ori %gt3A_654, %and3A_657 : vector<16xi1>
          %select_n3A_659 = arith.select %or3A_658, %gather3A_650, %scan3A_96#7 : vector<16xi1>, vector<16xf32>
          %select_n3A_660 = arith.select %or3A_658, %gather3A_653, %scan3A_96#15 : vector<16xi1>, vector<16xi32>
          %xor3A_661 = arith.constant 4 : i32
          %xor3A_662 = vector.broadcast %xor3A_661 : i32 to vector<16xi32>
          %xor3A_663 = arith.xori %iota3A_644, %xor3A_662 : vector<16xi32>
          %broadcast_in_dim3A_664 = vector.shape_cast %xor3A_663 : vector<16xi32> to vector<16x1xi32>
          %gather3A_665 = vector.shape_cast %broadcast_in_dim3A_664 : vector<16x1xi32> to vector<16xi32>
          %gather3A_666 = tpu.dynamic_gather %select_n3A_659[%gather3A_665] in [0] : vector<16xf32>, vector<16xi32> -> vector<16xf32>
          %broadcast_in_dim3A_667 = vector.shape_cast %xor3A_663 : vector<16xi32> to vector<16x1xi32>
          %gather3A_668 = vector.shape_cast %broadcast_in_dim3A_667 : vector<16x1xi32> to vector<16xi32>
          %gather3A_669 = tpu.dynamic_gather %select_n3A_660[%gather3A_668] in [0] : vector<16xi32>, vector<16xi32> -> vector<16xi32>
          %gt3A_670 = arith.cmpf ogt, %gather3A_666, %select_n3A_659 : vector<16xf32>
          %eq3A_671 = arith.cmpf oeq, %gather3A_666, %select_n3A_659 : vector<16xf32>
          %lt3A_672 = arith.cmpi slt, %gather3A_669, %select_n3A_660 : vector<16xi32>
          %and3A_673 = arith.andi %eq3A_671, %lt3A_672 : vector<16xi1>
          %or3A_674 = arith.ori %gt3A_670, %and3A_673 : vector<16xi1>
          %select_n3A_675 = arith.select %or3A_674, %gather3A_666, %select_n3A_659 : vector<16xi1>, vector<16xf32>
          %select_n3A_676 = arith.select %or3A_674, %gather3A_669, %select_n3A_660 : vector<16xi1>, vector<16xi32>
          %xor3A_677 = arith.constant 2 : i32
          %xor3A_678 = vector.broadcast %xor3A_677 : i32 to vector<16xi32>
          %xor3A_679 = arith.xori %iota3A_644, %xor3A_678 : vector<16xi32>
          %broadcast_in_dim3A_680 = vector.shape_cast %xor3A_679 : vector<16xi32> to vector<16x1xi32>
          %gather3A_681 = vector.shape_cast %broadcast_in_dim3A_680 : vector<16x1xi32> to vector<16xi32>
          %gather3A_682 = tpu.dynamic_gather %select_n3A_675[%gather3A_681] in [0] : vector<16xf32>, vector<16xi32> -> vector<16xf32>
          %broadcast_in_dim3A_683 = vector.shape_cast %xor3A_679 : vector<16xi32> to vector<16x1xi32>
          %gather3A_684 = vector.shape_cast %broadcast_in_dim3A_683 : vector<16x1xi32> to vector<16xi32>
          %gather3A_685 = tpu.dynamic_gather %select_n3A_676[%gather3A_684] in [0] : vector<16xi32>, vector<16xi32> -> vector<16xi32>
          %gt3A_686 = arith.cmpf ogt, %gather3A_682, %select_n3A_675 : vector<16xf32>
          %eq3A_687 = arith.cmpf oeq, %gather3A_682, %select_n3A_675 : vector<16xf32>
          %lt3A_688 = arith.cmpi slt, %gather3A_685, %select_n3A_676 : vector<16xi32>
          %and3A_689 = arith.andi %eq3A_687, %lt3A_688 : vector<16xi1>
          %or3A_690 = arith.ori %gt3A_686, %and3A_689 : vector<16xi1>
          %select_n3A_691 = arith.select %or3A_690, %gather3A_682, %select_n3A_675 : vector<16xi1>, vector<16xf32>
          %select_n3A_692 = arith.select %or3A_690, %gather3A_685, %select_n3A_676 : vector<16xi1>, vector<16xi32>
          %xor3A_693 = arith.constant 1 : i32
          %xor3A_694 = vector.broadcast %xor3A_693 : i32 to vector<16xi32>
          %xor3A_695 = arith.xori %iota3A_644, %xor3A_694 : vector<16xi32>
          %broadcast_in_dim3A_696 = vector.shape_cast %xor3A_695 : vector<16xi32> to vector<16x1xi32>
          %gather3A_697 = vector.shape_cast %broadcast_in_dim3A_696 : vector<16x1xi32> to vector<16xi32>
          %gather3A_698 = tpu.dynamic_gather %select_n3A_691[%gather3A_697] in [0] : vector<16xf32>, vector<16xi32> -> vector<16xf32>
          %broadcast_in_dim3A_699 = vector.shape_cast %xor3A_695 : vector<16xi32> to vector<16x1xi32>
          %gather3A_700 = vector.shape_cast %broadcast_in_dim3A_699 : vector<16x1xi32> to vector<16xi32>
          %gather3A_701 = tpu.dynamic_gather %select_n3A_692[%gather3A_700] in [0] : vector<16xi32>, vector<16xi32> -> vector<16xi32>
          %gt3A_702 = arith.cmpf ogt, %gather3A_698, %select_n3A_691 : vector<16xf32>
          %eq3A_703 = arith.cmpf oeq, %gather3A_698, %select_n3A_691 : vector<16xf32>
          %lt3A_704 = arith.cmpi slt, %gather3A_701, %select_n3A_692 : vector<16xi32>
          %and3A_705 = arith.andi %eq3A_703, %lt3A_704 : vector<16xi1>
          %or3A_706 = arith.ori %gt3A_702, %and3A_705 : vector<16xi1>
          %select_n3A_707 = arith.select %or3A_706, %gather3A_698, %select_n3A_691 : vector<16xi1>, vector<16xf32>
          %select_n3A_708 = arith.select %or3A_706, %gather3A_701, %select_n3A_692 : vector<16xi1>, vector<16xi32>
          %convert_element_type3A_709 = arith.sitofp %select_n3A_708 : vector<16xi32> to vector<16xf32>
          %mul3A_710 = arith.constant 0.0234604105 : f32
          %mul3A_711 = vector.broadcast %mul3A_710 : f32 to vector<16xf32>
          %mul3A_712 = arith.mulf %convert_element_type3A_709, %mul3A_711 : vector<16xf32>
          %add3A_713 = arith.constant 6.000000e+00 : f32
          %add3A_714 = vector.broadcast %add3A_713 : f32 to vector<16xf32>
          %add3A_715 = arith.addf %mul3A_712, %add3A_714 : vector<16xf32>
          %mul3A_716 = arith.constant 8 : i32
          %mul3A_717 = arith.muli %scan3A_82, %mul3A_716 : i32
          %add3A_718 = arith.constant 7 : i32
          %add3A_719 = arith.addi %mul3A_717, %add3A_718 : i32
          %eq3A_720 = vector.broadcast %add3A_719 : i32 to vector<16xi32>
          %eq3A_721 = arith.cmpi eq, %iota3A, %eq3A_720 : vector<16xi32>
          %select_n3A_722 = arith.select %eq3A_721, %add3A_715, %select_n3A_643 : vector<16xi1>, vector<16xf32>
          scf.yield %select_n3A_722 : vector<16xf32>
        }
        %scan3A_72 = arith.constant 2 : i32
        %mul3A_73 = arith.constant 32 : i32
        %mul3A_74 = arith.muli %mul3A_19, %mul3A_73 : i32
        %mul3A_75 = arith.constant 16 : i32
        %mul3A_76 = arith.muli %scan3A_64, %mul3A_75 : i32
        %add3A_77 = arith.addi %mul3A_74, %mul3A_76 : i32
        %swap3A = arith.index_cast %add3A_77 : i32 to index
        %swap3A_78 = tpu.vector_load %arg6[%swap3A] {strides = array<i32>} : memref<448xf32, #tpu.memory_space<vmem>>, vector<16xf32>,
        %swap3A_79 = vector.shape_cast %swap3A_78 : vector<16xf32> to vector<16xf32>
        %swap3A_80 = vector.shape_cast %scan3A_71 : vector<16xf32> to vector<16xf32>
        tpu.vector_store %arg6[%swap3A], %swap3A_80 {strides = array<i32>} : memref<448xf32, #tpu.memory_space<vmem>>, vector<16xf32>,
        %scan3A_81 = arith.constant 0 : i32
        scf.yield %scan3A_81 : i32
      }
      %scan3A_41 = arith.constant 2 : i32
      %add3A_42 = arith.constant 1 : i32
      %add3A_43 = arith.addi %mul3A_19, %add3A_42 : i32
      %mul3A_44 = arith.constant 32 : i32
      %mul3A_45 = arith.muli %add3A_43, %mul3A_44 : i32
      %add3A_46 = arith.addi %add3A_4, %mul3A_45 : i32
      %dma_wait3A_47 = arith.constant 0 : i32
      %dma_wait3A_48 = tpu.memref_slice %arg2[%add3A_46, %dma_wait3A_47] : memref<32768x1024xf32, #tpu.memory_space<hbm>> -> memref<32x1024xf32, #tpu.memory_space<hbm>>
      %dma_wait3A_49 = arith.constant 0 : i32
      %dma_wait3A_50 = tpu.memref_slice %arg2[%add3A_46, %dma_wait3A_49] : memref<32768x1024xf32, #tpu.memory_space<hbm>> -> memref<32x1024xf32, #tpu.memory_space<hbm>>
      tpu.wait_dma2 semaphore(%arg8 : memref<!tpu.dma_semaphore, #tpu.memory_space<semaphore_mem>>) src(%dma_wait3A_50 : memref<32x1024xf32, #tpu.memory_space<hbm>>) dst(%arg5 : memref<32x1024xf32, #tpu.memory_space<vmem>>)
      %lt3A = arith.constant 6 : i32
      %lt3A_51 = arith.cmpi slt, %scan3A_16, %lt3A : i32
      %convert_element_type3A = arith.extui %lt3A_51 : i1 to i32
      %cond3A = arith.constant 0 : i32
      %cond3A_52 = arith.cmpi ne, %convert_element_type3A, %cond3A : i32
      scf.if %cond3A_52 {
        %add3A_64 = arith.constant 2 : i32
        %add3A_65 = arith.addi %mul3A_19, %add3A_64 : i32
        %mul3A_66 = arith.constant 32 : i32
        %mul3A_67 = arith.muli %add3A_65, %mul3A_66 : i32
        %add3A_68 = arith.addi %add3A_4, %mul3A_67 : i32
        %dma_start3A_69 = arith.constant 0 : i32
        %dma_start3A_70 = tpu.memref_slice %arg2[%add3A_68, %dma_start3A_69] : memref<32768x1024xf32, #tpu.memory_space<hbm>> -> memref<32x1024xf32, #tpu.memory_space<hbm>>
        %dma_start3A_71 = arith.constant 0 : i32
        %dma_start3A_72 = tpu.memref_slice %arg2[%add3A_68, %dma_start3A_71] : memref<32768x1024xf32, #tpu.memory_space<hbm>> -> memref<32x1024xf32, #tpu.memory_space<hbm>>
        tpu.enqueue_dma source(%dma_start3A_72 : memref<32x1024xf32, #tpu.memory_space<hbm>>) target(%arg4 : memref<32x1024xf32, #tpu.memory_space<vmem>>) target_semaphore(%arg7 : memref<!tpu.dma_semaphore, #tpu.memory_space<semaphore_mem>>)
      } else {
      }
      %add3A_53 = arith.constant 1 : i32
      %add3A_54 = arith.addi %mul3A_19, %add3A_53 : i32
      %iota3A_55 = tpu.iota {dimensions = array<i32: 0>} : vector<16xi32>
      %scan3A_56 = arith.constant 0 : i32
      %scan3A_57 = arith.constant 0 : i32
      %scan3A_58 = arith.constant 2 : i32
      %scan3A_59 = arith.addi %scan3A_57, %scan3A_58 : i32
      %scan3A_60 = arith.constant 1 : i32
      %scan3A_61 = scf.for %scan3A_64 = %scan3A_57 to %scan3A_59 step %scan3A_60 iter_args(%scan3A_65 = %scan3A_56) -> (i32)  : i32 {
        %broadcast_in_dim3A = arith.constant 0.000000e+00 : f32
        %broadcast_in_dim3A_66 = vector.broadcast %broadcast_in_dim3A : f32 to vector<16xf32>
        %scan3A_67 = arith.constant 0 : i32
        %scan3A_68 = arith.constant 2 : i32
        %scan3A_69 = arith.addi %scan3A_67, %scan3A_68 : i32
        %scan3A_70 = arith.constant 1 : i32
        %scan3A_71 = scf.for %scan3A_82 = %scan3A_67 to %scan3A_69 step %scan3A_70 iter_args(%scan3A_83 = %broadcast_in_dim3A_66) -> (vector<16xf32>)  : i32 {
          %mul3A_84 = arith.constant 16 : i32
          %mul3A_85 = arith.muli %scan3A_64, %mul3A_84 : i32
          %mul3A_86 = arith.constant 8 : i32
          %mul3A_87 = arith.muli %scan3A_82, %mul3A_86 : i32
          %add3A_88 = arith.addi %mul3A_85, %mul3A_87 : i32
          %iota3A_89 = tpu.iota {dimensions = array<i32: 0>} : vector<16xi32>
          %broadcast_in_dim3A_90 = arith.constant 0xFF800000 : f32
          %broadcast_in_dim3A_91 = vector.broadcast %broadcast_in_dim3A_90 : f32 to vector<16xf32>
          %scan3A_92 = arith.constant 0 : i32
          %scan3A_93 = arith.constant 64 : i32
          %scan3A_94 = arith.addi %scan3A_92, %scan3A_93 : i32
          %scan3A_95 = arith.constant 4 : i32
          %scan3A_96:17 = scf.for %scan3A_723 = %scan3A_92 to %scan3A_94 step %scan3A_95 iter_args(%scan3A_724 = %broadcast_in_dim3A_91, %scan3A_725 = %broadcast_in_dim3A_91, %scan3A_726 = %broadcast_in_dim3A_91, %scan3A_727 = %broadcast_in_dim3A_91, %scan3A_728 = %broadcast_in_dim3A_91, %scan3A_729 = %broadcast_in_dim3A_91, %scan3A_730 = %broadcast_in_dim3A_91, %scan3A_731 = %broadcast_in_dim3A_91, %scan3A_732 = %iota3A_89, %scan3A_733 = %iota3A_89, %scan3A_734 = %iota3A_89, %scan3A_735 = %iota3A_89, %scan3A_736 = %iota3A_89, %scan3A_737 = %iota3A_89, %scan3A_738 = %iota3A_89, %scan3A_739 = %iota3A_89, %scan3A_740 = %iota3A_89) -> (vector<16xf32>, vector<16xf32>, vector<16xf32>, vector<16xf32>, vector<16xf32>, vector<16xf32>, vector<16xf32>, vector<16xf32>, vector<16xi32>, vector<16xi32>, vector<16xi32>, vector<16xi32>, vector<16xi32>, vector<16xi32>, vector<16xi32>, vector<16xi32>, vector<16xi32>)  : i32 {
            %add3A_741 = arith.constant 0 : i32
            %add3A_742 = arith.addi %add3A_88, %add3A_741 : i32
            %mul3A_743 = arith.constant 16 : i32
            %mul3A_744 = arith.muli %scan3A_723, %mul3A_743 : i32
            %get3A = arith.index_cast %add3A_742 : i32 to index
            %get3A_745 = arith.index_cast %mul3A_744 : i32 to index
            %get3A_746 = tpu.vector_load %arg5[%get3A, %get3A_745] {strides = array<i32>} : memref<32x1024xf32, #tpu.memory_space<vmem>>, vector<1x16xf32>,
            %get3A_747 = vector.shape_cast %get3A_746 : vector<1x16xf32> to vector<16xf32>
            %gt3A_748 = arith.cmpf ogt, %get3A_747, %scan3A_724 : vector<16xf32>
            %max3A = arith.maximumf %scan3A_724, %get3A_747 : vector<16xf32>
            %select_n3A_749 = arith.select %gt3A_748, %scan3A_740, %scan3A_732 : vector<16xi1>, vector<16xi32>
            %add3A_750 = arith.constant 1 : i32
            %add3A_751 = arith.addi %add3A_88, %add3A_750 : i32
            %mul3A_752 = arith.constant 16 : i32
            %mul3A_753 = arith.muli %scan3A_723, %mul3A_752 : i32
            %get3A_754 = arith.index_cast %add3A_751 : i32 to index
            %get3A_755 = arith.index_cast %mul3A_753 : i32 to index
            %get3A_756 = tpu.vector_load %arg5[%get3A_754, %get3A_755] {strides = array<i32>} : memref<32x1024xf32, #tpu.memory_space<vmem>>, vector<1x16xf32>,
            %get3A_757 = vector.shape_cast %get3A_756 : vector<1x16xf32> to vector<16xf32>
            %gt3A_758 = arith.cmpf ogt, %get3A_757, %scan3A_725 : vector<16xf32>
            %max3A_759 = arith.maximumf %scan3A_725, %get3A_757 : vector<16xf32>
            %select_n3A_760 = arith.select %gt3A_758, %scan3A_740, %scan3A_733 : vector<16xi1>, vector<16xi32>
            %add3A_761 = arith.constant 2 : i32
            %add3A_762 = arith.addi %add3A_88, %add3A_761 : i32
            %mul3A_763 = arith.constant 16 : i32
            %mul3A_764 = arith.muli %scan3A_723, %mul3A_763 : i32
            %get3A_765 = arith.index_cast %add3A_762 : i32 to index
            %get3A_766 = arith.index_cast %mul3A_764 : i32 to index
            %get3A_767 = tpu.vector_load %arg5[%get3A_765, %get3A_766] {strides = array<i32>} : memref<32x1024xf32, #tpu.memory_space<vmem>>, vector<1x16xf32>,
            %get3A_768 = vector.shape_cast %get3A_767 : vector<1x16xf32> to vector<16xf32>
            %gt3A_769 = arith.cmpf ogt, %get3A_768, %scan3A_726 : vector<16xf32>
            %max3A_770 = arith.maximumf %scan3A_726, %get3A_768 : vector<16xf32>
            %select_n3A_771 = arith.select %gt3A_769, %scan3A_740, %scan3A_734 : vector<16xi1>, vector<16xi32>
            %add3A_772 = arith.constant 3 : i32
            %add3A_773 = arith.addi %add3A_88, %add3A_772 : i32
            %mul3A_774 = arith.constant 16 : i32
            %mul3A_775 = arith.muli %scan3A_723, %mul3A_774 : i32
            %get3A_776 = arith.index_cast %add3A_773 : i32 to index
            %get3A_777 = arith.index_cast %mul3A_775 : i32 to index
            %get3A_778 = tpu.vector_load %arg5[%get3A_776, %get3A_777] {strides = array<i32>} : memref<32x1024xf32, #tpu.memory_space<vmem>>, vector<1x16xf32>,
            %get3A_779 = vector.shape_cast %get3A_778 : vector<1x16xf32> to vector<16xf32>
            %gt3A_780 = arith.cmpf ogt, %get3A_779, %scan3A_727 : vector<16xf32>
            %max3A_781 = arith.maximumf %scan3A_727, %get3A_779 : vector<16xf32>
            %select_n3A_782 = arith.select %gt3A_780, %scan3A_740, %scan3A_735 : vector<16xi1>, vector<16xi32>
            %add3A_783 = arith.constant 4 : i32
            %add3A_784 = arith.addi %add3A_88, %add3A_783 : i32
            %mul3A_785 = arith.constant 16 : i32
            %mul3A_786 = arith.muli %scan3A_723, %mul3A_785 : i32
            %get3A_787 = arith.index_cast %add3A_784 : i32 to index
            %get3A_788 = arith.index_cast %mul3A_786 : i32 to index
            %get3A_789 = tpu.vector_load %arg5[%get3A_787, %get3A_788] {strides = array<i32>} : memref<32x1024xf32, #tpu.memory_space<vmem>>, vector<1x16xf32>,
            %get3A_790 = vector.shape_cast %get3A_789 : vector<1x16xf32> to vector<16xf32>
            %gt3A_791 = arith.cmpf ogt, %get3A_790, %scan3A_728 : vector<16xf32>
            %max3A_792 = arith.maximumf %scan3A_728, %get3A_790 : vector<16xf32>
            %select_n3A_793 = arith.select %gt3A_791, %scan3A_740, %scan3A_736 : vector<16xi1>, vector<16xi32>
            %add3A_794 = arith.constant 5 : i32
            %add3A_795 = arith.addi %add3A_88, %add3A_794 : i32
            %mul3A_796 = arith.constant 16 : i32
            %mul3A_797 = arith.muli %scan3A_723, %mul3A_796 : i32
            %get3A_798 = arith.index_cast %add3A_795 : i32 to index
            %get3A_799 = arith.index_cast %mul3A_797 : i32 to index
            %get3A_800 = tpu.vector_load %arg5[%get3A_798, %get3A_799] {strides = array<i32>} : memref<32x1024xf32, #tpu.memory_space<vmem>>, vector<1x16xf32>,
            %get3A_801 = vector.shape_cast %get3A_800 : vector<1x16xf32> to vector<16xf32>
            %gt3A_802 = arith.cmpf ogt, %get3A_801, %scan3A_729 : vector<16xf32>
            %max3A_803 = arith.maximumf %scan3A_729, %get3A_801 : vector<16xf32>
            %select_n3A_804 = arith.select %gt3A_802, %scan3A_740, %scan3A_737 : vector<16xi1>, vector<16xi32>
            %add3A_805 = arith.constant 6 : i32
            %add3A_806 = arith.addi %add3A_88, %add3A_805 : i32
            %mul3A_807 = arith.constant 16 : i32
            %mul3A_808 = arith.muli %scan3A_723, %mul3A_807 : i32
            %get3A_809 = arith.index_cast %add3A_806 : i32 to index
            %get3A_810 = arith.index_cast %mul3A_808 : i32 to index
            %get3A_811 = tpu.vector_load %arg5[%get3A_809, %get3A_810] {strides = array<i32>} : memref<32x1024xf32, #tpu.memory_space<vmem>>, vector<1x16xf32>,
            %get3A_812 = vector.shape_cast %get3A_811 : vector<1x16xf32> to vector<16xf32>
            %gt3A_813 = arith.cmpf ogt, %get3A_812, %scan3A_730 : vector<16xf32>
            %max3A_814 = arith.maximumf %scan3A_730, %get3A_812 : vector<16xf32>
            %select_n3A_815 = arith.select %gt3A_813, %scan3A_740, %scan3A_738 : vector<16xi1>, vector<16xi32>
            %add3A_816 = arith.constant 7 : i32
            %add3A_817 = arith.addi %add3A_88, %add3A_816 : i32
            %mul3A_818 = arith.constant 16 : i32
            %mul3A_819 = arith.muli %scan3A_723, %mul3A_818 : i32
            %get3A_820 = arith.index_cast %add3A_817 : i32 to index
            %get3A_821 = arith.index_cast %mul3A_819 : i32 to index
            %get3A_822 = tpu.vector_load %arg5[%get3A_820, %get3A_821] {strides = array<i32>} : memref<32x1024xf32, #tpu.memory_space<vmem>>, vector<1x16xf32>,
            %get3A_823 = vector.shape_cast %get3A_822 : vector<1x16xf32> to vector<16xf32>
            %gt3A_824 = arith.cmpf ogt, %get3A_823, %scan3A_731 : vector<16xf32>
            %max3A_825 = arith.maximumf %scan3A_731, %get3A_823 : vector<16xf32>
            %select_n3A_826 = arith.select %gt3A_824, %scan3A_740, %scan3A_739 : vector<16xi1>, vector<16xi32>
            %add3A_827 = arith.constant 16 : i32
            %add3A_828 = vector.broadcast %add3A_827 : i32 to vector<16xi32>
            %add3A_829 = arith.addi %scan3A_740, %add3A_828 : vector<16xi32>
            %scan3A_830 = arith.constant 1 : i32
            %scan3A_831 = arith.addi %scan3A_723, %scan3A_830 : i32
            %add3A_832 = arith.constant 0 : i32
            %add3A_833 = arith.addi %add3A_88, %add3A_832 : i32
            %mul3A_834 = arith.constant 16 : i32
            %mul3A_835 = arith.muli %scan3A_831, %mul3A_834 : i32
            %get3A_836 = arith.index_cast %add3A_833 : i32 to index
            %get3A_837 = arith.index_cast %mul3A_835 : i32 to index
            %get3A_838 = tpu.vector_load %arg5[%get3A_836, %get3A_837] {strides = array<i32>} : memref<32x1024xf32, #tpu.memory_space<vmem>>, vector<1x16xf32>,
            %get3A_839 = vector.shape_cast %get3A_838 : vector<1x16xf32> to vector<16xf32>
            %gt3A_840 = arith.cmpf ogt, %get3A_839, %max3A : vector<16xf32>
            %max3A_841 = arith.maximumf %max3A, %get3A_839 : vector<16xf32>
            %select_n3A_842 = arith.select %gt3A_840, %add3A_829, %select_n3A_749 : vector<16xi1>, vector<16xi32>
            %add3A_843 = arith.constant 1 : i32
            %add3A_844 = arith.addi %add3A_88, %add3A_843 : i32
            %mul3A_845 = arith.constant 16 : i32
            %mul3A_846 = arith.muli %scan3A_831, %mul3A_845 : i32
            %get3A_847 = arith.index_cast %add3A_844 : i32 to index
            %get3A_848 = arith.index_cast %mul3A_846 : i32 to index
            %get3A_849 = tpu.vector_load %arg5[%get3A_847, %get3A_848] {strides = array<i32>} : memref<32x1024xf32, #tpu.memory_space<vmem>>, vector<1x16xf32>,
            %get3A_850 = vector.shape_cast %get3A_849 : vector<1x16xf32> to vector<16xf32>
            %gt3A_851 = arith.cmpf ogt, %get3A_850, %max3A_759 : vector<16xf32>
            %max3A_852 = arith.maximumf %max3A_759, %get3A_850 : vector<16xf32>
            %select_n3A_853 = arith.select %gt3A_851, %add3A_829, %select_n3A_760 : vector<16xi1>, vector<16xi32>
            %add3A_854 = arith.constant 2 : i32
            %add3A_855 = arith.addi %add3A_88, %add3A_854 : i32
            %mul3A_856 = arith.constant 16 : i32
            %mul3A_857 = arith.muli %scan3A_831, %mul3A_856 : i32
            %get3A_858 = arith.index_cast %add3A_855 : i32 to index
            %get3A_859 = arith.index_cast %mul3A_857 : i32 to index
            %get3A_860 = tpu.vector_load %arg5[%get3A_858, %get3A_859] {strides = array<i32>} : memref<32x1024xf32, #tpu.memory_space<vmem>>, vector<1x16xf32>,
            %get3A_861 = vector.shape_cast %get3A_860 : vector<1x16xf32> to vector<16xf32>
            %gt3A_862 = arith.cmpf ogt, %get3A_861, %max3A_770 : vector<16xf32>
            %max3A_863 = arith.maximumf %max3A_770, %get3A_861 : vector<16xf32>
            %select_n3A_864 = arith.select %gt3A_862, %add3A_829, %select_n3A_771 : vector<16xi1>, vector<16xi32>
            %add3A_865 = arith.constant 3 : i32
            %add3A_866 = arith.addi %add3A_88, %add3A_865 : i32
            %mul3A_867 = arith.constant 16 : i32
            %mul3A_868 = arith.muli %scan3A_831, %mul3A_867 : i32
            %get3A_869 = arith.index_cast %add3A_866 : i32 to index
            %get3A_870 = arith.index_cast %mul3A_868 : i32 to index
            %get3A_871 = tpu.vector_load %arg5[%get3A_869, %get3A_870] {strides = array<i32>} : memref<32x1024xf32, #tpu.memory_space<vmem>>, vector<1x16xf32>,
            %get3A_872 = vector.shape_cast %get3A_871 : vector<1x16xf32> to vector<16xf32>
            %gt3A_873 = arith.cmpf ogt, %get3A_872, %max3A_781 : vector<16xf32>
            %max3A_874 = arith.maximumf %max3A_781, %get3A_872 : vector<16xf32>
            %select_n3A_875 = arith.select %gt3A_873, %add3A_829, %select_n3A_782 : vector<16xi1>, vector<16xi32>
            %add3A_876 = arith.constant 4 : i32
            %add3A_877 = arith.addi %add3A_88, %add3A_876 : i32
            %mul3A_878 = arith.constant 16 : i32
            %mul3A_879 = arith.muli %scan3A_831, %mul3A_878 : i32
            %get3A_880 = arith.index_cast %add3A_877 : i32 to index
            %get3A_881 = arith.index_cast %mul3A_879 : i32 to index
            %get3A_882 = tpu.vector_load %arg5[%get3A_880, %get3A_881] {strides = array<i32>} : memref<32x1024xf32, #tpu.memory_space<vmem>>, vector<1x16xf32>,
            %get3A_883 = vector.shape_cast %get3A_882 : vector<1x16xf32> to vector<16xf32>
            %gt3A_884 = arith.cmpf ogt, %get3A_883, %max3A_792 : vector<16xf32>
            %max3A_885 = arith.maximumf %max3A_792, %get3A_883 : vector<16xf32>
            %select_n3A_886 = arith.select %gt3A_884, %add3A_829, %select_n3A_793 : vector<16xi1>, vector<16xi32>
            %add3A_887 = arith.constant 5 : i32
            %add3A_888 = arith.addi %add3A_88, %add3A_887 : i32
            %mul3A_889 = arith.constant 16 : i32
            %mul3A_890 = arith.muli %scan3A_831, %mul3A_889 : i32
            %get3A_891 = arith.index_cast %add3A_888 : i32 to index
            %get3A_892 = arith.index_cast %mul3A_890 : i32 to index
            %get3A_893 = tpu.vector_load %arg5[%get3A_891, %get3A_892] {strides = array<i32>} : memref<32x1024xf32, #tpu.memory_space<vmem>>, vector<1x16xf32>,
            %get3A_894 = vector.shape_cast %get3A_893 : vector<1x16xf32> to vector<16xf32>
            %gt3A_895 = arith.cmpf ogt, %get3A_894, %max3A_803 : vector<16xf32>
            %max3A_896 = arith.maximumf %max3A_803, %get3A_894 : vector<16xf32>
            %select_n3A_897 = arith.select %gt3A_895, %add3A_829, %select_n3A_804 : vector<16xi1>, vector<16xi32>
            %add3A_898 = arith.constant 6 : i32
            %add3A_899 = arith.addi %add3A_88, %add3A_898 : i32
            %mul3A_900 = arith.constant 16 : i32
            %mul3A_901 = arith.muli %scan3A_831, %mul3A_900 : i32
            %get3A_902 = arith.index_cast %add3A_899 : i32 to index
            %get3A_903 = arith.index_cast %mul3A_901 : i32 to index
            %get3A_904 = tpu.vector_load %arg5[%get3A_902, %get3A_903] {strides = array<i32>} : memref<32x1024xf32, #tpu.memory_space<vmem>>, vector<1x16xf32>,
            %get3A_905 = vector.shape_cast %get3A_904 : vector<1x16xf32> to vector<16xf32>
            %gt3A_906 = arith.cmpf ogt, %get3A_905, %max3A_814 : vector<16xf32>
            %max3A_907 = arith.maximumf %max3A_814, %get3A_905 : vector<16xf32>
            %select_n3A_908 = arith.select %gt3A_906, %add3A_829, %select_n3A_815 : vector<16xi1>, vector<16xi32>
            %add3A_909 = arith.constant 7 : i32
            %add3A_910 = arith.addi %add3A_88, %add3A_909 : i32
            %mul3A_911 = arith.constant 16 : i32
            %mul3A_912 = arith.muli %scan3A_831, %mul3A_911 : i32
            %get3A_913 = arith.index_cast %add3A_910 : i32 to index
            %get3A_914 = arith.index_cast %mul3A_912 : i32 to index
            %get3A_915 = tpu.vector_load %arg5[%get3A_913, %get3A_914] {strides = array<i32>} : memref<32x1024xf32, #tpu.memory_space<vmem>>, vector<1x16xf32>,
            %get3A_916 = vector.shape_cast %get3A_915 : vector<1x16xf32> to vector<16xf32>
            %gt3A_917 = arith.cmpf ogt, %get3A_916, %max3A_825 : vector<16xf32>
            %max3A_918 = arith.maximumf %max3A_825, %get3A_916 : vector<16xf32>
            %select_n3A_919 = arith.select %gt3A_917, %add3A_829, %select_n3A_826 : vector<16xi1>, vector<16xi32>
            %add3A_920 = arith.constant 16 : i32
            %add3A_921 = vector.broadcast %add3A_920 : i32 to vector<16xi32>
            %add3A_922 = arith.addi %add3A_829, %add3A_921 : vector<16xi32>
            %scan3A_923 = arith.constant 2 : i32
            %scan3A_924 = arith.addi %scan3A_723, %scan3A_923 : i32
            %add3A_925 = arith.constant 0 : i32
            %add3A_926 = arith.addi %add3A_88, %add3A_925 : i32
            %mul3A_927 = arith.constant 16 : i32
            %mul3A_928 = arith.muli %scan3A_924, %mul3A_927 : i32
            %get3A_929 = arith.index_cast %add3A_926 : i32 to index
            %get3A_930 = arith.index_cast %mul3A_928 : i32 to index
            %get3A_931 = tpu.vector_load %arg5[%get3A_929, %get3A_930] {strides = array<i32>} : memref<32x1024xf32, #tpu.memory_space<vmem>>, vector<1x16xf32>,
            %get3A_932 = vector.shape_cast %get3A_931 : vector<1x16xf32> to vector<16xf32>
            %gt3A_933 = arith.cmpf ogt, %get3A_932, %max3A_841 : vector<16xf32>
            %max3A_934 = arith.maximumf %max3A_841, %get3A_932 : vector<16xf32>
            %select_n3A_935 = arith.select %gt3A_933, %add3A_922, %select_n3A_842 : vector<16xi1>, vector<16xi32>
            %add3A_936 = arith.constant 1 : i32
            %add3A_937 = arith.addi %add3A_88, %add3A_936 : i32
            %mul3A_938 = arith.constant 16 : i32
            %mul3A_939 = arith.muli %scan3A_924, %mul3A_938 : i32
            %get3A_940 = arith.index_cast %add3A_937 : i32 to index
            %get3A_941 = arith.index_cast %mul3A_939 : i32 to index
            %get3A_942 = tpu.vector_load %arg5[%get3A_940, %get3A_941] {strides = array<i32>} : memref<32x1024xf32, #tpu.memory_space<vmem>>, vector<1x16xf32>,
            %get3A_943 = vector.shape_cast %get3A_942 : vector<1x16xf32> to vector<16xf32>
            %gt3A_944 = arith.cmpf ogt, %get3A_943, %max3A_852 : vector<16xf32>
            %max3A_945 = arith.maximumf %max3A_852, %get3A_943 : vector<16xf32>
            %select_n3A_946 = arith.select %gt3A_944, %add3A_922, %select_n3A_853 : vector<16xi1>, vector<16xi32>
            %add3A_947 = arith.constant 2 : i32
            %add3A_948 = arith.addi %add3A_88, %add3A_947 : i32
            %mul3A_949 = arith.constant 16 : i32
            %mul3A_950 = arith.muli %scan3A_924, %mul3A_949 : i32
            %get3A_951 = arith.index_cast %add3A_948 : i32 to index
            %get3A_952 = arith.index_cast %mul3A_950 : i32 to index
            %get3A_953 = tpu.vector_load %arg5[%get3A_951, %get3A_952] {strides = array<i32>} : memref<32x1024xf32, #tpu.memory_space<vmem>>, vector<1x16xf32>,
            %get3A_954 = vector.shape_cast %get3A_953 : vector<1x16xf32> to vector<16xf32>
            %gt3A_955 = arith.cmpf ogt, %get3A_954, %max3A_863 : vector<16xf32>
            %max3A_956 = arith.maximumf %max3A_863, %get3A_954 : vector<16xf32>
            %select_n3A_957 = arith.select %gt3A_955, %add3A_922, %select_n3A_864 : vector<16xi1>, vector<16xi32>
            %add3A_958 = arith.constant 3 : i32
            %add3A_959 = arith.addi %add3A_88, %add3A_958 : i32
            %mul3A_960 = arith.constant 16 : i32
            %mul3A_961 = arith.muli %scan3A_924, %mul3A_960 : i32
            %get3A_962 = arith.index_cast %add3A_959 : i32 to index
            %get3A_963 = arith.index_cast %mul3A_961 : i32 to index
            %get3A_964 = tpu.vector_load %arg5[%get3A_962, %get3A_963] {strides = array<i32>} : memref<32x1024xf32, #tpu.memory_space<vmem>>, vector<1x16xf32>,
            %get3A_965 = vector.shape_cast %get3A_964 : vector<1x16xf32> to vector<16xf32>
            %gt3A_966 = arith.cmpf ogt, %get3A_965, %max3A_874 : vector<16xf32>
            %max3A_967 = arith.maximumf %max3A_874, %get3A_965 : vector<16xf32>
            %select_n3A_968 = arith.select %gt3A_966, %add3A_922, %select_n3A_875 : vector<16xi1>, vector<16xi32>
            %add3A_969 = arith.constant 4 : i32
            %add3A_970 = arith.addi %add3A_88, %add3A_969 : i32
            %mul3A_971 = arith.constant 16 : i32
            %mul3A_972 = arith.muli %scan3A_924, %mul3A_971 : i32
            %get3A_973 = arith.index_cast %add3A_970 : i32 to index
            %get3A_974 = arith.index_cast %mul3A_972 : i32 to index
            %get3A_975 = tpu.vector_load %arg5[%get3A_973, %get3A_974] {strides = array<i32>} : memref<32x1024xf32, #tpu.memory_space<vmem>>, vector<1x16xf32>,
            %get3A_976 = vector.shape_cast %get3A_975 : vector<1x16xf32> to vector<16xf32>
            %gt3A_977 = arith.cmpf ogt, %get3A_976, %max3A_885 : vector<16xf32>
            %max3A_978 = arith.maximumf %max3A_885, %get3A_976 : vector<16xf32>
            %select_n3A_979 = arith.select %gt3A_977, %add3A_922, %select_n3A_886 : vector<16xi1>, vector<16xi32>
            %add3A_980 = arith.constant 5 : i32
            %add3A_981 = arith.addi %add3A_88, %add3A_980 : i32
            %mul3A_982 = arith.constant 16 : i32
            %mul3A_983 = arith.muli %scan3A_924, %mul3A_982 : i32
            %get3A_984 = arith.index_cast %add3A_981 : i32 to index
            %get3A_985 = arith.index_cast %mul3A_983 : i32 to index
            %get3A_986 = tpu.vector_load %arg5[%get3A_984, %get3A_985] {strides = array<i32>} : memref<32x1024xf32, #tpu.memory_space<vmem>>, vector<1x16xf32>,
            %get3A_987 = vector.shape_cast %get3A_986 : vector<1x16xf32> to vector<16xf32>
            %gt3A_988 = arith.cmpf ogt, %get3A_987, %max3A_896 : vector<16xf32>
            %max3A_989 = arith.maximumf %max3A_896, %get3A_987 : vector<16xf32>
            %select_n3A_990 = arith.select %gt3A_988, %add3A_922, %select_n3A_897 : vector<16xi1>, vector<16xi32>
            %add3A_991 = arith.constant 6 : i32
            %add3A_992 = arith.addi %add3A_88, %add3A_991 : i32
            %mul3A_993 = arith.constant 16 : i32
            %mul3A_994 = arith.muli %scan3A_924, %mul3A_993 : i32
            %get3A_995 = arith.index_cast %add3A_992 : i32 to index
            %get3A_996 = arith.index_cast %mul3A_994 : i32 to index
            %get3A_997 = tpu.vector_load %arg5[%get3A_995, %get3A_996] {strides = array<i32>} : memref<32x1024xf32, #tpu.memory_space<vmem>>, vector<1x16xf32>,
            %get3A_998 = vector.shape_cast %get3A_997 : vector<1x16xf32> to vector<16xf32>
            %gt3A_999 = arith.cmpf ogt, %get3A_998, %max3A_907 : vector<16xf32>
            %max3A_1000 = arith.maximumf %max3A_907, %get3A_998 : vector<16xf32>
            %select_n3A_1001 = arith.select %gt3A_999, %add3A_922, %select_n3A_908 : vector<16xi1>, vector<16xi32>
            %add3A_1002 = arith.constant 7 : i32
            %add3A_1003 = arith.addi %add3A_88, %add3A_1002 : i32
            %mul3A_1004 = arith.constant 16 : i32
            %mul3A_1005 = arith.muli %scan3A_924, %mul3A_1004 : i32
            %get3A_1006 = arith.index_cast %add3A_1003 : i32 to index
            %get3A_1007 = arith.index_cast %mul3A_1005 : i32 to index
            %get3A_1008 = tpu.vector_load %arg5[%get3A_1006, %get3A_1007] {strides = array<i32>} : memref<32x1024xf32, #tpu.memory_space<vmem>>, vector<1x16xf32>,
            %get3A_1009 = vector.shape_cast %get3A_1008 : vector<1x16xf32> to vector<16xf32>
            %gt3A_1010 = arith.cmpf ogt, %get3A_1009, %max3A_918 : vector<16xf32>
            %max3A_1011 = arith.maximumf %max3A_918, %get3A_1009 : vector<16xf32>
            %select_n3A_1012 = arith.select %gt3A_1010, %add3A_922, %select_n3A_919 : vector<16xi1>, vector<16xi32>
            %add3A_1013 = arith.constant 16 : i32
            %add3A_1014 = vector.broadcast %add3A_1013 : i32 to vector<16xi32>
            %add3A_1015 = arith.addi %add3A_922, %add3A_1014 : vector<16xi32>
            %scan3A_1016 = arith.constant 3 : i32
            %scan3A_1017 = arith.addi %scan3A_723, %scan3A_1016 : i32
            %add3A_1018 = arith.constant 0 : i32
            %add3A_1019 = arith.addi %add3A_88, %add3A_1018 : i32
            %mul3A_1020 = arith.constant 16 : i32
            %mul3A_1021 = arith.muli %scan3A_1017, %mul3A_1020 : i32
            %get3A_1022 = arith.index_cast %add3A_1019 : i32 to index
            %get3A_1023 = arith.index_cast %mul3A_1021 : i32 to index
            %get3A_1024 = tpu.vector_load %arg5[%get3A_1022, %get3A_1023] {strides = array<i32>} : memref<32x1024xf32, #tpu.memory_space<vmem>>, vector<1x16xf32>,
            %get3A_1025 = vector.shape_cast %get3A_1024 : vector<1x16xf32> to vector<16xf32>
            %gt3A_1026 = arith.cmpf ogt, %get3A_1025, %max3A_934 : vector<16xf32>
            %max3A_1027 = arith.maximumf %max3A_934, %get3A_1025 : vector<16xf32>
            %select_n3A_1028 = arith.select %gt3A_1026, %add3A_1015, %select_n3A_935 : vector<16xi1>, vector<16xi32>
            %add3A_1029 = arith.constant 1 : i32
            %add3A_1030 = arith.addi %add3A_88, %add3A_1029 : i32
            %mul3A_1031 = arith.constant 16 : i32
            %mul3A_1032 = arith.muli %scan3A_1017, %mul3A_1031 : i32
            %get3A_1033 = arith.index_cast %add3A_1030 : i32 to index
            %get3A_1034 = arith.index_cast %mul3A_1032 : i32 to index
            %get3A_1035 = tpu.vector_load %arg5[%get3A_1033, %get3A_1034] {strides = array<i32>} : memref<32x1024xf32, #tpu.memory_space<vmem>>, vector<1x16xf32>,
            %get3A_1036 = vector.shape_cast %get3A_1035 : vector<1x16xf32> to vector<16xf32>
            %gt3A_1037 = arith.cmpf ogt, %get3A_1036, %max3A_945 : vector<16xf32>
            %max3A_1038 = arith.maximumf %max3A_945, %get3A_1036 : vector<16xf32>
            %select_n3A_1039 = arith.select %gt3A_1037, %add3A_1015, %select_n3A_946 : vector<16xi1>, vector<16xi32>
            %add3A_1040 = arith.constant 2 : i32
            %add3A_1041 = arith.addi %add3A_88, %add3A_1040 : i32
            %mul3A_1042 = arith.constant 16 : i32
            %mul3A_1043 = arith.muli %scan3A_1017, %mul3A_1042 : i32
            %get3A_1044 = arith.index_cast %add3A_1041 : i32 to index
            %get3A_1045 = arith.index_cast %mul3A_1043 : i32 to index
            %get3A_1046 = tpu.vector_load %arg5[%get3A_1044, %get3A_1045] {strides = array<i32>} : memref<32x1024xf32, #tpu.memory_space<vmem>>, vector<1x16xf32>,
            %get3A_1047 = vector.shape_cast %get3A_1046 : vector<1x16xf32> to vector<16xf32>
            %gt3A_1048 = arith.cmpf ogt, %get3A_1047, %max3A_956 : vector<16xf32>
            %max3A_1049 = arith.maximumf %max3A_956, %get3A_1047 : vector<16xf32>
            %select_n3A_1050 = arith.select %gt3A_1048, %add3A_1015, %select_n3A_957 : vector<16xi1>, vector<16xi32>
            %add3A_1051 = arith.constant 3 : i32
            %add3A_1052 = arith.addi %add3A_88, %add3A_1051 : i32
            %mul3A_1053 = arith.constant 16 : i32
            %mul3A_1054 = arith.muli %scan3A_1017, %mul3A_1053 : i32
            %get3A_1055 = arith.index_cast %add3A_1052 : i32 to index
            %get3A_1056 = arith.index_cast %mul3A_1054 : i32 to index
            %get3A_1057 = tpu.vector_load %arg5[%get3A_1055, %get3A_1056] {strides = array<i32>} : memref<32x1024xf32, #tpu.memory_space<vmem>>, vector<1x16xf32>,
            %get3A_1058 = vector.shape_cast %get3A_1057 : vector<1x16xf32> to vector<16xf32>
            %gt3A_1059 = arith.cmpf ogt, %get3A_1058, %max3A_967 : vector<16xf32>
            %max3A_1060 = arith.maximumf %max3A_967, %get3A_1058 : vector<16xf32>
            %select_n3A_1061 = arith.select %gt3A_1059, %add3A_1015, %select_n3A_968 : vector<16xi1>, vector<16xi32>
            %add3A_1062 = arith.constant 4 : i32
            %add3A_1063 = arith.addi %add3A_88, %add3A_1062 : i32
            %mul3A_1064 = arith.constant 16 : i32
            %mul3A_1065 = arith.muli %scan3A_1017, %mul3A_1064 : i32
            %get3A_1066 = arith.index_cast %add3A_1063 : i32 to index
            %get3A_1067 = arith.index_cast %mul3A_1065 : i32 to index
            %get3A_1068 = tpu.vector_load %arg5[%get3A_1066, %get3A_1067] {strides = array<i32>} : memref<32x1024xf32, #tpu.memory_space<vmem>>, vector<1x16xf32>,
            %get3A_1069 = vector.shape_cast %get3A_1068 : vector<1x16xf32> to vector<16xf32>
            %gt3A_1070 = arith.cmpf ogt, %get3A_1069, %max3A_978 : vector<16xf32>
            %max3A_1071 = arith.maximumf %max3A_978, %get3A_1069 : vector<16xf32>
            %select_n3A_1072 = arith.select %gt3A_1070, %add3A_1015, %select_n3A_979 : vector<16xi1>, vector<16xi32>
            %add3A_1073 = arith.constant 5 : i32
            %add3A_1074 = arith.addi %add3A_88, %add3A_1073 : i32
            %mul3A_1075 = arith.constant 16 : i32
            %mul3A_1076 = arith.muli %scan3A_1017, %mul3A_1075 : i32
            %get3A_1077 = arith.index_cast %add3A_1074 : i32 to index
            %get3A_1078 = arith.index_cast %mul3A_1076 : i32 to index
            %get3A_1079 = tpu.vector_load %arg5[%get3A_1077, %get3A_1078] {strides = array<i32>} : memref<32x1024xf32, #tpu.memory_space<vmem>>, vector<1x16xf32>,
            %get3A_1080 = vector.shape_cast %get3A_1079 : vector<1x16xf32> to vector<16xf32>
            %gt3A_1081 = arith.cmpf ogt, %get3A_1080, %max3A_989 : vector<16xf32>
            %max3A_1082 = arith.maximumf %max3A_989, %get3A_1080 : vector<16xf32>
            %select_n3A_1083 = arith.select %gt3A_1081, %add3A_1015, %select_n3A_990 : vector<16xi1>, vector<16xi32>
            %add3A_1084 = arith.constant 6 : i32
            %add3A_1085 = arith.addi %add3A_88, %add3A_1084 : i32
            %mul3A_1086 = arith.constant 16 : i32
            %mul3A_1087 = arith.muli %scan3A_1017, %mul3A_1086 : i32
            %get3A_1088 = arith.index_cast %add3A_1085 : i32 to index
            %get3A_1089 = arith.index_cast %mul3A_1087 : i32 to index
            %get3A_1090 = tpu.vector_load %arg5[%get3A_1088, %get3A_1089] {strides = array<i32>} : memref<32x1024xf32, #tpu.memory_space<vmem>>, vector<1x16xf32>,
            %get3A_1091 = vector.shape_cast %get3A_1090 : vector<1x16xf32> to vector<16xf32>
            %gt3A_1092 = arith.cmpf ogt, %get3A_1091, %max3A_1000 : vector<16xf32>
            %max3A_1093 = arith.maximumf %max3A_1000, %get3A_1091 : vector<16xf32>
            %select_n3A_1094 = arith.select %gt3A_1092, %add3A_1015, %select_n3A_1001 : vector<16xi1>, vector<16xi32>
            %add3A_1095 = arith.constant 7 : i32
            %add3A_1096 = arith.addi %add3A_88, %add3A_1095 : i32
            %mul3A_1097 = arith.constant 16 : i32
            %mul3A_1098 = arith.muli %scan3A_1017, %mul3A_1097 : i32
            %get3A_1099 = arith.index_cast %add3A_1096 : i32 to index
            %get3A_1100 = arith.index_cast %mul3A_1098 : i32 to index
            %get3A_1101 = tpu.vector_load %arg5[%get3A_1099, %get3A_1100] {strides = array<i32>} : memref<32x1024xf32, #tpu.memory_space<vmem>>, vector<1x16xf32>,
            %get3A_1102 = vector.shape_cast %get3A_1101 : vector<1x16xf32> to vector<16xf32>
            %gt3A_1103 = arith.cmpf ogt, %get3A_1102, %max3A_1011 : vector<16xf32>
            %max3A_1104 = arith.maximumf %max3A_1011, %get3A_1102 : vector<16xf32>
            %select_n3A_1105 = arith.select %gt3A_1103, %add3A_1015, %select_n3A_1012 : vector<16xi1>, vector<16xi32>
            %add3A_1106 = arith.constant 16 : i32
            %add3A_1107 = vector.broadcast %add3A_1106 : i32 to vector<16xi32>
            %add3A_1108 = arith.addi %add3A_1015, %add3A_1107 : vector<16xi32>
            scf.yield %max3A_1027, %max3A_1038, %max3A_1049, %max3A_1060, %max3A_1071, %max3A_1082, %max3A_1093, %max3A_1104, %select_n3A_1028, %select_n3A_1039, %select_n3A_1050, %select_n3A_1061, %select_n3A_1072, %select_n3A_1083, %select_n3A_1094, %select_n3A_1105, %add3A_1108 : vector<16xf32>, vector<16xf32>, vector<16xf32>, vector<16xf32>, vector<16xf32>, vector<16xf32>, vector<16xf32>, vector<16xf32>, vector<16xi32>, vector<16xi32>, vector<16xi32>, vector<16xi32>, vector<16xi32>, vector<16xi32>, vector<16xi32>, vector<16xi32>, vector<16xi32>
          }
          %scan3A_97 = arith.constant 64 : i32
          %iota3A_98 = tpu.iota {dimensions = array<i32: 0>} : vector<16xi32>
          %xor3A = arith.constant 8 : i32
          %xor3A_99 = vector.broadcast %xor3A : i32 to vector<16xi32>
          %xor3A_100 = arith.xori %iota3A_98, %xor3A_99 : vector<16xi32>
          %broadcast_in_dim3A_101 = vector.shape_cast %xor3A_100 : vector<16xi32> to vector<16x1xi32>
          %gather3A = vector.shape_cast %broadcast_in_dim3A_101 : vector<16x1xi32> to vector<16xi32>
          %gather3A_102 = tpu.dynamic_gather %scan3A_96#0[%gather3A] in [0] : vector<16xf32>, vector<16xi32> -> vector<16xf32>
          %broadcast_in_dim3A_103 = vector.shape_cast %xor3A_100 : vector<16xi32> to vector<16x1xi32>
          %gather3A_104 = vector.shape_cast %broadcast_in_dim3A_103 : vector<16x1xi32> to vector<16xi32>
          %gather3A_105 = tpu.dynamic_gather %scan3A_96#8[%gather3A_104] in [0] : vector<16xi32>, vector<16xi32> -> vector<16xi32>
          %gt3A = arith.cmpf ogt, %gather3A_102, %scan3A_96#0 : vector<16xf32>
          %eq3A = arith.cmpf oeq, %gather3A_102, %scan3A_96#0 : vector<16xf32>
          %lt3A_106 = arith.cmpi slt, %gather3A_105, %scan3A_96#8 : vector<16xi32>
          %and3A = arith.andi %eq3A, %lt3A_106 : vector<16xi1>
          %or3A = arith.ori %gt3A, %and3A : vector<16xi1>
          %select_n3A = arith.select %or3A, %gather3A_102, %scan3A_96#0 : vector<16xi1>, vector<16xf32>
          %select_n3A_107 = arith.select %or3A, %gather3A_105, %scan3A_96#8 : vector<16xi1>, vector<16xi32>
          %xor3A_108 = arith.constant 4 : i32
          %xor3A_109 = vector.broadcast %xor3A_108 : i32 to vector<16xi32>
          %xor3A_110 = arith.xori %iota3A_98, %xor3A_109 : vector<16xi32>
          %broadcast_in_dim3A_111 = vector.shape_cast %xor3A_110 : vector<16xi32> to vector<16x1xi32>
          %gather3A_112 = vector.shape_cast %broadcast_in_dim3A_111 : vector<16x1xi32> to vector<16xi32>
          %gather3A_113 = tpu.dynamic_gather %select_n3A[%gather3A_112] in [0] : vector<16xf32>, vector<16xi32> -> vector<16xf32>
          %broadcast_in_dim3A_114 = vector.shape_cast %xor3A_110 : vector<16xi32> to vector<16x1xi32>
          %gather3A_115 = vector.shape_cast %broadcast_in_dim3A_114 : vector<16x1xi32> to vector<16xi32>
          %gather3A_116 = tpu.dynamic_gather %select_n3A_107[%gather3A_115] in [0] : vector<16xi32>, vector<16xi32> -> vector<16xi32>
          %gt3A_117 = arith.cmpf ogt, %gather3A_113, %select_n3A : vector<16xf32>
          %eq3A_118 = arith.cmpf oeq, %gather3A_113, %select_n3A : vector<16xf32>
          %lt3A_119 = arith.cmpi slt, %gather3A_116, %select_n3A_107 : vector<16xi32>
          %and3A_120 = arith.andi %eq3A_118, %lt3A_119 : vector<16xi1>
          %or3A_121 = arith.ori %gt3A_117, %and3A_120 : vector<16xi1>
          %select_n3A_122 = arith.select %or3A_121, %gather3A_113, %select_n3A : vector<16xi1>, vector<16xf32>
          %select_n3A_123 = arith.select %or3A_121, %gather3A_116, %select_n3A_107 : vector<16xi1>, vector<16xi32>
          %xor3A_124 = arith.constant 2 : i32
          %xor3A_125 = vector.broadcast %xor3A_124 : i32 to vector<16xi32>
          %xor3A_126 = arith.xori %iota3A_98, %xor3A_125 : vector<16xi32>
          %broadcast_in_dim3A_127 = vector.shape_cast %xor3A_126 : vector<16xi32> to vector<16x1xi32>
          %gather3A_128 = vector.shape_cast %broadcast_in_dim3A_127 : vector<16x1xi32> to vector<16xi32>
          %gather3A_129 = tpu.dynamic_gather %select_n3A_122[%gather3A_128] in [0] : vector<16xf32>, vector<16xi32> -> vector<16xf32>
          %broadcast_in_dim3A_130 = vector.shape_cast %xor3A_126 : vector<16xi32> to vector<16x1xi32>
          %gather3A_131 = vector.shape_cast %broadcast_in_dim3A_130 : vector<16x1xi32> to vector<16xi32>
          %gather3A_132 = tpu.dynamic_gather %select_n3A_123[%gather3A_131] in [0] : vector<16xi32>, vector<16xi32> -> vector<16xi32>
          %gt3A_133 = arith.cmpf ogt, %gather3A_129, %select_n3A_122 : vector<16xf32>
          %eq3A_134 = arith.cmpf oeq, %gather3A_129, %select_n3A_122 : vector<16xf32>
          %lt3A_135 = arith.cmpi slt, %gather3A_132, %select_n3A_123 : vector<16xi32>
          %and3A_136 = arith.andi %eq3A_134, %lt3A_135 : vector<16xi1>
          %or3A_137 = arith.ori %gt3A_133, %and3A_136 : vector<16xi1>
          %select_n3A_138 = arith.select %or3A_137, %gather3A_129, %select_n3A_122 : vector<16xi1>, vector<16xf32>
          %select_n3A_139 = arith.select %or3A_137, %gather3A_132, %select_n3A_123 : vector<16xi1>, vector<16xi32>
          %xor3A_140 = arith.constant 1 : i32
          %xor3A_141 = vector.broadcast %xor3A_140 : i32 to vector<16xi32>
          %xor3A_142 = arith.xori %iota3A_98, %xor3A_141 : vector<16xi32>
          %broadcast_in_dim3A_143 = vector.shape_cast %xor3A_142 : vector<16xi32> to vector<16x1xi32>
          %gather3A_144 = vector.shape_cast %broadcast_in_dim3A_143 : vector<16x1xi32> to vector<16xi32>
          %gather3A_145 = tpu.dynamic_gather %select_n3A_138[%gather3A_144] in [0] : vector<16xf32>, vector<16xi32> -> vector<16xf32>
          %broadcast_in_dim3A_146 = vector.shape_cast %xor3A_142 : vector<16xi32> to vector<16x1xi32>
          %gather3A_147 = vector.shape_cast %broadcast_in_dim3A_146 : vector<16x1xi32> to vector<16xi32>
          %gather3A_148 = tpu.dynamic_gather %select_n3A_139[%gather3A_147] in [0] : vector<16xi32>, vector<16xi32> -> vector<16xi32>
          %gt3A_149 = arith.cmpf ogt, %gather3A_145, %select_n3A_138 : vector<16xf32>
          %eq3A_150 = arith.cmpf oeq, %gather3A_145, %select_n3A_138 : vector<16xf32>
          %lt3A_151 = arith.cmpi slt, %gather3A_148, %select_n3A_139 : vector<16xi32>
          %and3A_152 = arith.andi %eq3A_150, %lt3A_151 : vector<16xi1>
          %or3A_153 = arith.ori %gt3A_149, %and3A_152 : vector<16xi1>
          %select_n3A_154 = arith.select %or3A_153, %gather3A_145, %select_n3A_138 : vector<16xi1>, vector<16xf32>
          %select_n3A_155 = arith.select %or3A_153, %gather3A_148, %select_n3A_139 : vector<16xi1>, vector<16xi32>
          %convert_element_type3A_156 = arith.sitofp %select_n3A_155 : vector<16xi32> to vector<16xf32>
          %mul3A_157 = arith.constant 0.0234604105 : f32
          %mul3A_158 = vector.broadcast %mul3A_157 : f32 to vector<16xf32>
          %mul3A_159 = arith.mulf %convert_element_type3A_156, %mul3A_158 : vector<16xf32>
          %add3A_160 = arith.constant 6.000000e+00 : f32
          %add3A_161 = vector.broadcast %add3A_160 : f32 to vector<16xf32>
          %add3A_162 = arith.addf %mul3A_159, %add3A_161 : vector<16xf32>
          %mul3A_163 = arith.constant 8 : i32
          %mul3A_164 = arith.muli %scan3A_82, %mul3A_163 : i32
          %add3A_165 = arith.constant 0 : i32
          %add3A_166 = arith.addi %mul3A_164, %add3A_165 : i32
          %eq3A_167 = vector.broadcast %add3A_166 : i32 to vector<16xi32>
          %eq3A_168 = arith.cmpi eq, %iota3A_55, %eq3A_167 : vector<16xi32>
          %select_n3A_169 = arith.select %eq3A_168, %add3A_162, %scan3A_83 : vector<16xi1>, vector<16xf32>
          %iota3A_170 = tpu.iota {dimensions = array<i32: 0>} : vector<16xi32>
          %xor3A_171 = arith.constant 8 : i32
          %xor3A_172 = vector.broadcast %xor3A_171 : i32 to vector<16xi32>
          %xor3A_173 = arith.xori %iota3A_170, %xor3A_172 : vector<16xi32>
          %broadcast_in_dim3A_174 = vector.shape_cast %xor3A_173 : vector<16xi32> to vector<16x1xi32>
          %gather3A_175 = vector.shape_cast %broadcast_in_dim3A_174 : vector<16x1xi32> to vector<16xi32>
          %gather3A_176 = tpu.dynamic_gather %scan3A_96#1[%gather3A_175] in [0] : vector<16xf32>, vector<16xi32> -> vector<16xf32>
          %broadcast_in_dim3A_177 = vector.shape_cast %xor3A_173 : vector<16xi32> to vector<16x1xi32>
          %gather3A_178 = vector.shape_cast %broadcast_in_dim3A_177 : vector<16x1xi32> to vector<16xi32>
          %gather3A_179 = tpu.dynamic_gather %scan3A_96#9[%gather3A_178] in [0] : vector<16xi32>, vector<16xi32> -> vector<16xi32>
          %gt3A_180 = arith.cmpf ogt, %gather3A_176, %scan3A_96#1 : vector<16xf32>
          %eq3A_181 = arith.cmpf oeq, %gather3A_176, %scan3A_96#1 : vector<16xf32>
          %lt3A_182 = arith.cmpi slt, %gather3A_179, %scan3A_96#9 : vector<16xi32>
          %and3A_183 = arith.andi %eq3A_181, %lt3A_182 : vector<16xi1>
          %or3A_184 = arith.ori %gt3A_180, %and3A_183 : vector<16xi1>
          %select_n3A_185 = arith.select %or3A_184, %gather3A_176, %scan3A_96#1 : vector<16xi1>, vector<16xf32>
          %select_n3A_186 = arith.select %or3A_184, %gather3A_179, %scan3A_96#9 : vector<16xi1>, vector<16xi32>
          %xor3A_187 = arith.constant 4 : i32
          %xor3A_188 = vector.broadcast %xor3A_187 : i32 to vector<16xi32>
          %xor3A_189 = arith.xori %iota3A_170, %xor3A_188 : vector<16xi32>
          %broadcast_in_dim3A_190 = vector.shape_cast %xor3A_189 : vector<16xi32> to vector<16x1xi32>
          %gather3A_191 = vector.shape_cast %broadcast_in_dim3A_190 : vector<16x1xi32> to vector<16xi32>
          %gather3A_192 = tpu.dynamic_gather %select_n3A_185[%gather3A_191] in [0] : vector<16xf32>, vector<16xi32> -> vector<16xf32>
          %broadcast_in_dim3A_193 = vector.shape_cast %xor3A_189 : vector<16xi32> to vector<16x1xi32>
          %gather3A_194 = vector.shape_cast %broadcast_in_dim3A_193 : vector<16x1xi32> to vector<16xi32>
          %gather3A_195 = tpu.dynamic_gather %select_n3A_186[%gather3A_194] in [0] : vector<16xi32>, vector<16xi32> -> vector<16xi32>
          %gt3A_196 = arith.cmpf ogt, %gather3A_192, %select_n3A_185 : vector<16xf32>
          %eq3A_197 = arith.cmpf oeq, %gather3A_192, %select_n3A_185 : vector<16xf32>
          %lt3A_198 = arith.cmpi slt, %gather3A_195, %select_n3A_186 : vector<16xi32>
          %and3A_199 = arith.andi %eq3A_197, %lt3A_198 : vector<16xi1>
          %or3A_200 = arith.ori %gt3A_196, %and3A_199 : vector<16xi1>
          %select_n3A_201 = arith.select %or3A_200, %gather3A_192, %select_n3A_185 : vector<16xi1>, vector<16xf32>
          %select_n3A_202 = arith.select %or3A_200, %gather3A_195, %select_n3A_186 : vector<16xi1>, vector<16xi32>
          %xor3A_203 = arith.constant 2 : i32
          %xor3A_204 = vector.broadcast %xor3A_203 : i32 to vector<16xi32>
          %xor3A_205 = arith.xori %iota3A_170, %xor3A_204 : vector<16xi32>
          %broadcast_in_dim3A_206 = vector.shape_cast %xor3A_205 : vector<16xi32> to vector<16x1xi32>
          %gather3A_207 = vector.shape_cast %broadcast_in_dim3A_206 : vector<16x1xi32> to vector<16xi32>
          %gather3A_208 = tpu.dynamic_gather %select_n3A_201[%gather3A_207] in [0] : vector<16xf32>, vector<16xi32> -> vector<16xf32>
          %broadcast_in_dim3A_209 = vector.shape_cast %xor3A_205 : vector<16xi32> to vector<16x1xi32>
          %gather3A_210 = vector.shape_cast %broadcast_in_dim3A_209 : vector<16x1xi32> to vector<16xi32>
          %gather3A_211 = tpu.dynamic_gather %select_n3A_202[%gather3A_210] in [0] : vector<16xi32>, vector<16xi32> -> vector<16xi32>
          %gt3A_212 = arith.cmpf ogt, %gather3A_208, %select_n3A_201 : vector<16xf32>
          %eq3A_213 = arith.cmpf oeq, %gather3A_208, %select_n3A_201 : vector<16xf32>
          %lt3A_214 = arith.cmpi slt, %gather3A_211, %select_n3A_202 : vector<16xi32>
          %and3A_215 = arith.andi %eq3A_213, %lt3A_214 : vector<16xi1>
          %or3A_216 = arith.ori %gt3A_212, %and3A_215 : vector<16xi1>
          %select_n3A_217 = arith.select %or3A_216, %gather3A_208, %select_n3A_201 : vector<16xi1>, vector<16xf32>
          %select_n3A_218 = arith.select %or3A_216, %gather3A_211, %select_n3A_202 : vector<16xi1>, vector<16xi32>
          %xor3A_219 = arith.constant 1 : i32
          %xor3A_220 = vector.broadcast %xor3A_219 : i32 to vector<16xi32>
          %xor3A_221 = arith.xori %iota3A_170, %xor3A_220 : vector<16xi32>
          %broadcast_in_dim3A_222 = vector.shape_cast %xor3A_221 : vector<16xi32> to vector<16x1xi32>
          %gather3A_223 = vector.shape_cast %broadcast_in_dim3A_222 : vector<16x1xi32> to vector<16xi32>
          %gather3A_224 = tpu.dynamic_gather %select_n3A_217[%gather3A_223] in [0] : vector<16xf32>, vector<16xi32> -> vector<16xf32>
          %broadcast_in_dim3A_225 = vector.shape_cast %xor3A_221 : vector<16xi32> to vector<16x1xi32>
          %gather3A_226 = vector.shape_cast %broadcast_in_dim3A_225 : vector<16x1xi32> to vector<16xi32>
          %gather3A_227 = tpu.dynamic_gather %select_n3A_218[%gather3A_226] in [0] : vector<16xi32>, vector<16xi32> -> vector<16xi32>
          %gt3A_228 = arith.cmpf ogt, %gather3A_224, %select_n3A_217 : vector<16xf32>
          %eq3A_229 = arith.cmpf oeq, %gather3A_224, %select_n3A_217 : vector<16xf32>
          %lt3A_230 = arith.cmpi slt, %gather3A_227, %select_n3A_218 : vector<16xi32>
          %and3A_231 = arith.andi %eq3A_229, %lt3A_230 : vector<16xi1>
          %or3A_232 = arith.ori %gt3A_228, %and3A_231 : vector<16xi1>
          %select_n3A_233 = arith.select %or3A_232, %gather3A_224, %select_n3A_217 : vector<16xi1>, vector<16xf32>
          %select_n3A_234 = arith.select %or3A_232, %gather3A_227, %select_n3A_218 : vector<16xi1>, vector<16xi32>
          %convert_element_type3A_235 = arith.sitofp %select_n3A_234 : vector<16xi32> to vector<16xf32>
          %mul3A_236 = arith.constant 0.0234604105 : f32
          %mul3A_237 = vector.broadcast %mul3A_236 : f32 to vector<16xf32>
          %mul3A_238 = arith.mulf %convert_element_type3A_235, %mul3A_237 : vector<16xf32>
          %add3A_239 = arith.constant 6.000000e+00 : f32
          %add3A_240 = vector.broadcast %add3A_239 : f32 to vector<16xf32>
          %add3A_241 = arith.addf %mul3A_238, %add3A_240 : vector<16xf32>
          %mul3A_242 = arith.constant 8 : i32
          %mul3A_243 = arith.muli %scan3A_82, %mul3A_242 : i32
          %add3A_244 = arith.constant 1 : i32
          %add3A_245 = arith.addi %mul3A_243, %add3A_244 : i32
          %eq3A_246 = vector.broadcast %add3A_245 : i32 to vector<16xi32>
          %eq3A_247 = arith.cmpi eq, %iota3A_55, %eq3A_246 : vector<16xi32>
          %select_n3A_248 = arith.select %eq3A_247, %add3A_241, %select_n3A_169 : vector<16xi1>, vector<16xf32>
          %iota3A_249 = tpu.iota {dimensions = array<i32: 0>} : vector<16xi32>
          %xor3A_250 = arith.constant 8 : i32
          %xor3A_251 = vector.broadcast %xor3A_250 : i32 to vector<16xi32>
          %xor3A_252 = arith.xori %iota3A_249, %xor3A_251 : vector<16xi32>
          %broadcast_in_dim3A_253 = vector.shape_cast %xor3A_252 : vector<16xi32> to vector<16x1xi32>
          %gather3A_254 = vector.shape_cast %broadcast_in_dim3A_253 : vector<16x1xi32> to vector<16xi32>
          %gather3A_255 = tpu.dynamic_gather %scan3A_96#2[%gather3A_254] in [0] : vector<16xf32>, vector<16xi32> -> vector<16xf32>
          %broadcast_in_dim3A_256 = vector.shape_cast %xor3A_252 : vector<16xi32> to vector<16x1xi32>
          %gather3A_257 = vector.shape_cast %broadcast_in_dim3A_256 : vector<16x1xi32> to vector<16xi32>
          %gather3A_258 = tpu.dynamic_gather %scan3A_96#10[%gather3A_257] in [0] : vector<16xi32>, vector<16xi32> -> vector<16xi32>
          %gt3A_259 = arith.cmpf ogt, %gather3A_255, %scan3A_96#2 : vector<16xf32>
          %eq3A_260 = arith.cmpf oeq, %gather3A_255, %scan3A_96#2 : vector<16xf32>
          %lt3A_261 = arith.cmpi slt, %gather3A_258, %scan3A_96#10 : vector<16xi32>
          %and3A_262 = arith.andi %eq3A_260, %lt3A_261 : vector<16xi1>
          %or3A_263 = arith.ori %gt3A_259, %and3A_262 : vector<16xi1>
          %select_n3A_264 = arith.select %or3A_263, %gather3A_255, %scan3A_96#2 : vector<16xi1>, vector<16xf32>
          %select_n3A_265 = arith.select %or3A_263, %gather3A_258, %scan3A_96#10 : vector<16xi1>, vector<16xi32>
          %xor3A_266 = arith.constant 4 : i32
          %xor3A_267 = vector.broadcast %xor3A_266 : i32 to vector<16xi32>
          %xor3A_268 = arith.xori %iota3A_249, %xor3A_267 : vector<16xi32>
          %broadcast_in_dim3A_269 = vector.shape_cast %xor3A_268 : vector<16xi32> to vector<16x1xi32>
          %gather3A_270 = vector.shape_cast %broadcast_in_dim3A_269 : vector<16x1xi32> to vector<16xi32>
          %gather3A_271 = tpu.dynamic_gather %select_n3A_264[%gather3A_270] in [0] : vector<16xf32>, vector<16xi32> -> vector<16xf32>
          %broadcast_in_dim3A_272 = vector.shape_cast %xor3A_268 : vector<16xi32> to vector<16x1xi32>
          %gather3A_273 = vector.shape_cast %broadcast_in_dim3A_272 : vector<16x1xi32> to vector<16xi32>
          %gather3A_274 = tpu.dynamic_gather %select_n3A_265[%gather3A_273] in [0] : vector<16xi32>, vector<16xi32> -> vector<16xi32>
          %gt3A_275 = arith.cmpf ogt, %gather3A_271, %select_n3A_264 : vector<16xf32>
          %eq3A_276 = arith.cmpf oeq, %gather3A_271, %select_n3A_264 : vector<16xf32>
          %lt3A_277 = arith.cmpi slt, %gather3A_274, %select_n3A_265 : vector<16xi32>
          %and3A_278 = arith.andi %eq3A_276, %lt3A_277 : vector<16xi1>
          %or3A_279 = arith.ori %gt3A_275, %and3A_278 : vector<16xi1>
          %select_n3A_280 = arith.select %or3A_279, %gather3A_271, %select_n3A_264 : vector<16xi1>, vector<16xf32>
          %select_n3A_281 = arith.select %or3A_279, %gather3A_274, %select_n3A_265 : vector<16xi1>, vector<16xi32>
          %xor3A_282 = arith.constant 2 : i32
          %xor3A_283 = vector.broadcast %xor3A_282 : i32 to vector<16xi32>
          %xor3A_284 = arith.xori %iota3A_249, %xor3A_283 : vector<16xi32>
          %broadcast_in_dim3A_285 = vector.shape_cast %xor3A_284 : vector<16xi32> to vector<16x1xi32>
          %gather3A_286 = vector.shape_cast %broadcast_in_dim3A_285 : vector<16x1xi32> to vector<16xi32>
          %gather3A_287 = tpu.dynamic_gather %select_n3A_280[%gather3A_286] in [0] : vector<16xf32>, vector<16xi32> -> vector<16xf32>
          %broadcast_in_dim3A_288 = vector.shape_cast %xor3A_284 : vector<16xi32> to vector<16x1xi32>
          %gather3A_289 = vector.shape_cast %broadcast_in_dim3A_288 : vector<16x1xi32> to vector<16xi32>
          %gather3A_290 = tpu.dynamic_gather %select_n3A_281[%gather3A_289] in [0] : vector<16xi32>, vector<16xi32> -> vector<16xi32>
          %gt3A_291 = arith.cmpf ogt, %gather3A_287, %select_n3A_280 : vector<16xf32>
          %eq3A_292 = arith.cmpf oeq, %gather3A_287, %select_n3A_280 : vector<16xf32>
          %lt3A_293 = arith.cmpi slt, %gather3A_290, %select_n3A_281 : vector<16xi32>
          %and3A_294 = arith.andi %eq3A_292, %lt3A_293 : vector<16xi1>
          %or3A_295 = arith.ori %gt3A_291, %and3A_294 : vector<16xi1>
          %select_n3A_296 = arith.select %or3A_295, %gather3A_287, %select_n3A_280 : vector<16xi1>, vector<16xf32>
          %select_n3A_297 = arith.select %or3A_295, %gather3A_290, %select_n3A_281 : vector<16xi1>, vector<16xi32>
          %xor3A_298 = arith.constant 1 : i32
          %xor3A_299 = vector.broadcast %xor3A_298 : i32 to vector<16xi32>
          %xor3A_300 = arith.xori %iota3A_249, %xor3A_299 : vector<16xi32>
          %broadcast_in_dim3A_301 = vector.shape_cast %xor3A_300 : vector<16xi32> to vector<16x1xi32>
          %gather3A_302 = vector.shape_cast %broadcast_in_dim3A_301 : vector<16x1xi32> to vector<16xi32>
          %gather3A_303 = tpu.dynamic_gather %select_n3A_296[%gather3A_302] in [0] : vector<16xf32>, vector<16xi32> -> vector<16xf32>
          %broadcast_in_dim3A_304 = vector.shape_cast %xor3A_300 : vector<16xi32> to vector<16x1xi32>
          %gather3A_305 = vector.shape_cast %broadcast_in_dim3A_304 : vector<16x1xi32> to vector<16xi32>
          %gather3A_306 = tpu.dynamic_gather %select_n3A_297[%gather3A_305] in [0] : vector<16xi32>, vector<16xi32> -> vector<16xi32>
          %gt3A_307 = arith.cmpf ogt, %gather3A_303, %select_n3A_296 : vector<16xf32>
          %eq3A_308 = arith.cmpf oeq, %gather3A_303, %select_n3A_296 : vector<16xf32>
          %lt3A_309 = arith.cmpi slt, %gather3A_306, %select_n3A_297 : vector<16xi32>
          %and3A_310 = arith.andi %eq3A_308, %lt3A_309 : vector<16xi1>
          %or3A_311 = arith.ori %gt3A_307, %and3A_310 : vector<16xi1>
          %select_n3A_312 = arith.select %or3A_311, %gather3A_303, %select_n3A_296 : vector<16xi1>, vector<16xf32>
          %select_n3A_313 = arith.select %or3A_311, %gather3A_306, %select_n3A_297 : vector<16xi1>, vector<16xi32>
          %convert_element_type3A_314 = arith.sitofp %select_n3A_313 : vector<16xi32> to vector<16xf32>
          %mul3A_315 = arith.constant 0.0234604105 : f32
          %mul3A_316 = vector.broadcast %mul3A_315 : f32 to vector<16xf32>
          %mul3A_317 = arith.mulf %convert_element_type3A_314, %mul3A_316 : vector<16xf32>
          %add3A_318 = arith.constant 6.000000e+00 : f32
          %add3A_319 = vector.broadcast %add3A_318 : f32 to vector<16xf32>
          %add3A_320 = arith.addf %mul3A_317, %add3A_319 : vector<16xf32>
          %mul3A_321 = arith.constant 8 : i32
          %mul3A_322 = arith.muli %scan3A_82, %mul3A_321 : i32
          %add3A_323 = arith.constant 2 : i32
          %add3A_324 = arith.addi %mul3A_322, %add3A_323 : i32
          %eq3A_325 = vector.broadcast %add3A_324 : i32 to vector<16xi32>
          %eq3A_326 = arith.cmpi eq, %iota3A_55, %eq3A_325 : vector<16xi32>
          %select_n3A_327 = arith.select %eq3A_326, %add3A_320, %select_n3A_248 : vector<16xi1>, vector<16xf32>
          %iota3A_328 = tpu.iota {dimensions = array<i32: 0>} : vector<16xi32>
          %xor3A_329 = arith.constant 8 : i32
          %xor3A_330 = vector.broadcast %xor3A_329 : i32 to vector<16xi32>
          %xor3A_331 = arith.xori %iota3A_328, %xor3A_330 : vector<16xi32>
          %broadcast_in_dim3A_332 = vector.shape_cast %xor3A_331 : vector<16xi32> to vector<16x1xi32>
          %gather3A_333 = vector.shape_cast %broadcast_in_dim3A_332 : vector<16x1xi32> to vector<16xi32>
          %gather3A_334 = tpu.dynamic_gather %scan3A_96#3[%gather3A_333] in [0] : vector<16xf32>, vector<16xi32> -> vector<16xf32>
          %broadcast_in_dim3A_335 = vector.shape_cast %xor3A_331 : vector<16xi32> to vector<16x1xi32>
          %gather3A_336 = vector.shape_cast %broadcast_in_dim3A_335 : vector<16x1xi32> to vector<16xi32>
          %gather3A_337 = tpu.dynamic_gather %scan3A_96#11[%gather3A_336] in [0] : vector<16xi32>, vector<16xi32> -> vector<16xi32>
          %gt3A_338 = arith.cmpf ogt, %gather3A_334, %scan3A_96#3 : vector<16xf32>
          %eq3A_339 = arith.cmpf oeq, %gather3A_334, %scan3A_96#3 : vector<16xf32>
          %lt3A_340 = arith.cmpi slt, %gather3A_337, %scan3A_96#11 : vector<16xi32>
          %and3A_341 = arith.andi %eq3A_339, %lt3A_340 : vector<16xi1>
          %or3A_342 = arith.ori %gt3A_338, %and3A_341 : vector<16xi1>
          %select_n3A_343 = arith.select %or3A_342, %gather3A_334, %scan3A_96#3 : vector<16xi1>, vector<16xf32>
          %select_n3A_344 = arith.select %or3A_342, %gather3A_337, %scan3A_96#11 : vector<16xi1>, vector<16xi32>
          %xor3A_345 = arith.constant 4 : i32
          %xor3A_346 = vector.broadcast %xor3A_345 : i32 to vector<16xi32>
          %xor3A_347 = arith.xori %iota3A_328, %xor3A_346 : vector<16xi32>
          %broadcast_in_dim3A_348 = vector.shape_cast %xor3A_347 : vector<16xi32> to vector<16x1xi32>
          %gather3A_349 = vector.shape_cast %broadcast_in_dim3A_348 : vector<16x1xi32> to vector<16xi32>
          %gather3A_350 = tpu.dynamic_gather %select_n3A_343[%gather3A_349] in [0] : vector<16xf32>, vector<16xi32> -> vector<16xf32>
          %broadcast_in_dim3A_351 = vector.shape_cast %xor3A_347 : vector<16xi32> to vector<16x1xi32>
          %gather3A_352 = vector.shape_cast %broadcast_in_dim3A_351 : vector<16x1xi32> to vector<16xi32>
          %gather3A_353 = tpu.dynamic_gather %select_n3A_344[%gather3A_352] in [0] : vector<16xi32>, vector<16xi32> -> vector<16xi32>
          %gt3A_354 = arith.cmpf ogt, %gather3A_350, %select_n3A_343 : vector<16xf32>
          %eq3A_355 = arith.cmpf oeq, %gather3A_350, %select_n3A_343 : vector<16xf32>
          %lt3A_356 = arith.cmpi slt, %gather3A_353, %select_n3A_344 : vector<16xi32>
          %and3A_357 = arith.andi %eq3A_355, %lt3A_356 : vector<16xi1>
          %or3A_358 = arith.ori %gt3A_354, %and3A_357 : vector<16xi1>
          %select_n3A_359 = arith.select %or3A_358, %gather3A_350, %select_n3A_343 : vector<16xi1>, vector<16xf32>
          %select_n3A_360 = arith.select %or3A_358, %gather3A_353, %select_n3A_344 : vector<16xi1>, vector<16xi32>
          %xor3A_361 = arith.constant 2 : i32
          %xor3A_362 = vector.broadcast %xor3A_361 : i32 to vector<16xi32>
          %xor3A_363 = arith.xori %iota3A_328, %xor3A_362 : vector<16xi32>
          %broadcast_in_dim3A_364 = vector.shape_cast %xor3A_363 : vector<16xi32> to vector<16x1xi32>
          %gather3A_365 = vector.shape_cast %broadcast_in_dim3A_364 : vector<16x1xi32> to vector<16xi32>
          %gather3A_366 = tpu.dynamic_gather %select_n3A_359[%gather3A_365] in [0] : vector<16xf32>, vector<16xi32> -> vector<16xf32>
          %broadcast_in_dim3A_367 = vector.shape_cast %xor3A_363 : vector<16xi32> to vector<16x1xi32>
          %gather3A_368 = vector.shape_cast %broadcast_in_dim3A_367 : vector<16x1xi32> to vector<16xi32>
          %gather3A_369 = tpu.dynamic_gather %select_n3A_360[%gather3A_368] in [0] : vector<16xi32>, vector<16xi32> -> vector<16xi32>
          %gt3A_370 = arith.cmpf ogt, %gather3A_366, %select_n3A_359 : vector<16xf32>
          %eq3A_371 = arith.cmpf oeq, %gather3A_366, %select_n3A_359 : vector<16xf32>
          %lt3A_372 = arith.cmpi slt, %gather3A_369, %select_n3A_360 : vector<16xi32>
          %and3A_373 = arith.andi %eq3A_371, %lt3A_372 : vector<16xi1>
          %or3A_374 = arith.ori %gt3A_370, %and3A_373 : vector<16xi1>
          %select_n3A_375 = arith.select %or3A_374, %gather3A_366, %select_n3A_359 : vector<16xi1>, vector<16xf32>
          %select_n3A_376 = arith.select %or3A_374, %gather3A_369, %select_n3A_360 : vector<16xi1>, vector<16xi32>
          %xor3A_377 = arith.constant 1 : i32
          %xor3A_378 = vector.broadcast %xor3A_377 : i32 to vector<16xi32>
          %xor3A_379 = arith.xori %iota3A_328, %xor3A_378 : vector<16xi32>
          %broadcast_in_dim3A_380 = vector.shape_cast %xor3A_379 : vector<16xi32> to vector<16x1xi32>
          %gather3A_381 = vector.shape_cast %broadcast_in_dim3A_380 : vector<16x1xi32> to vector<16xi32>
          %gather3A_382 = tpu.dynamic_gather %select_n3A_375[%gather3A_381] in [0] : vector<16xf32>, vector<16xi32> -> vector<16xf32>
          %broadcast_in_dim3A_383 = vector.shape_cast %xor3A_379 : vector<16xi32> to vector<16x1xi32>
          %gather3A_384 = vector.shape_cast %broadcast_in_dim3A_383 : vector<16x1xi32> to vector<16xi32>
          %gather3A_385 = tpu.dynamic_gather %select_n3A_376[%gather3A_384] in [0] : vector<16xi32>, vector<16xi32> -> vector<16xi32>
          %gt3A_386 = arith.cmpf ogt, %gather3A_382, %select_n3A_375 : vector<16xf32>
          %eq3A_387 = arith.cmpf oeq, %gather3A_382, %select_n3A_375 : vector<16xf32>
          %lt3A_388 = arith.cmpi slt, %gather3A_385, %select_n3A_376 : vector<16xi32>
          %and3A_389 = arith.andi %eq3A_387, %lt3A_388 : vector<16xi1>
          %or3A_390 = arith.ori %gt3A_386, %and3A_389 : vector<16xi1>
          %select_n3A_391 = arith.select %or3A_390, %gather3A_382, %select_n3A_375 : vector<16xi1>, vector<16xf32>
          %select_n3A_392 = arith.select %or3A_390, %gather3A_385, %select_n3A_376 : vector<16xi1>, vector<16xi32>
          %convert_element_type3A_393 = arith.sitofp %select_n3A_392 : vector<16xi32> to vector<16xf32>
          %mul3A_394 = arith.constant 0.0234604105 : f32
          %mul3A_395 = vector.broadcast %mul3A_394 : f32 to vector<16xf32>
          %mul3A_396 = arith.mulf %convert_element_type3A_393, %mul3A_395 : vector<16xf32>
          %add3A_397 = arith.constant 6.000000e+00 : f32
          %add3A_398 = vector.broadcast %add3A_397 : f32 to vector<16xf32>
          %add3A_399 = arith.addf %mul3A_396, %add3A_398 : vector<16xf32>
          %mul3A_400 = arith.constant 8 : i32
          %mul3A_401 = arith.muli %scan3A_82, %mul3A_400 : i32
          %add3A_402 = arith.constant 3 : i32
          %add3A_403 = arith.addi %mul3A_401, %add3A_402 : i32
          %eq3A_404 = vector.broadcast %add3A_403 : i32 to vector<16xi32>
          %eq3A_405 = arith.cmpi eq, %iota3A_55, %eq3A_404 : vector<16xi32>
          %select_n3A_406 = arith.select %eq3A_405, %add3A_399, %select_n3A_327 : vector<16xi1>, vector<16xf32>
          %iota3A_407 = tpu.iota {dimensions = array<i32: 0>} : vector<16xi32>
          %xor3A_408 = arith.constant 8 : i32
          %xor3A_409 = vector.broadcast %xor3A_408 : i32 to vector<16xi32>
          %xor3A_410 = arith.xori %iota3A_407, %xor3A_409 : vector<16xi32>
          %broadcast_in_dim3A_411 = vector.shape_cast %xor3A_410 : vector<16xi32> to vector<16x1xi32>
          %gather3A_412 = vector.shape_cast %broadcast_in_dim3A_411 : vector<16x1xi32> to vector<16xi32>
          %gather3A_413 = tpu.dynamic_gather %scan3A_96#4[%gather3A_412] in [0] : vector<16xf32>, vector<16xi32> -> vector<16xf32>
          %broadcast_in_dim3A_414 = vector.shape_cast %xor3A_410 : vector<16xi32> to vector<16x1xi32>
          %gather3A_415 = vector.shape_cast %broadcast_in_dim3A_414 : vector<16x1xi32> to vector<16xi32>
          %gather3A_416 = tpu.dynamic_gather %scan3A_96#12[%gather3A_415] in [0] : vector<16xi32>, vector<16xi32> -> vector<16xi32>
          %gt3A_417 = arith.cmpf ogt, %gather3A_413, %scan3A_96#4 : vector<16xf32>
          %eq3A_418 = arith.cmpf oeq, %gather3A_413, %scan3A_96#4 : vector<16xf32>
          %lt3A_419 = arith.cmpi slt, %gather3A_416, %scan3A_96#12 : vector<16xi32>
          %and3A_420 = arith.andi %eq3A_418, %lt3A_419 : vector<16xi1>
          %or3A_421 = arith.ori %gt3A_417, %and3A_420 : vector<16xi1>
          %select_n3A_422 = arith.select %or3A_421, %gather3A_413, %scan3A_96#4 : vector<16xi1>, vector<16xf32>
          %select_n3A_423 = arith.select %or3A_421, %gather3A_416, %scan3A_96#12 : vector<16xi1>, vector<16xi32>
          %xor3A_424 = arith.constant 4 : i32
          %xor3A_425 = vector.broadcast %xor3A_424 : i32 to vector<16xi32>
          %xor3A_426 = arith.xori %iota3A_407, %xor3A_425 : vector<16xi32>
          %broadcast_in_dim3A_427 = vector.shape_cast %xor3A_426 : vector<16xi32> to vector<16x1xi32>
          %gather3A_428 = vector.shape_cast %broadcast_in_dim3A_427 : vector<16x1xi32> to vector<16xi32>
          %gather3A_429 = tpu.dynamic_gather %select_n3A_422[%gather3A_428] in [0] : vector<16xf32>, vector<16xi32> -> vector<16xf32>
          %broadcast_in_dim3A_430 = vector.shape_cast %xor3A_426 : vector<16xi32> to vector<16x1xi32>
          %gather3A_431 = vector.shape_cast %broadcast_in_dim3A_430 : vector<16x1xi32> to vector<16xi32>
          %gather3A_432 = tpu.dynamic_gather %select_n3A_423[%gather3A_431] in [0] : vector<16xi32>, vector<16xi32> -> vector<16xi32>
          %gt3A_433 = arith.cmpf ogt, %gather3A_429, %select_n3A_422 : vector<16xf32>
          %eq3A_434 = arith.cmpf oeq, %gather3A_429, %select_n3A_422 : vector<16xf32>
          %lt3A_435 = arith.cmpi slt, %gather3A_432, %select_n3A_423 : vector<16xi32>
          %and3A_436 = arith.andi %eq3A_434, %lt3A_435 : vector<16xi1>
          %or3A_437 = arith.ori %gt3A_433, %and3A_436 : vector<16xi1>
          %select_n3A_438 = arith.select %or3A_437, %gather3A_429, %select_n3A_422 : vector<16xi1>, vector<16xf32>
          %select_n3A_439 = arith.select %or3A_437, %gather3A_432, %select_n3A_423 : vector<16xi1>, vector<16xi32>
          %xor3A_440 = arith.constant 2 : i32
          %xor3A_441 = vector.broadcast %xor3A_440 : i32 to vector<16xi32>
          %xor3A_442 = arith.xori %iota3A_407, %xor3A_441 : vector<16xi32>
          %broadcast_in_dim3A_443 = vector.shape_cast %xor3A_442 : vector<16xi32> to vector<16x1xi32>
          %gather3A_444 = vector.shape_cast %broadcast_in_dim3A_443 : vector<16x1xi32> to vector<16xi32>
          %gather3A_445 = tpu.dynamic_gather %select_n3A_438[%gather3A_444] in [0] : vector<16xf32>, vector<16xi32> -> vector<16xf32>
          %broadcast_in_dim3A_446 = vector.shape_cast %xor3A_442 : vector<16xi32> to vector<16x1xi32>
          %gather3A_447 = vector.shape_cast %broadcast_in_dim3A_446 : vector<16x1xi32> to vector<16xi32>
          %gather3A_448 = tpu.dynamic_gather %select_n3A_439[%gather3A_447] in [0] : vector<16xi32>, vector<16xi32> -> vector<16xi32>
          %gt3A_449 = arith.cmpf ogt, %gather3A_445, %select_n3A_438 : vector<16xf32>
          %eq3A_450 = arith.cmpf oeq, %gather3A_445, %select_n3A_438 : vector<16xf32>
          %lt3A_451 = arith.cmpi slt, %gather3A_448, %select_n3A_439 : vector<16xi32>
          %and3A_452 = arith.andi %eq3A_450, %lt3A_451 : vector<16xi1>
          %or3A_453 = arith.ori %gt3A_449, %and3A_452 : vector<16xi1>
          %select_n3A_454 = arith.select %or3A_453, %gather3A_445, %select_n3A_438 : vector<16xi1>, vector<16xf32>
          %select_n3A_455 = arith.select %or3A_453, %gather3A_448, %select_n3A_439 : vector<16xi1>, vector<16xi32>
          %xor3A_456 = arith.constant 1 : i32
          %xor3A_457 = vector.broadcast %xor3A_456 : i32 to vector<16xi32>
          %xor3A_458 = arith.xori %iota3A_407, %xor3A_457 : vector<16xi32>
          %broadcast_in_dim3A_459 = vector.shape_cast %xor3A_458 : vector<16xi32> to vector<16x1xi32>
          %gather3A_460 = vector.shape_cast %broadcast_in_dim3A_459 : vector<16x1xi32> to vector<16xi32>
          %gather3A_461 = tpu.dynamic_gather %select_n3A_454[%gather3A_460] in [0] : vector<16xf32>, vector<16xi32> -> vector<16xf32>
          %broadcast_in_dim3A_462 = vector.shape_cast %xor3A_458 : vector<16xi32> to vector<16x1xi32>
          %gather3A_463 = vector.shape_cast %broadcast_in_dim3A_462 : vector<16x1xi32> to vector<16xi32>
          %gather3A_464 = tpu.dynamic_gather %select_n3A_455[%gather3A_463] in [0] : vector<16xi32>, vector<16xi32> -> vector<16xi32>
          %gt3A_465 = arith.cmpf ogt, %gather3A_461, %select_n3A_454 : vector<16xf32>
          %eq3A_466 = arith.cmpf oeq, %gather3A_461, %select_n3A_454 : vector<16xf32>
          %lt3A_467 = arith.cmpi slt, %gather3A_464, %select_n3A_455 : vector<16xi32>
          %and3A_468 = arith.andi %eq3A_466, %lt3A_467 : vector<16xi1>
          %or3A_469 = arith.ori %gt3A_465, %and3A_468 : vector<16xi1>
          %select_n3A_470 = arith.select %or3A_469, %gather3A_461, %select_n3A_454 : vector<16xi1>, vector<16xf32>
          %select_n3A_471 = arith.select %or3A_469, %gather3A_464, %select_n3A_455 : vector<16xi1>, vector<16xi32>
          %convert_element_type3A_472 = arith.sitofp %select_n3A_471 : vector<16xi32> to vector<16xf32>
          %mul3A_473 = arith.constant 0.0234604105 : f32
          %mul3A_474 = vector.broadcast %mul3A_473 : f32 to vector<16xf32>
          %mul3A_475 = arith.mulf %convert_element_type3A_472, %mul3A_474 : vector<16xf32>
          %add3A_476 = arith.constant 6.000000e+00 : f32
          %add3A_477 = vector.broadcast %add3A_476 : f32 to vector<16xf32>
          %add3A_478 = arith.addf %mul3A_475, %add3A_477 : vector<16xf32>
          %mul3A_479 = arith.constant 8 : i32
          %mul3A_480 = arith.muli %scan3A_82, %mul3A_479 : i32
          %add3A_481 = arith.constant 4 : i32
          %add3A_482 = arith.addi %mul3A_480, %add3A_481 : i32
          %eq3A_483 = vector.broadcast %add3A_482 : i32 to vector<16xi32>
          %eq3A_484 = arith.cmpi eq, %iota3A_55, %eq3A_483 : vector<16xi32>
          %select_n3A_485 = arith.select %eq3A_484, %add3A_478, %select_n3A_406 : vector<16xi1>, vector<16xf32>
          %iota3A_486 = tpu.iota {dimensions = array<i32: 0>} : vector<16xi32>
          %xor3A_487 = arith.constant 8 : i32
          %xor3A_488 = vector.broadcast %xor3A_487 : i32 to vector<16xi32>
          %xor3A_489 = arith.xori %iota3A_486, %xor3A_488 : vector<16xi32>
          %broadcast_in_dim3A_490 = vector.shape_cast %xor3A_489 : vector<16xi32> to vector<16x1xi32>
          %gather3A_491 = vector.shape_cast %broadcast_in_dim3A_490 : vector<16x1xi32> to vector<16xi32>
          %gather3A_492 = tpu.dynamic_gather %scan3A_96#5[%gather3A_491] in [0] : vector<16xf32>, vector<16xi32> -> vector<16xf32>
          %broadcast_in_dim3A_493 = vector.shape_cast %xor3A_489 : vector<16xi32> to vector<16x1xi32>
          %gather3A_494 = vector.shape_cast %broadcast_in_dim3A_493 : vector<16x1xi32> to vector<16xi32>
          %gather3A_495 = tpu.dynamic_gather %scan3A_96#13[%gather3A_494] in [0] : vector<16xi32>, vector<16xi32> -> vector<16xi32>
          %gt3A_496 = arith.cmpf ogt, %gather3A_492, %scan3A_96#5 : vector<16xf32>
          %eq3A_497 = arith.cmpf oeq, %gather3A_492, %scan3A_96#5 : vector<16xf32>
          %lt3A_498 = arith.cmpi slt, %gather3A_495, %scan3A_96#13 : vector<16xi32>
          %and3A_499 = arith.andi %eq3A_497, %lt3A_498 : vector<16xi1>
          %or3A_500 = arith.ori %gt3A_496, %and3A_499 : vector<16xi1>
          %select_n3A_501 = arith.select %or3A_500, %gather3A_492, %scan3A_96#5 : vector<16xi1>, vector<16xf32>
          %select_n3A_502 = arith.select %or3A_500, %gather3A_495, %scan3A_96#13 : vector<16xi1>, vector<16xi32>
          %xor3A_503 = arith.constant 4 : i32
          %xor3A_504 = vector.broadcast %xor3A_503 : i32 to vector<16xi32>
          %xor3A_505 = arith.xori %iota3A_486, %xor3A_504 : vector<16xi32>
          %broadcast_in_dim3A_506 = vector.shape_cast %xor3A_505 : vector<16xi32> to vector<16x1xi32>
          %gather3A_507 = vector.shape_cast %broadcast_in_dim3A_506 : vector<16x1xi32> to vector<16xi32>
          %gather3A_508 = tpu.dynamic_gather %select_n3A_501[%gather3A_507] in [0] : vector<16xf32>, vector<16xi32> -> vector<16xf32>
          %broadcast_in_dim3A_509 = vector.shape_cast %xor3A_505 : vector<16xi32> to vector<16x1xi32>
          %gather3A_510 = vector.shape_cast %broadcast_in_dim3A_509 : vector<16x1xi32> to vector<16xi32>
          %gather3A_511 = tpu.dynamic_gather %select_n3A_502[%gather3A_510] in [0] : vector<16xi32>, vector<16xi32> -> vector<16xi32>
          %gt3A_512 = arith.cmpf ogt, %gather3A_508, %select_n3A_501 : vector<16xf32>
          %eq3A_513 = arith.cmpf oeq, %gather3A_508, %select_n3A_501 : vector<16xf32>
          %lt3A_514 = arith.cmpi slt, %gather3A_511, %select_n3A_502 : vector<16xi32>
          %and3A_515 = arith.andi %eq3A_513, %lt3A_514 : vector<16xi1>
          %or3A_516 = arith.ori %gt3A_512, %and3A_515 : vector<16xi1>
          %select_n3A_517 = arith.select %or3A_516, %gather3A_508, %select_n3A_501 : vector<16xi1>, vector<16xf32>
          %select_n3A_518 = arith.select %or3A_516, %gather3A_511, %select_n3A_502 : vector<16xi1>, vector<16xi32>
          %xor3A_519 = arith.constant 2 : i32
          %xor3A_520 = vector.broadcast %xor3A_519 : i32 to vector<16xi32>
          %xor3A_521 = arith.xori %iota3A_486, %xor3A_520 : vector<16xi32>
          %broadcast_in_dim3A_522 = vector.shape_cast %xor3A_521 : vector<16xi32> to vector<16x1xi32>
          %gather3A_523 = vector.shape_cast %broadcast_in_dim3A_522 : vector<16x1xi32> to vector<16xi32>
          %gather3A_524 = tpu.dynamic_gather %select_n3A_517[%gather3A_523] in [0] : vector<16xf32>, vector<16xi32> -> vector<16xf32>
          %broadcast_in_dim3A_525 = vector.shape_cast %xor3A_521 : vector<16xi32> to vector<16x1xi32>
          %gather3A_526 = vector.shape_cast %broadcast_in_dim3A_525 : vector<16x1xi32> to vector<16xi32>
          %gather3A_527 = tpu.dynamic_gather %select_n3A_518[%gather3A_526] in [0] : vector<16xi32>, vector<16xi32> -> vector<16xi32>
          %gt3A_528 = arith.cmpf ogt, %gather3A_524, %select_n3A_517 : vector<16xf32>
          %eq3A_529 = arith.cmpf oeq, %gather3A_524, %select_n3A_517 : vector<16xf32>
          %lt3A_530 = arith.cmpi slt, %gather3A_527, %select_n3A_518 : vector<16xi32>
          %and3A_531 = arith.andi %eq3A_529, %lt3A_530 : vector<16xi1>
          %or3A_532 = arith.ori %gt3A_528, %and3A_531 : vector<16xi1>
          %select_n3A_533 = arith.select %or3A_532, %gather3A_524, %select_n3A_517 : vector<16xi1>, vector<16xf32>
          %select_n3A_534 = arith.select %or3A_532, %gather3A_527, %select_n3A_518 : vector<16xi1>, vector<16xi32>
          %xor3A_535 = arith.constant 1 : i32
          %xor3A_536 = vector.broadcast %xor3A_535 : i32 to vector<16xi32>
          %xor3A_537 = arith.xori %iota3A_486, %xor3A_536 : vector<16xi32>
          %broadcast_in_dim3A_538 = vector.shape_cast %xor3A_537 : vector<16xi32> to vector<16x1xi32>
          %gather3A_539 = vector.shape_cast %broadcast_in_dim3A_538 : vector<16x1xi32> to vector<16xi32>
          %gather3A_540 = tpu.dynamic_gather %select_n3A_533[%gather3A_539] in [0] : vector<16xf32>, vector<16xi32> -> vector<16xf32>
          %broadcast_in_dim3A_541 = vector.shape_cast %xor3A_537 : vector<16xi32> to vector<16x1xi32>
          %gather3A_542 = vector.shape_cast %broadcast_in_dim3A_541 : vector<16x1xi32> to vector<16xi32>
          %gather3A_543 = tpu.dynamic_gather %select_n3A_534[%gather3A_542] in [0] : vector<16xi32>, vector<16xi32> -> vector<16xi32>
          %gt3A_544 = arith.cmpf ogt, %gather3A_540, %select_n3A_533 : vector<16xf32>
          %eq3A_545 = arith.cmpf oeq, %gather3A_540, %select_n3A_533 : vector<16xf32>
          %lt3A_546 = arith.cmpi slt, %gather3A_543, %select_n3A_534 : vector<16xi32>
          %and3A_547 = arith.andi %eq3A_545, %lt3A_546 : vector<16xi1>
          %or3A_548 = arith.ori %gt3A_544, %and3A_547 : vector<16xi1>
          %select_n3A_549 = arith.select %or3A_548, %gather3A_540, %select_n3A_533 : vector<16xi1>, vector<16xf32>
          %select_n3A_550 = arith.select %or3A_548, %gather3A_543, %select_n3A_534 : vector<16xi1>, vector<16xi32>
          %convert_element_type3A_551 = arith.sitofp %select_n3A_550 : vector<16xi32> to vector<16xf32>
          %mul3A_552 = arith.constant 0.0234604105 : f32
          %mul3A_553 = vector.broadcast %mul3A_552 : f32 to vector<16xf32>
          %mul3A_554 = arith.mulf %convert_element_type3A_551, %mul3A_553 : vector<16xf32>
          %add3A_555 = arith.constant 6.000000e+00 : f32
          %add3A_556 = vector.broadcast %add3A_555 : f32 to vector<16xf32>
          %add3A_557 = arith.addf %mul3A_554, %add3A_556 : vector<16xf32>
          %mul3A_558 = arith.constant 8 : i32
          %mul3A_559 = arith.muli %scan3A_82, %mul3A_558 : i32
          %add3A_560 = arith.constant 5 : i32
          %add3A_561 = arith.addi %mul3A_559, %add3A_560 : i32
          %eq3A_562 = vector.broadcast %add3A_561 : i32 to vector<16xi32>
          %eq3A_563 = arith.cmpi eq, %iota3A_55, %eq3A_562 : vector<16xi32>
          %select_n3A_564 = arith.select %eq3A_563, %add3A_557, %select_n3A_485 : vector<16xi1>, vector<16xf32>
          %iota3A_565 = tpu.iota {dimensions = array<i32: 0>} : vector<16xi32>
          %xor3A_566 = arith.constant 8 : i32
          %xor3A_567 = vector.broadcast %xor3A_566 : i32 to vector<16xi32>
          %xor3A_568 = arith.xori %iota3A_565, %xor3A_567 : vector<16xi32>
          %broadcast_in_dim3A_569 = vector.shape_cast %xor3A_568 : vector<16xi32> to vector<16x1xi32>
          %gather3A_570 = vector.shape_cast %broadcast_in_dim3A_569 : vector<16x1xi32> to vector<16xi32>
          %gather3A_571 = tpu.dynamic_gather %scan3A_96#6[%gather3A_570] in [0] : vector<16xf32>, vector<16xi32> -> vector<16xf32>
          %broadcast_in_dim3A_572 = vector.shape_cast %xor3A_568 : vector<16xi32> to vector<16x1xi32>
          %gather3A_573 = vector.shape_cast %broadcast_in_dim3A_572 : vector<16x1xi32> to vector<16xi32>
          %gather3A_574 = tpu.dynamic_gather %scan3A_96#14[%gather3A_573] in [0] : vector<16xi32>, vector<16xi32> -> vector<16xi32>
          %gt3A_575 = arith.cmpf ogt, %gather3A_571, %scan3A_96#6 : vector<16xf32>
          %eq3A_576 = arith.cmpf oeq, %gather3A_571, %scan3A_96#6 : vector<16xf32>
          %lt3A_577 = arith.cmpi slt, %gather3A_574, %scan3A_96#14 : vector<16xi32>
          %and3A_578 = arith.andi %eq3A_576, %lt3A_577 : vector<16xi1>
          %or3A_579 = arith.ori %gt3A_575, %and3A_578 : vector<16xi1>
          %select_n3A_580 = arith.select %or3A_579, %gather3A_571, %scan3A_96#6 : vector<16xi1>, vector<16xf32>
          %select_n3A_581 = arith.select %or3A_579, %gather3A_574, %scan3A_96#14 : vector<16xi1>, vector<16xi32>
          %xor3A_582 = arith.constant 4 : i32
          %xor3A_583 = vector.broadcast %xor3A_582 : i32 to vector<16xi32>
          %xor3A_584 = arith.xori %iota3A_565, %xor3A_583 : vector<16xi32>
          %broadcast_in_dim3A_585 = vector.shape_cast %xor3A_584 : vector<16xi32> to vector<16x1xi32>
          %gather3A_586 = vector.shape_cast %broadcast_in_dim3A_585 : vector<16x1xi32> to vector<16xi32>
          %gather3A_587 = tpu.dynamic_gather %select_n3A_580[%gather3A_586] in [0] : vector<16xf32>, vector<16xi32> -> vector<16xf32>
          %broadcast_in_dim3A_588 = vector.shape_cast %xor3A_584 : vector<16xi32> to vector<16x1xi32>
          %gather3A_589 = vector.shape_cast %broadcast_in_dim3A_588 : vector<16x1xi32> to vector<16xi32>
          %gather3A_590 = tpu.dynamic_gather %select_n3A_581[%gather3A_589] in [0] : vector<16xi32>, vector<16xi32> -> vector<16xi32>
          %gt3A_591 = arith.cmpf ogt, %gather3A_587, %select_n3A_580 : vector<16xf32>
          %eq3A_592 = arith.cmpf oeq, %gather3A_587, %select_n3A_580 : vector<16xf32>
          %lt3A_593 = arith.cmpi slt, %gather3A_590, %select_n3A_581 : vector<16xi32>
          %and3A_594 = arith.andi %eq3A_592, %lt3A_593 : vector<16xi1>
          %or3A_595 = arith.ori %gt3A_591, %and3A_594 : vector<16xi1>
          %select_n3A_596 = arith.select %or3A_595, %gather3A_587, %select_n3A_580 : vector<16xi1>, vector<16xf32>
          %select_n3A_597 = arith.select %or3A_595, %gather3A_590, %select_n3A_581 : vector<16xi1>, vector<16xi32>
          %xor3A_598 = arith.constant 2 : i32
          %xor3A_599 = vector.broadcast %xor3A_598 : i32 to vector<16xi32>
          %xor3A_600 = arith.xori %iota3A_565, %xor3A_599 : vector<16xi32>
          %broadcast_in_dim3A_601 = vector.shape_cast %xor3A_600 : vector<16xi32> to vector<16x1xi32>
          %gather3A_602 = vector.shape_cast %broadcast_in_dim3A_601 : vector<16x1xi32> to vector<16xi32>
          %gather3A_603 = tpu.dynamic_gather %select_n3A_596[%gather3A_602] in [0] : vector<16xf32>, vector<16xi32> -> vector<16xf32>
          %broadcast_in_dim3A_604 = vector.shape_cast %xor3A_600 : vector<16xi32> to vector<16x1xi32>
          %gather3A_605 = vector.shape_cast %broadcast_in_dim3A_604 : vector<16x1xi32> to vector<16xi32>
          %gather3A_606 = tpu.dynamic_gather %select_n3A_597[%gather3A_605] in [0] : vector<16xi32>, vector<16xi32> -> vector<16xi32>
          %gt3A_607 = arith.cmpf ogt, %gather3A_603, %select_n3A_596 : vector<16xf32>
          %eq3A_608 = arith.cmpf oeq, %gather3A_603, %select_n3A_596 : vector<16xf32>
          %lt3A_609 = arith.cmpi slt, %gather3A_606, %select_n3A_597 : vector<16xi32>
          %and3A_610 = arith.andi %eq3A_608, %lt3A_609 : vector<16xi1>
          %or3A_611 = arith.ori %gt3A_607, %and3A_610 : vector<16xi1>
          %select_n3A_612 = arith.select %or3A_611, %gather3A_603, %select_n3A_596 : vector<16xi1>, vector<16xf32>
          %select_n3A_613 = arith.select %or3A_611, %gather3A_606, %select_n3A_597 : vector<16xi1>, vector<16xi32>
          %xor3A_614 = arith.constant 1 : i32
          %xor3A_615 = vector.broadcast %xor3A_614 : i32 to vector<16xi32>
          %xor3A_616 = arith.xori %iota3A_565, %xor3A_615 : vector<16xi32>
          %broadcast_in_dim3A_617 = vector.shape_cast %xor3A_616 : vector<16xi32> to vector<16x1xi32>
          %gather3A_618 = vector.shape_cast %broadcast_in_dim3A_617 : vector<16x1xi32> to vector<16xi32>
          %gather3A_619 = tpu.dynamic_gather %select_n3A_612[%gather3A_618] in [0] : vector<16xf32>, vector<16xi32> -> vector<16xf32>
          %broadcast_in_dim3A_620 = vector.shape_cast %xor3A_616 : vector<16xi32> to vector<16x1xi32>
          %gather3A_621 = vector.shape_cast %broadcast_in_dim3A_620 : vector<16x1xi32> to vector<16xi32>
          %gather3A_622 = tpu.dynamic_gather %select_n3A_613[%gather3A_621] in [0] : vector<16xi32>, vector<16xi32> -> vector<16xi32>
          %gt3A_623 = arith.cmpf ogt, %gather3A_619, %select_n3A_612 : vector<16xf32>
          %eq3A_624 = arith.cmpf oeq, %gather3A_619, %select_n3A_612 : vector<16xf32>
          %lt3A_625 = arith.cmpi slt, %gather3A_622, %select_n3A_613 : vector<16xi32>
          %and3A_626 = arith.andi %eq3A_624, %lt3A_625 : vector<16xi1>
          %or3A_627 = arith.ori %gt3A_623, %and3A_626 : vector<16xi1>
          %select_n3A_628 = arith.select %or3A_627, %gather3A_619, %select_n3A_612 : vector<16xi1>, vector<16xf32>
          %select_n3A_629 = arith.select %or3A_627, %gather3A_622, %select_n3A_613 : vector<16xi1>, vector<16xi32>
          %convert_element_type3A_630 = arith.sitofp %select_n3A_629 : vector<16xi32> to vector<16xf32>
          %mul3A_631 = arith.constant 0.0234604105 : f32
          %mul3A_632 = vector.broadcast %mul3A_631 : f32 to vector<16xf32>
          %mul3A_633 = arith.mulf %convert_element_type3A_630, %mul3A_632 : vector<16xf32>
          %add3A_634 = arith.constant 6.000000e+00 : f32
          %add3A_635 = vector.broadcast %add3A_634 : f32 to vector<16xf32>
          %add3A_636 = arith.addf %mul3A_633, %add3A_635 : vector<16xf32>
          %mul3A_637 = arith.constant 8 : i32
          %mul3A_638 = arith.muli %scan3A_82, %mul3A_637 : i32
          %add3A_639 = arith.constant 6 : i32
          %add3A_640 = arith.addi %mul3A_638, %add3A_639 : i32
          %eq3A_641 = vector.broadcast %add3A_640 : i32 to vector<16xi32>
          %eq3A_642 = arith.cmpi eq, %iota3A_55, %eq3A_641 : vector<16xi32>
          %select_n3A_643 = arith.select %eq3A_642, %add3A_636, %select_n3A_564 : vector<16xi1>, vector<16xf32>
          %iota3A_644 = tpu.iota {dimensions = array<i32: 0>} : vector<16xi32>
          %xor3A_645 = arith.constant 8 : i32
          %xor3A_646 = vector.broadcast %xor3A_645 : i32 to vector<16xi32>
          %xor3A_647 = arith.xori %iota3A_644, %xor3A_646 : vector<16xi32>
          %broadcast_in_dim3A_648 = vector.shape_cast %xor3A_647 : vector<16xi32> to vector<16x1xi32>
          %gather3A_649 = vector.shape_cast %broadcast_in_dim3A_648 : vector<16x1xi32> to vector<16xi32>
          %gather3A_650 = tpu.dynamic_gather %scan3A_96#7[%gather3A_649] in [0] : vector<16xf32>, vector<16xi32> -> vector<16xf32>
          %broadcast_in_dim3A_651 = vector.shape_cast %xor3A_647 : vector<16xi32> to vector<16x1xi32>
          %gather3A_652 = vector.shape_cast %broadcast_in_dim3A_651 : vector<16x1xi32> to vector<16xi32>
          %gather3A_653 = tpu.dynamic_gather %scan3A_96#15[%gather3A_652] in [0] : vector<16xi32>, vector<16xi32> -> vector<16xi32>
          %gt3A_654 = arith.cmpf ogt, %gather3A_650, %scan3A_96#7 : vector<16xf32>
          %eq3A_655 = arith.cmpf oeq, %gather3A_650, %scan3A_96#7 : vector<16xf32>
          %lt3A_656 = arith.cmpi slt, %gather3A_653, %scan3A_96#15 : vector<16xi32>
          %and3A_657 = arith.andi %eq3A_655, %lt3A_656 : vector<16xi1>
          %or3A_658 = arith.ori %gt3A_654, %and3A_657 : vector<16xi1>
          %select_n3A_659 = arith.select %or3A_658, %gather3A_650, %scan3A_96#7 : vector<16xi1>, vector<16xf32>
          %select_n3A_660 = arith.select %or3A_658, %gather3A_653, %scan3A_96#15 : vector<16xi1>, vector<16xi32>
          %xor3A_661 = arith.constant 4 : i32
          %xor3A_662 = vector.broadcast %xor3A_661 : i32 to vector<16xi32>
          %xor3A_663 = arith.xori %iota3A_644, %xor3A_662 : vector<16xi32>
          %broadcast_in_dim3A_664 = vector.shape_cast %xor3A_663 : vector<16xi32> to vector<16x1xi32>
          %gather3A_665 = vector.shape_cast %broadcast_in_dim3A_664 : vector<16x1xi32> to vector<16xi32>
          %gather3A_666 = tpu.dynamic_gather %select_n3A_659[%gather3A_665] in [0] : vector<16xf32>, vector<16xi32> -> vector<16xf32>
          %broadcast_in_dim3A_667 = vector.shape_cast %xor3A_663 : vector<16xi32> to vector<16x1xi32>
          %gather3A_668 = vector.shape_cast %broadcast_in_dim3A_667 : vector<16x1xi32> to vector<16xi32>
          %gather3A_669 = tpu.dynamic_gather %select_n3A_660[%gather3A_668] in [0] : vector<16xi32>, vector<16xi32> -> vector<16xi32>
          %gt3A_670 = arith.cmpf ogt, %gather3A_666, %select_n3A_659 : vector<16xf32>
          %eq3A_671 = arith.cmpf oeq, %gather3A_666, %select_n3A_659 : vector<16xf32>
          %lt3A_672 = arith.cmpi slt, %gather3A_669, %select_n3A_660 : vector<16xi32>
          %and3A_673 = arith.andi %eq3A_671, %lt3A_672 : vector<16xi1>
          %or3A_674 = arith.ori %gt3A_670, %and3A_673 : vector<16xi1>
          %select_n3A_675 = arith.select %or3A_674, %gather3A_666, %select_n3A_659 : vector<16xi1>, vector<16xf32>
          %select_n3A_676 = arith.select %or3A_674, %gather3A_669, %select_n3A_660 : vector<16xi1>, vector<16xi32>
          %xor3A_677 = arith.constant 2 : i32
          %xor3A_678 = vector.broadcast %xor3A_677 : i32 to vector<16xi32>
          %xor3A_679 = arith.xori %iota3A_644, %xor3A_678 : vector<16xi32>
          %broadcast_in_dim3A_680 = vector.shape_cast %xor3A_679 : vector<16xi32> to vector<16x1xi32>
          %gather3A_681 = vector.shape_cast %broadcast_in_dim3A_680 : vector<16x1xi32> to vector<16xi32>
          %gather3A_682 = tpu.dynamic_gather %select_n3A_675[%gather3A_681] in [0] : vector<16xf32>, vector<16xi32> -> vector<16xf32>
          %broadcast_in_dim3A_683 = vector.shape_cast %xor3A_679 : vector<16xi32> to vector<16x1xi32>
          %gather3A_684 = vector.shape_cast %broadcast_in_dim3A_683 : vector<16x1xi32> to vector<16xi32>
          %gather3A_685 = tpu.dynamic_gather %select_n3A_676[%gather3A_684] in [0] : vector<16xi32>, vector<16xi32> -> vector<16xi32>
          %gt3A_686 = arith.cmpf ogt, %gather3A_682, %select_n3A_675 : vector<16xf32>
          %eq3A_687 = arith.cmpf oeq, %gather3A_682, %select_n3A_675 : vector<16xf32>
          %lt3A_688 = arith.cmpi slt, %gather3A_685, %select_n3A_676 : vector<16xi32>
          %and3A_689 = arith.andi %eq3A_687, %lt3A_688 : vector<16xi1>
          %or3A_690 = arith.ori %gt3A_686, %and3A_689 : vector<16xi1>
          %select_n3A_691 = arith.select %or3A_690, %gather3A_682, %select_n3A_675 : vector<16xi1>, vector<16xf32>
          %select_n3A_692 = arith.select %or3A_690, %gather3A_685, %select_n3A_676 : vector<16xi1>, vector<16xi32>
          %xor3A_693 = arith.constant 1 : i32
          %xor3A_694 = vector.broadcast %xor3A_693 : i32 to vector<16xi32>
          %xor3A_695 = arith.xori %iota3A_644, %xor3A_694 : vector<16xi32>
          %broadcast_in_dim3A_696 = vector.shape_cast %xor3A_695 : vector<16xi32> to vector<16x1xi32>
          %gather3A_697 = vector.shape_cast %broadcast_in_dim3A_696 : vector<16x1xi32> to vector<16xi32>
          %gather3A_698 = tpu.dynamic_gather %select_n3A_691[%gather3A_697] in [0] : vector<16xf32>, vector<16xi32> -> vector<16xf32>
          %broadcast_in_dim3A_699 = vector.shape_cast %xor3A_695 : vector<16xi32> to vector<16x1xi32>
          %gather3A_700 = vector.shape_cast %broadcast_in_dim3A_699 : vector<16x1xi32> to vector<16xi32>
          %gather3A_701 = tpu.dynamic_gather %select_n3A_692[%gather3A_700] in [0] : vector<16xi32>, vector<16xi32> -> vector<16xi32>
          %gt3A_702 = arith.cmpf ogt, %gather3A_698, %select_n3A_691 : vector<16xf32>
          %eq3A_703 = arith.cmpf oeq, %gather3A_698, %select_n3A_691 : vector<16xf32>
          %lt3A_704 = arith.cmpi slt, %gather3A_701, %select_n3A_692 : vector<16xi32>
          %and3A_705 = arith.andi %eq3A_703, %lt3A_704 : vector<16xi1>
          %or3A_706 = arith.ori %gt3A_702, %and3A_705 : vector<16xi1>
          %select_n3A_707 = arith.select %or3A_706, %gather3A_698, %select_n3A_691 : vector<16xi1>, vector<16xf32>
          %select_n3A_708 = arith.select %or3A_706, %gather3A_701, %select_n3A_692 : vector<16xi1>, vector<16xi32>
          %convert_element_type3A_709 = arith.sitofp %select_n3A_708 : vector<16xi32> to vector<16xf32>
          %mul3A_710 = arith.constant 0.0234604105 : f32
          %mul3A_711 = vector.broadcast %mul3A_710 : f32 to vector<16xf32>
          %mul3A_712 = arith.mulf %convert_element_type3A_709, %mul3A_711 : vector<16xf32>
          %add3A_713 = arith.constant 6.000000e+00 : f32
          %add3A_714 = vector.broadcast %add3A_713 : f32 to vector<16xf32>
          %add3A_715 = arith.addf %mul3A_712, %add3A_714 : vector<16xf32>
          %mul3A_716 = arith.constant 8 : i32
          %mul3A_717 = arith.muli %scan3A_82, %mul3A_716 : i32
          %add3A_718 = arith.constant 7 : i32
          %add3A_719 = arith.addi %mul3A_717, %add3A_718 : i32
          %eq3A_720 = vector.broadcast %add3A_719 : i32 to vector<16xi32>
          %eq3A_721 = arith.cmpi eq, %iota3A_55, %eq3A_720 : vector<16xi32>
          %select_n3A_722 = arith.select %eq3A_721, %add3A_715, %select_n3A_643 : vector<16xi1>, vector<16xf32>
          scf.yield %select_n3A_722 : vector<16xf32>
        }
        %scan3A_72 = arith.constant 2 : i32
        %mul3A_73 = arith.constant 32 : i32
        %mul3A_74 = arith.muli %add3A_54, %mul3A_73 : i32
        %mul3A_75 = arith.constant 16 : i32
        %mul3A_76 = arith.muli %scan3A_64, %mul3A_75 : i32
        %add3A_77 = arith.addi %mul3A_74, %mul3A_76 : i32
        %swap3A = arith.index_cast %add3A_77 : i32 to index
        %swap3A_78 = tpu.vector_load %arg6[%swap3A] {strides = array<i32>} : memref<448xf32, #tpu.memory_space<vmem>>, vector<16xf32>,
        %swap3A_79 = vector.shape_cast %swap3A_78 : vector<16xf32> to vector<16xf32>
        %swap3A_80 = vector.shape_cast %scan3A_71 : vector<16xf32> to vector<16xf32>
        tpu.vector_store %arg6[%swap3A], %swap3A_80 {strides = array<i32>} : memref<448xf32, #tpu.memory_space<vmem>>, vector<16xf32>,
        %scan3A_81 = arith.constant 0 : i32
        scf.yield %scan3A_81 : i32
      }
      %scan3A_62 = arith.constant 2 : i32
      %scan3A_63 = arith.constant 0 : i32
      scf.yield %scan3A_63 : i32
    }
    %scan3A_15 = arith.constant 7 : i32
    "tpu.region"() ({
      %run_scoped3A = tpu.sem_alloc : memref<!tpu.dma_semaphore, #tpu.memory_space<semaphore_mem>>
      %dma_start3A_16 = tpu.memref_slice %arg3[%mul3A_2] : memref<14336xf32, #tpu.memory_space<hbm>> -> memref<448xf32, #tpu.memory_space<hbm>>
      %dma_start3A_17 = tpu.memref_slice %arg3[%mul3A_2] : memref<14336xf32, #tpu.memory_space<hbm>> -> memref<448xf32, #tpu.memory_space<hbm>>
      tpu.enqueue_dma source(%arg6 : memref<448xf32, #tpu.memory_space<vmem>>) target(%dma_start3A_17 : memref<448xf32, #tpu.memory_space<hbm>>) target_semaphore(%run_scoped3A : memref<!tpu.dma_semaphore, #tpu.memory_space<semaphore_mem>>)
      %dma_wait3A = tpu.memref_slice %arg3[%mul3A_2] : memref<14336xf32, #tpu.memory_space<hbm>> -> memref<448xf32, #tpu.memory_space<hbm>>
      %dma_wait3A_18 = tpu.memref_slice %arg3[%mul3A_2] : memref<14336xf32, #tpu.memory_space<hbm>> -> memref<448xf32, #tpu.memory_space<hbm>>
      tpu.wait_dma2 semaphore(%run_scoped3A : memref<!tpu.dma_semaphore, #tpu.memory_space<semaphore_mem>>) src(%arg6 : memref<448xf32, #tpu.memory_space<vmem>>) dst(%dma_wait3A_18 : memref<448xf32, #tpu.memory_space<hbm>>)
      tpu.yield
    }) : () -> ()
    return
  }
}

module attributes {stable_mosaic.version = 14 : i64} {
  func.func @_tc_body(%arg0: memref<32768x1024xf32, #tpu.memory_space<any>>, %arg1: memref<18432xf32, #tpu.memory_space<any>>, %arg2: memref<4x512x1024xf32, #tpu.memory_space<vmem>>, %arg3: memref<18432xf32, #tpu.memory_space<vmem>>, %arg4: memref<4x!tpu.dma_semaphore, #tpu.memory_space<semaphore_mem>>) attributes {dimension_semantics = [], scalar_prefetch = 0 : i64, scratch_operands = 3 : i64, tpu.core_type = #tpu.core_type<tc>} {
    %dma_start3A = arith.constant 0 : i32
    %dma_start3A_0 = arith.constant 0 : i32
    %dma_start3A_1 = tpu.memref_slice %arg4[%dma_start3A_0] : memref<4x!tpu.dma_semaphore, #tpu.memory_space<semaphore_mem>> -> memref<1x!tpu.dma_semaphore, #tpu.memory_space<semaphore_mem>>
    %dma_start3A_2 = tpu.memref_squeeze %dma_start3A_1 : memref<1x!tpu.dma_semaphore, #tpu.memory_space<semaphore_mem>> -> memref<!tpu.dma_semaphore, #tpu.memory_space<semaphore_mem>>
    %dma_start3A_3 = arith.constant 0 : i32
    %dma_start3A_4 = arith.constant 0 : i32
    %dma_start3A_5 = tpu.memref_slice %arg2[%dma_start3A, %dma_start3A_3, %dma_start3A_4] : memref<4x512x1024xf32, #tpu.memory_space<vmem>> -> memref<1x512x1024xf32, #tpu.memory_space<vmem>>
    %dma_start3A_6 = tpu.memref_squeeze %dma_start3A_5 : memref<1x512x1024xf32, #tpu.memory_space<vmem>> -> memref<512x1024xf32, #tpu.memory_space<vmem>>
    %dma_start3A_7 = arith.constant 0 : i32
    %dma_start3A_8 = arith.constant 0 : i32
    %dma_start3A_9 = tpu.memref_slice %arg0[%dma_start3A_7, %dma_start3A_8] : memref<32768x1024xf32, #tpu.memory_space<any>> -> memref<512x1024xf32, #tpu.memory_space<any>>
    tpu.enqueue_dma source(%dma_start3A_9 : memref<512x1024xf32, #tpu.memory_space<any>>) target(%dma_start3A_6 : memref<512x1024xf32, #tpu.memory_space<vmem>>) target_semaphore(%dma_start3A_2 : memref<!tpu.dma_semaphore, #tpu.memory_space<semaphore_mem>>)
    %dma_start3A_10 = arith.constant 1 : i32
    %dma_start3A_11 = arith.constant 1 : i32
    %dma_start3A_12 = tpu.memref_slice %arg4[%dma_start3A_11] : memref<4x!tpu.dma_semaphore, #tpu.memory_space<semaphore_mem>> -> memref<1x!tpu.dma_semaphore, #tpu.memory_space<semaphore_mem>>
    %dma_start3A_13 = tpu.memref_squeeze %dma_start3A_12 : memref<1x!tpu.dma_semaphore, #tpu.memory_space<semaphore_mem>> -> memref<!tpu.dma_semaphore, #tpu.memory_space<semaphore_mem>>
    %dma_start3A_14 = arith.constant 0 : i32
    %dma_start3A_15 = arith.constant 0 : i32
    %dma_start3A_16 = tpu.memref_slice %arg2[%dma_start3A_10, %dma_start3A_14, %dma_start3A_15] : memref<4x512x1024xf32, #tpu.memory_space<vmem>> -> memref<1x512x1024xf32, #tpu.memory_space<vmem>>
    %dma_start3A_17 = tpu.memref_squeeze %dma_start3A_16 : memref<1x512x1024xf32, #tpu.memory_space<vmem>> -> memref<512x1024xf32, #tpu.memory_space<vmem>>
    %dma_start3A_18 = arith.constant 512 : i32
    %dma_start3A_19 = arith.constant 0 : i32
    %dma_start3A_20 = tpu.memref_slice %arg0[%dma_start3A_18, %dma_start3A_19] : memref<32768x1024xf32, #tpu.memory_space<any>> -> memref<512x1024xf32, #tpu.memory_space<any>>
    tpu.enqueue_dma source(%dma_start3A_20 : memref<512x1024xf32, #tpu.memory_space<any>>) target(%dma_start3A_17 : memref<512x1024xf32, #tpu.memory_space<vmem>>) target_semaphore(%dma_start3A_13 : memref<!tpu.dma_semaphore, #tpu.memory_space<semaphore_mem>>)
    %dma_start3A_21 = arith.constant 2 : i32
    %dma_start3A_22 = arith.constant 2 : i32
    %dma_start3A_23 = tpu.memref_slice %arg4[%dma_start3A_22] : memref<4x!tpu.dma_semaphore, #tpu.memory_space<semaphore_mem>> -> memref<1x!tpu.dma_semaphore, #tpu.memory_space<semaphore_mem>>
    %dma_start3A_24 = tpu.memref_squeeze %dma_start3A_23 : memref<1x!tpu.dma_semaphore, #tpu.memory_space<semaphore_mem>> -> memref<!tpu.dma_semaphore, #tpu.memory_space<semaphore_mem>>
    %dma_start3A_25 = arith.constant 0 : i32
    %dma_start3A_26 = arith.constant 0 : i32
    %dma_start3A_27 = tpu.memref_slice %arg2[%dma_start3A_21, %dma_start3A_25, %dma_start3A_26] : memref<4x512x1024xf32, #tpu.memory_space<vmem>> -> memref<1x512x1024xf32, #tpu.memory_space<vmem>>
    %dma_start3A_28 = tpu.memref_squeeze %dma_start3A_27 : memref<1x512x1024xf32, #tpu.memory_space<vmem>> -> memref<512x1024xf32, #tpu.memory_space<vmem>>
    %dma_start3A_29 = arith.constant 1024 : i32
    %dma_start3A_30 = arith.constant 0 : i32
    %dma_start3A_31 = tpu.memref_slice %arg0[%dma_start3A_29, %dma_start3A_30] : memref<32768x1024xf32, #tpu.memory_space<any>> -> memref<512x1024xf32, #tpu.memory_space<any>>
    tpu.enqueue_dma source(%dma_start3A_31 : memref<512x1024xf32, #tpu.memory_space<any>>) target(%dma_start3A_28 : memref<512x1024xf32, #tpu.memory_space<vmem>>) target_semaphore(%dma_start3A_24 : memref<!tpu.dma_semaphore, #tpu.memory_space<semaphore_mem>>)
    %dma_start3A_32 = arith.constant 3 : i32
    %dma_start3A_33 = arith.constant 3 : i32
    %dma_start3A_34 = tpu.memref_slice %arg4[%dma_start3A_33] : memref<4x!tpu.dma_semaphore, #tpu.memory_space<semaphore_mem>> -> memref<1x!tpu.dma_semaphore, #tpu.memory_space<semaphore_mem>>
    %dma_start3A_35 = tpu.memref_squeeze %dma_start3A_34 : memref<1x!tpu.dma_semaphore, #tpu.memory_space<semaphore_mem>> -> memref<!tpu.dma_semaphore, #tpu.memory_space<semaphore_mem>>
    %dma_start3A_36 = arith.constant 0 : i32
    %dma_start3A_37 = arith.constant 0 : i32
    %dma_start3A_38 = tpu.memref_slice %arg2[%dma_start3A_32, %dma_start3A_36, %dma_start3A_37] : memref<4x512x1024xf32, #tpu.memory_space<vmem>> -> memref<1x512x1024xf32, #tpu.memory_space<vmem>>
    %dma_start3A_39 = tpu.memref_squeeze %dma_start3A_38 : memref<1x512x1024xf32, #tpu.memory_space<vmem>> -> memref<512x1024xf32, #tpu.memory_space<vmem>>
    %dma_start3A_40 = arith.constant 1536 : i32
    %dma_start3A_41 = arith.constant 0 : i32
    %dma_start3A_42 = tpu.memref_slice %arg0[%dma_start3A_40, %dma_start3A_41] : memref<32768x1024xf32, #tpu.memory_space<any>> -> memref<512x1024xf32, #tpu.memory_space<any>>
    tpu.enqueue_dma source(%dma_start3A_42 : memref<512x1024xf32, #tpu.memory_space<any>>) target(%dma_start3A_39 : memref<512x1024xf32, #tpu.memory_space<vmem>>) target_semaphore(%dma_start3A_35 : memref<!tpu.dma_semaphore, #tpu.memory_space<semaphore_mem>>)
    %scan3A = arith.constant 0 : i32
    %scan3A_43 = arith.constant 9 : i32
    %scan3A_44 = arith.addi %scan3A, %scan3A_43 : i32
    %scan3A_45 = arith.constant 1 : i32
    scf.for %scan3A_47 = %scan3A to %scan3A_44 step %scan3A_45  : i32 {
      %mul3A = arith.constant 4 : i32
      %mul3A_48 = arith.muli %scan3A_47, %mul3A : i32
      %add3A = arith.constant 0 : i32
      %add3A_49 = arith.addi %mul3A_48, %add3A : i32
      %mul3A_50 = arith.constant 512 : i32
      %mul3A_51 = arith.muli %add3A_49, %mul3A_50 : i32
      %dma_wait3A = arith.constant 0 : i32
      %dma_wait3A_52 = arith.constant 0 : i32
      %dma_wait3A_53 = tpu.memref_slice %arg4[%dma_wait3A_52] : memref<4x!tpu.dma_semaphore, #tpu.memory_space<semaphore_mem>> -> memref<1x!tpu.dma_semaphore, #tpu.memory_space<semaphore_mem>>
      %dma_wait3A_54 = tpu.memref_squeeze %dma_wait3A_53 : memref<1x!tpu.dma_semaphore, #tpu.memory_space<semaphore_mem>> -> memref<!tpu.dma_semaphore, #tpu.memory_space<semaphore_mem>>
      %dma_wait3A_55 = arith.constant 0 : i32
      %dma_wait3A_56 = arith.constant 0 : i32
      %dma_wait3A_57 = tpu.memref_slice %arg2[%dma_wait3A, %dma_wait3A_55, %dma_wait3A_56] : memref<4x512x1024xf32, #tpu.memory_space<vmem>> -> memref<1x512x1024xf32, #tpu.memory_space<vmem>>
      %dma_wait3A_58 = tpu.memref_squeeze %dma_wait3A_57 : memref<1x512x1024xf32, #tpu.memory_space<vmem>> -> memref<512x1024xf32, #tpu.memory_space<vmem>>
      %dma_wait3A_59 = arith.constant 0 : i32
      %dma_wait3A_60 = tpu.memref_slice %arg0[%mul3A_51, %dma_wait3A_59] : memref<32768x1024xf32, #tpu.memory_space<any>> -> memref<512x1024xf32, #tpu.memory_space<any>>
      tpu.wait_dma2 semaphore(%dma_wait3A_54 : memref<!tpu.dma_semaphore, #tpu.memory_space<semaphore_mem>>) src(%dma_wait3A_60 : memref<512x1024xf32, #tpu.memory_space<any>>) dst(%dma_wait3A_58 : memref<512x1024xf32, #tpu.memory_space<vmem>>)
      %get3A = arith.constant 0 : i32
      %get3A_61 = arith.constant 0 : i32
      %get3A_62 = arith.constant 0 : i32
      %get3A_63 = tpu.memref_slice %arg2[%get3A, %get3A_61, %get3A_62] : memref<4x512x1024xf32, #tpu.memory_space<vmem>> -> memref<1x512x1024xf32, #tpu.memory_space<vmem>>
      %get3A_64 = tpu.memref_squeeze %get3A_63 : memref<1x512x1024xf32, #tpu.memory_space<vmem>> -> memref<512x1024xf32, #tpu.memory_space<vmem>>
      %get3A_65 = arith.constant 0 : index
      %get3A_66 = arith.constant 0 : index
      %get3A_67 = vector.load %get3A_64[%get3A_65, %get3A_66] : memref<512x1024xf32, #tpu.memory_space<vmem>>, vector<512x128xf32>
      %broadcast_in_dim3A = arith.constant 0 : i32
      %broadcast_in_dim3A_68 = vector.broadcast %broadcast_in_dim3A : i32 to vector<512x128xi32>
      %get3A_69 = arith.constant 0 : i32
      %get3A_70 = arith.constant 0 : i32
      %get3A_71 = arith.constant 0 : i32
      %get3A_72 = tpu.memref_slice %arg2[%get3A_69, %get3A_70, %get3A_71] : memref<4x512x1024xf32, #tpu.memory_space<vmem>> -> memref<1x512x1024xf32, #tpu.memory_space<vmem>>
      %get3A_73 = tpu.memref_squeeze %get3A_72 : memref<1x512x1024xf32, #tpu.memory_space<vmem>> -> memref<512x1024xf32, #tpu.memory_space<vmem>>
      %get3A_74 = arith.constant 0 : index
      %get3A_75 = arith.constant 128 : index
      %get3A_76 = vector.load %get3A_73[%get3A_74, %get3A_75] : memref<512x1024xf32, #tpu.memory_space<vmem>>, vector<512x128xf32>
      %gt3A = arith.cmpf ogt, %get3A_76, %get3A_67 : vector<512x128xf32>
      %max3A = arith.maximumf %get3A_67, %get3A_76 : vector<512x128xf32>
      %jit3A = arith.constant 1 : i32
      %broadcast_in_dim3A_77 = vector.broadcast %jit3A : i32 to vector<512x128xi32>
      %select_n3A = arith.select %gt3A, %broadcast_in_dim3A_77, %broadcast_in_dim3A_68 : vector<512x128xi1>, vector<512x128xi32>
      %get3A_78 = arith.constant 0 : i32
      %get3A_79 = arith.constant 0 : i32
      %get3A_80 = arith.constant 0 : i32
      %get3A_81 = tpu.memref_slice %arg2[%get3A_78, %get3A_79, %get3A_80] : memref<4x512x1024xf32, #tpu.memory_space<vmem>> -> memref<1x512x1024xf32, #tpu.memory_space<vmem>>
      %get3A_82 = tpu.memref_squeeze %get3A_81 : memref<1x512x1024xf32, #tpu.memory_space<vmem>> -> memref<512x1024xf32, #tpu.memory_space<vmem>>
      %get3A_83 = arith.constant 0 : index
      %get3A_84 = arith.constant 256 : index
      %get3A_85 = vector.load %get3A_82[%get3A_83, %get3A_84] : memref<512x1024xf32, #tpu.memory_space<vmem>>, vector<512x128xf32>
      %gt3A_86 = arith.cmpf ogt, %get3A_85, %max3A : vector<512x128xf32>
      %max3A_87 = arith.maximumf %max3A, %get3A_85 : vector<512x128xf32>
      %jit3A_88 = arith.constant 2 : i32
      %broadcast_in_dim3A_89 = vector.broadcast %jit3A_88 : i32 to vector<512x128xi32>
      %select_n3A_90 = arith.select %gt3A_86, %broadcast_in_dim3A_89, %select_n3A : vector<512x128xi1>, vector<512x128xi32>
      %get3A_91 = arith.constant 0 : i32
      %get3A_92 = arith.constant 0 : i32
      %get3A_93 = arith.constant 0 : i32
      %get3A_94 = tpu.memref_slice %arg2[%get3A_91, %get3A_92, %get3A_93] : memref<4x512x1024xf32, #tpu.memory_space<vmem>> -> memref<1x512x1024xf32, #tpu.memory_space<vmem>>
      %get3A_95 = tpu.memref_squeeze %get3A_94 : memref<1x512x1024xf32, #tpu.memory_space<vmem>> -> memref<512x1024xf32, #tpu.memory_space<vmem>>
      %get3A_96 = arith.constant 0 : index
      %get3A_97 = arith.constant 384 : index
      %get3A_98 = vector.load %get3A_95[%get3A_96, %get3A_97] : memref<512x1024xf32, #tpu.memory_space<vmem>>, vector<512x128xf32>
      %gt3A_99 = arith.cmpf ogt, %get3A_98, %max3A_87 : vector<512x128xf32>
      %max3A_100 = arith.maximumf %max3A_87, %get3A_98 : vector<512x128xf32>
      %jit3A_101 = arith.constant 3 : i32
      %broadcast_in_dim3A_102 = vector.broadcast %jit3A_101 : i32 to vector<512x128xi32>
      %select_n3A_103 = arith.select %gt3A_99, %broadcast_in_dim3A_102, %select_n3A_90 : vector<512x128xi1>, vector<512x128xi32>
      %get3A_104 = arith.constant 0 : i32
      %get3A_105 = arith.constant 0 : i32
      %get3A_106 = arith.constant 0 : i32
      %get3A_107 = tpu.memref_slice %arg2[%get3A_104, %get3A_105, %get3A_106] : memref<4x512x1024xf32, #tpu.memory_space<vmem>> -> memref<1x512x1024xf32, #tpu.memory_space<vmem>>
      %get3A_108 = tpu.memref_squeeze %get3A_107 : memref<1x512x1024xf32, #tpu.memory_space<vmem>> -> memref<512x1024xf32, #tpu.memory_space<vmem>>
      %get3A_109 = arith.constant 0 : index
      %get3A_110 = arith.constant 512 : index
      %get3A_111 = vector.load %get3A_108[%get3A_109, %get3A_110] : memref<512x1024xf32, #tpu.memory_space<vmem>>, vector<512x128xf32>
      %gt3A_112 = arith.cmpf ogt, %get3A_111, %max3A_100 : vector<512x128xf32>
      %max3A_113 = arith.maximumf %max3A_100, %get3A_111 : vector<512x128xf32>
      %jit3A_114 = arith.constant 4 : i32
      %broadcast_in_dim3A_115 = vector.broadcast %jit3A_114 : i32 to vector<512x128xi32>
      %select_n3A_116 = arith.select %gt3A_112, %broadcast_in_dim3A_115, %select_n3A_103 : vector<512x128xi1>, vector<512x128xi32>
      %get3A_117 = arith.constant 0 : i32
      %get3A_118 = arith.constant 0 : i32
      %get3A_119 = arith.constant 0 : i32
      %get3A_120 = tpu.memref_slice %arg2[%get3A_117, %get3A_118, %get3A_119] : memref<4x512x1024xf32, #tpu.memory_space<vmem>> -> memref<1x512x1024xf32, #tpu.memory_space<vmem>>
      %get3A_121 = tpu.memref_squeeze %get3A_120 : memref<1x512x1024xf32, #tpu.memory_space<vmem>> -> memref<512x1024xf32, #tpu.memory_space<vmem>>
      %get3A_122 = arith.constant 0 : index
      %get3A_123 = arith.constant 640 : index
      %get3A_124 = vector.load %get3A_121[%get3A_122, %get3A_123] : memref<512x1024xf32, #tpu.memory_space<vmem>>, vector<512x128xf32>
      %gt3A_125 = arith.cmpf ogt, %get3A_124, %max3A_113 : vector<512x128xf32>
      %max3A_126 = arith.maximumf %max3A_113, %get3A_124 : vector<512x128xf32>
      %jit3A_127 = arith.constant 5 : i32
      %broadcast_in_dim3A_128 = vector.broadcast %jit3A_127 : i32 to vector<512x128xi32>
      %select_n3A_129 = arith.select %gt3A_125, %broadcast_in_dim3A_128, %select_n3A_116 : vector<512x128xi1>, vector<512x128xi32>
      %get3A_130 = arith.constant 0 : i32
      %get3A_131 = arith.constant 0 : i32
      %get3A_132 = arith.constant 0 : i32
      %get3A_133 = tpu.memref_slice %arg2[%get3A_130, %get3A_131, %get3A_132] : memref<4x512x1024xf32, #tpu.memory_space<vmem>> -> memref<1x512x1024xf32, #tpu.memory_space<vmem>>
      %get3A_134 = tpu.memref_squeeze %get3A_133 : memref<1x512x1024xf32, #tpu.memory_space<vmem>> -> memref<512x1024xf32, #tpu.memory_space<vmem>>
      %get3A_135 = arith.constant 0 : index
      %get3A_136 = arith.constant 768 : index
      %get3A_137 = vector.load %get3A_134[%get3A_135, %get3A_136] : memref<512x1024xf32, #tpu.memory_space<vmem>>, vector<512x128xf32>
      %gt3A_138 = arith.cmpf ogt, %get3A_137, %max3A_126 : vector<512x128xf32>
      %max3A_139 = arith.maximumf %max3A_126, %get3A_137 : vector<512x128xf32>
      %jit3A_140 = arith.constant 6 : i32
      %broadcast_in_dim3A_141 = vector.broadcast %jit3A_140 : i32 to vector<512x128xi32>
      %select_n3A_142 = arith.select %gt3A_138, %broadcast_in_dim3A_141, %select_n3A_129 : vector<512x128xi1>, vector<512x128xi32>
      %get3A_143 = arith.constant 0 : i32
      %get3A_144 = arith.constant 0 : i32
      %get3A_145 = arith.constant 0 : i32
      %get3A_146 = tpu.memref_slice %arg2[%get3A_143, %get3A_144, %get3A_145] : memref<4x512x1024xf32, #tpu.memory_space<vmem>> -> memref<1x512x1024xf32, #tpu.memory_space<vmem>>
      %get3A_147 = tpu.memref_squeeze %get3A_146 : memref<1x512x1024xf32, #tpu.memory_space<vmem>> -> memref<512x1024xf32, #tpu.memory_space<vmem>>
      %get3A_148 = arith.constant 0 : index
      %get3A_149 = arith.constant 896 : index
      %get3A_150 = vector.load %get3A_147[%get3A_148, %get3A_149] : memref<512x1024xf32, #tpu.memory_space<vmem>>, vector<512x128xf32>
      %gt3A_151 = arith.cmpf ogt, %get3A_150, %max3A_139 : vector<512x128xf32>
      %max3A_152 = arith.maximumf %max3A_139, %get3A_150 : vector<512x128xf32>
      %jit3A_153 = arith.constant 7 : i32
      %broadcast_in_dim3A_154 = vector.broadcast %jit3A_153 : i32 to vector<512x128xi32>
      %select_n3A_155 = arith.select %gt3A_151, %broadcast_in_dim3A_154, %select_n3A_142 : vector<512x128xi1>, vector<512x128xi32>
      %reduce_max3A = arith.constant dense<0xFF800000> : vector<512xf32>
      %reduce_max3A_156 = vector.multi_reduction <maximumf>, %max3A_152, %reduce_max3A [1] : vector<512x128xf32> to vector<512xf32>
      %broadcast_in_dim3A_157 = vector.shape_cast %reduce_max3A_156 : vector<512xf32> to vector<512x1xf32>
      %iota3A = tpu.iota {dimensions = array<i32: 1>} : vector<512x128xi32>
      %mul3A_158 = arith.constant 128 : i32
      %mul3A_159 = vector.broadcast %mul3A_158 : i32 to vector<512x128xi32>
      %mul3A_160 = arith.muli %select_n3A_155, %mul3A_159 : vector<512x128xi32>
      %add3A_161 = arith.addi %mul3A_160, %iota3A : vector<512x128xi32>
      %eq3A = vector.broadcast %broadcast_in_dim3A_157 : vector<512x1xf32> to vector<512x128xf32>
      %eq3A_162 = arith.cmpf oeq, %max3A_152, %eq3A : vector<512x128xf32>
      %jit3A_163 = arith.constant 1024 : i32
      %broadcast_in_dim3A_164 = vector.broadcast %jit3A_163 : i32 to vector<512x128xi32>
      %select_n3A_165 = arith.select %eq3A_162, %add3A_161, %broadcast_in_dim3A_164 : vector<512x128xi1>, vector<512x128xi32>
      %reduce_min3A = arith.constant dense<2147483647> : vector<512xi32>
      %reduce_min3A_166 = vector.multi_reduction <minsi>, %select_n3A_165, %reduce_min3A [1] : vector<512x128xi32> to vector<512xi32>
      %convert_element_type3A = arith.sitofp %reduce_min3A_166 : vector<512xi32> to vector<512xf32>
      %mul3A_167 = arith.constant 0.0234604105 : f32
      %mul3A_168 = vector.broadcast %mul3A_167 : f32 to vector<512xf32>
      %mul3A_169 = arith.mulf %convert_element_type3A, %mul3A_168 : vector<512xf32>
      %add3A_170 = arith.constant 6.000000e+00 : f32
      %add3A_171 = vector.broadcast %add3A_170 : f32 to vector<512xf32>
      %add3A_172 = arith.addf %mul3A_169, %add3A_171 : vector<512xf32>
      %mul3A_173 = arith.constant 512 : i32
      %mul3A_174 = arith.muli %add3A_49, %mul3A_173 : i32
      %swap3A = arith.index_cast %mul3A_174 : i32 to index
      %swap3A_175 = vector.load %arg3[%swap3A] : memref<18432xf32, #tpu.memory_space<vmem>>, vector<512xf32>
      tpu.vector_store %arg3[%swap3A], %add3A_172 {strides = array<i32>} : memref<18432xf32, #tpu.memory_space<vmem>>, vector<512xf32>,
      %add3A_176 = arith.constant 4 : i32
      %add3A_177 = arith.addi %add3A_49, %add3A_176 : i32
      %lt3A = arith.constant 36 : i32
      %lt3A_178 = arith.cmpi slt, %add3A_177, %lt3A : i32
      %convert_element_type3A_179 = arith.extui %lt3A_178 : i1 to i32
      %cond3A = arith.constant 0 : i32
      %cond3A_180 = arith.cmpi ne, %convert_element_type3A_179, %cond3A : i32
      scf.if %cond3A_180 {
        %add3A_631 = arith.constant 4 : i32
        %add3A_632 = arith.addi %add3A_49, %add3A_631 : i32
        %mul3A_633 = arith.constant 512 : i32
        %mul3A_634 = arith.muli %add3A_632, %mul3A_633 : i32
        %dma_start3A_635 = arith.constant 0 : i32
        %dma_start3A_636 = arith.constant 0 : i32
        %dma_start3A_637 = tpu.memref_slice %arg4[%dma_start3A_636] : memref<4x!tpu.dma_semaphore, #tpu.memory_space<semaphore_mem>> -> memref<1x!tpu.dma_semaphore, #tpu.memory_space<semaphore_mem>>
        %dma_start3A_638 = tpu.memref_squeeze %dma_start3A_637 : memref<1x!tpu.dma_semaphore, #tpu.memory_space<semaphore_mem>> -> memref<!tpu.dma_semaphore, #tpu.memory_space<semaphore_mem>>
        %dma_start3A_639 = arith.constant 0 : i32
        %dma_start3A_640 = arith.constant 0 : i32
        %dma_start3A_641 = tpu.memref_slice %arg2[%dma_start3A_635, %dma_start3A_639, %dma_start3A_640] : memref<4x512x1024xf32, #tpu.memory_space<vmem>> -> memref<1x512x1024xf32, #tpu.memory_space<vmem>>
        %dma_start3A_642 = tpu.memref_squeeze %dma_start3A_641 : memref<1x512x1024xf32, #tpu.memory_space<vmem>> -> memref<512x1024xf32, #tpu.memory_space<vmem>>
        %dma_start3A_643 = arith.constant 0 : i32
        %dma_start3A_644 = tpu.memref_slice %arg0[%mul3A_634, %dma_start3A_643] : memref<32768x1024xf32, #tpu.memory_space<any>> -> memref<512x1024xf32, #tpu.memory_space<any>>
        tpu.enqueue_dma source(%dma_start3A_644 : memref<512x1024xf32, #tpu.memory_space<any>>) target(%dma_start3A_642 : memref<512x1024xf32, #tpu.memory_space<vmem>>) target_semaphore(%dma_start3A_638 : memref<!tpu.dma_semaphore, #tpu.memory_space<semaphore_mem>>)
      } else {
      }
      %mul3A_181 = arith.constant 4 : i32
      %mul3A_182 = arith.muli %scan3A_47, %mul3A_181 : i32
      %add3A_183 = arith.constant 1 : i32
      %add3A_184 = arith.addi %mul3A_182, %add3A_183 : i32
      %mul3A_185 = arith.constant 512 : i32
      %mul3A_186 = arith.muli %add3A_184, %mul3A_185 : i32
      %dma_wait3A_187 = arith.constant 1 : i32
      %dma_wait3A_188 = arith.constant 1 : i32
      %dma_wait3A_189 = tpu.memref_slice %arg4[%dma_wait3A_188] : memref<4x!tpu.dma_semaphore, #tpu.memory_space<semaphore_mem>> -> memref<1x!tpu.dma_semaphore, #tpu.memory_space<semaphore_mem>>
      %dma_wait3A_190 = tpu.memref_squeeze %dma_wait3A_189 : memref<1x!tpu.dma_semaphore, #tpu.memory_space<semaphore_mem>> -> memref<!tpu.dma_semaphore, #tpu.memory_space<semaphore_mem>>
      %dma_wait3A_191 = arith.constant 0 : i32
      %dma_wait3A_192 = arith.constant 0 : i32
      %dma_wait3A_193 = tpu.memref_slice %arg2[%dma_wait3A_187, %dma_wait3A_191, %dma_wait3A_192] : memref<4x512x1024xf32, #tpu.memory_space<vmem>> -> memref<1x512x1024xf32, #tpu.memory_space<vmem>>
      %dma_wait3A_194 = tpu.memref_squeeze %dma_wait3A_193 : memref<1x512x1024xf32, #tpu.memory_space<vmem>> -> memref<512x1024xf32, #tpu.memory_space<vmem>>
      %dma_wait3A_195 = arith.constant 0 : i32
      %dma_wait3A_196 = tpu.memref_slice %arg0[%mul3A_186, %dma_wait3A_195] : memref<32768x1024xf32, #tpu.memory_space<any>> -> memref<512x1024xf32, #tpu.memory_space<any>>
      tpu.wait_dma2 semaphore(%dma_wait3A_190 : memref<!tpu.dma_semaphore, #tpu.memory_space<semaphore_mem>>) src(%dma_wait3A_196 : memref<512x1024xf32, #tpu.memory_space<any>>) dst(%dma_wait3A_194 : memref<512x1024xf32, #tpu.memory_space<vmem>>)
      %get3A_197 = arith.constant 1 : i32
      %get3A_198 = arith.constant 0 : i32
      %get3A_199 = arith.constant 0 : i32
      %get3A_200 = tpu.memref_slice %arg2[%get3A_197, %get3A_198, %get3A_199] : memref<4x512x1024xf32, #tpu.memory_space<vmem>> -> memref<1x512x1024xf32, #tpu.memory_space<vmem>>
      %get3A_201 = tpu.memref_squeeze %get3A_200 : memref<1x512x1024xf32, #tpu.memory_space<vmem>> -> memref<512x1024xf32, #tpu.memory_space<vmem>>
      %get3A_202 = arith.constant 0 : index
      %get3A_203 = arith.constant 0 : index
      %get3A_204 = vector.load %get3A_201[%get3A_202, %get3A_203] : memref<512x1024xf32, #tpu.memory_space<vmem>>, vector<512x128xf32>
      %broadcast_in_dim3A_205 = arith.constant 0 : i32
      %broadcast_in_dim3A_206 = vector.broadcast %broadcast_in_dim3A_205 : i32 to vector<512x128xi32>
      %get3A_207 = arith.constant 1 : i32
      %get3A_208 = arith.constant 0 : i32
      %get3A_209 = arith.constant 0 : i32
      %get3A_210 = tpu.memref_slice %arg2[%get3A_207, %get3A_208, %get3A_209] : memref<4x512x1024xf32, #tpu.memory_space<vmem>> -> memref<1x512x1024xf32, #tpu.memory_space<vmem>>
      %get3A_211 = tpu.memref_squeeze %get3A_210 : memref<1x512x1024xf32, #tpu.memory_space<vmem>> -> memref<512x1024xf32, #tpu.memory_space<vmem>>
      %get3A_212 = arith.constant 0 : index
      %get3A_213 = arith.constant 128 : index
      %get3A_214 = vector.load %get3A_211[%get3A_212, %get3A_213] : memref<512x1024xf32, #tpu.memory_space<vmem>>, vector<512x128xf32>
      %gt3A_215 = arith.cmpf ogt, %get3A_214, %get3A_204 : vector<512x128xf32>
      %max3A_216 = arith.maximumf %get3A_204, %get3A_214 : vector<512x128xf32>
      %jit3A_217 = arith.constant 1 : i32
      %broadcast_in_dim3A_218 = vector.broadcast %jit3A_217 : i32 to vector<512x128xi32>
      %select_n3A_219 = arith.select %gt3A_215, %broadcast_in_dim3A_218, %broadcast_in_dim3A_206 : vector<512x128xi1>, vector<512x128xi32>
      %get3A_220 = arith.constant 1 : i32
      %get3A_221 = arith.constant 0 : i32
      %get3A_222 = arith.constant 0 : i32
      %get3A_223 = tpu.memref_slice %arg2[%get3A_220, %get3A_221, %get3A_222] : memref<4x512x1024xf32, #tpu.memory_space<vmem>> -> memref<1x512x1024xf32, #tpu.memory_space<vmem>>
      %get3A_224 = tpu.memref_squeeze %get3A_223 : memref<1x512x1024xf32, #tpu.memory_space<vmem>> -> memref<512x1024xf32, #tpu.memory_space<vmem>>
      %get3A_225 = arith.constant 0 : index
      %get3A_226 = arith.constant 256 : index
      %get3A_227 = vector.load %get3A_224[%get3A_225, %get3A_226] : memref<512x1024xf32, #tpu.memory_space<vmem>>, vector<512x128xf32>
      %gt3A_228 = arith.cmpf ogt, %get3A_227, %max3A_216 : vector<512x128xf32>
      %max3A_229 = arith.maximumf %max3A_216, %get3A_227 : vector<512x128xf32>
      %jit3A_230 = arith.constant 2 : i32
      %broadcast_in_dim3A_231 = vector.broadcast %jit3A_230 : i32 to vector<512x128xi32>
      %select_n3A_232 = arith.select %gt3A_228, %broadcast_in_dim3A_231, %select_n3A_219 : vector<512x128xi1>, vector<512x128xi32>
      %get3A_233 = arith.constant 1 : i32
      %get3A_234 = arith.constant 0 : i32
      %get3A_235 = arith.constant 0 : i32
      %get3A_236 = tpu.memref_slice %arg2[%get3A_233, %get3A_234, %get3A_235] : memref<4x512x1024xf32, #tpu.memory_space<vmem>> -> memref<1x512x1024xf32, #tpu.memory_space<vmem>>
      %get3A_237 = tpu.memref_squeeze %get3A_236 : memref<1x512x1024xf32, #tpu.memory_space<vmem>> -> memref<512x1024xf32, #tpu.memory_space<vmem>>
      %get3A_238 = arith.constant 0 : index
      %get3A_239 = arith.constant 384 : index
      %get3A_240 = vector.load %get3A_237[%get3A_238, %get3A_239] : memref<512x1024xf32, #tpu.memory_space<vmem>>, vector<512x128xf32>
      %gt3A_241 = arith.cmpf ogt, %get3A_240, %max3A_229 : vector<512x128xf32>
      %max3A_242 = arith.maximumf %max3A_229, %get3A_240 : vector<512x128xf32>
      %jit3A_243 = arith.constant 3 : i32
      %broadcast_in_dim3A_244 = vector.broadcast %jit3A_243 : i32 to vector<512x128xi32>
      %select_n3A_245 = arith.select %gt3A_241, %broadcast_in_dim3A_244, %select_n3A_232 : vector<512x128xi1>, vector<512x128xi32>
      %get3A_246 = arith.constant 1 : i32
      %get3A_247 = arith.constant 0 : i32
      %get3A_248 = arith.constant 0 : i32
      %get3A_249 = tpu.memref_slice %arg2[%get3A_246, %get3A_247, %get3A_248] : memref<4x512x1024xf32, #tpu.memory_space<vmem>> -> memref<1x512x1024xf32, #tpu.memory_space<vmem>>
      %get3A_250 = tpu.memref_squeeze %get3A_249 : memref<1x512x1024xf32, #tpu.memory_space<vmem>> -> memref<512x1024xf32, #tpu.memory_space<vmem>>
      %get3A_251 = arith.constant 0 : index
      %get3A_252 = arith.constant 512 : index
      %get3A_253 = vector.load %get3A_250[%get3A_251, %get3A_252] : memref<512x1024xf32, #tpu.memory_space<vmem>>, vector<512x128xf32>
      %gt3A_254 = arith.cmpf ogt, %get3A_253, %max3A_242 : vector<512x128xf32>
      %max3A_255 = arith.maximumf %max3A_242, %get3A_253 : vector<512x128xf32>
      %jit3A_256 = arith.constant 4 : i32
      %broadcast_in_dim3A_257 = vector.broadcast %jit3A_256 : i32 to vector<512x128xi32>
      %select_n3A_258 = arith.select %gt3A_254, %broadcast_in_dim3A_257, %select_n3A_245 : vector<512x128xi1>, vector<512x128xi32>
      %get3A_259 = arith.constant 1 : i32
      %get3A_260 = arith.constant 0 : i32
      %get3A_261 = arith.constant 0 : i32
      %get3A_262 = tpu.memref_slice %arg2[%get3A_259, %get3A_260, %get3A_261] : memref<4x512x1024xf32, #tpu.memory_space<vmem>> -> memref<1x512x1024xf32, #tpu.memory_space<vmem>>
      %get3A_263 = tpu.memref_squeeze %get3A_262 : memref<1x512x1024xf32, #tpu.memory_space<vmem>> -> memref<512x1024xf32, #tpu.memory_space<vmem>>
      %get3A_264 = arith.constant 0 : index
      %get3A_265 = arith.constant 640 : index
      %get3A_266 = vector.load %get3A_263[%get3A_264, %get3A_265] : memref<512x1024xf32, #tpu.memory_space<vmem>>, vector<512x128xf32>
      %gt3A_267 = arith.cmpf ogt, %get3A_266, %max3A_255 : vector<512x128xf32>
      %max3A_268 = arith.maximumf %max3A_255, %get3A_266 : vector<512x128xf32>
      %jit3A_269 = arith.constant 5 : i32
      %broadcast_in_dim3A_270 = vector.broadcast %jit3A_269 : i32 to vector<512x128xi32>
      %select_n3A_271 = arith.select %gt3A_267, %broadcast_in_dim3A_270, %select_n3A_258 : vector<512x128xi1>, vector<512x128xi32>
      %get3A_272 = arith.constant 1 : i32
      %get3A_273 = arith.constant 0 : i32
      %get3A_274 = arith.constant 0 : i32
      %get3A_275 = tpu.memref_slice %arg2[%get3A_272, %get3A_273, %get3A_274] : memref<4x512x1024xf32, #tpu.memory_space<vmem>> -> memref<1x512x1024xf32, #tpu.memory_space<vmem>>
      %get3A_276 = tpu.memref_squeeze %get3A_275 : memref<1x512x1024xf32, #tpu.memory_space<vmem>> -> memref<512x1024xf32, #tpu.memory_space<vmem>>
      %get3A_277 = arith.constant 0 : index
      %get3A_278 = arith.constant 768 : index
      %get3A_279 = vector.load %get3A_276[%get3A_277, %get3A_278] : memref<512x1024xf32, #tpu.memory_space<vmem>>, vector<512x128xf32>
      %gt3A_280 = arith.cmpf ogt, %get3A_279, %max3A_268 : vector<512x128xf32>
      %max3A_281 = arith.maximumf %max3A_268, %get3A_279 : vector<512x128xf32>
      %jit3A_282 = arith.constant 6 : i32
      %broadcast_in_dim3A_283 = vector.broadcast %jit3A_282 : i32 to vector<512x128xi32>
      %select_n3A_284 = arith.select %gt3A_280, %broadcast_in_dim3A_283, %select_n3A_271 : vector<512x128xi1>, vector<512x128xi32>
      %get3A_285 = arith.constant 1 : i32
      %get3A_286 = arith.constant 0 : i32
      %get3A_287 = arith.constant 0 : i32
      %get3A_288 = tpu.memref_slice %arg2[%get3A_285, %get3A_286, %get3A_287] : memref<4x512x1024xf32, #tpu.memory_space<vmem>> -> memref<1x512x1024xf32, #tpu.memory_space<vmem>>
      %get3A_289 = tpu.memref_squeeze %get3A_288 : memref<1x512x1024xf32, #tpu.memory_space<vmem>> -> memref<512x1024xf32, #tpu.memory_space<vmem>>
      %get3A_290 = arith.constant 0 : index
      %get3A_291 = arith.constant 896 : index
      %get3A_292 = vector.load %get3A_289[%get3A_290, %get3A_291] : memref<512x1024xf32, #tpu.memory_space<vmem>>, vector<512x128xf32>
      %gt3A_293 = arith.cmpf ogt, %get3A_292, %max3A_281 : vector<512x128xf32>
      %max3A_294 = arith.maximumf %max3A_281, %get3A_292 : vector<512x128xf32>
      %jit3A_295 = arith.constant 7 : i32
      %broadcast_in_dim3A_296 = vector.broadcast %jit3A_295 : i32 to vector<512x128xi32>
      %select_n3A_297 = arith.select %gt3A_293, %broadcast_in_dim3A_296, %select_n3A_284 : vector<512x128xi1>, vector<512x128xi32>
      %reduce_max3A_298 = arith.constant dense<0xFF800000> : vector<512xf32>
      %reduce_max3A_299 = vector.multi_reduction <maximumf>, %max3A_294, %reduce_max3A_298 [1] : vector<512x128xf32> to vector<512xf32>
      %broadcast_in_dim3A_300 = vector.shape_cast %reduce_max3A_299 : vector<512xf32> to vector<512x1xf32>
      %iota3A_301 = tpu.iota {dimensions = array<i32: 1>} : vector<512x128xi32>
      %mul3A_302 = arith.constant 128 : i32
      %mul3A_303 = vector.broadcast %mul3A_302 : i32 to vector<512x128xi32>
      %mul3A_304 = arith.muli %select_n3A_297, %mul3A_303 : vector<512x128xi32>
      %add3A_305 = arith.addi %mul3A_304, %iota3A_301 : vector<512x128xi32>
      %eq3A_306 = vector.broadcast %broadcast_in_dim3A_300 : vector<512x1xf32> to vector<512x128xf32>
      %eq3A_307 = arith.cmpf oeq, %max3A_294, %eq3A_306 : vector<512x128xf32>
      %jit3A_308 = arith.constant 1024 : i32
      %broadcast_in_dim3A_309 = vector.broadcast %jit3A_308 : i32 to vector<512x128xi32>
      %select_n3A_310 = arith.select %eq3A_307, %add3A_305, %broadcast_in_dim3A_309 : vector<512x128xi1>, vector<512x128xi32>
      %reduce_min3A_311 = arith.constant dense<2147483647> : vector<512xi32>
      %reduce_min3A_312 = vector.multi_reduction <minsi>, %select_n3A_310, %reduce_min3A_311 [1] : vector<512x128xi32> to vector<512xi32>
      %convert_element_type3A_313 = arith.sitofp %reduce_min3A_312 : vector<512xi32> to vector<512xf32>
      %mul3A_314 = arith.constant 0.0234604105 : f32
      %mul3A_315 = vector.broadcast %mul3A_314 : f32 to vector<512xf32>
      %mul3A_316 = arith.mulf %convert_element_type3A_313, %mul3A_315 : vector<512xf32>
      %add3A_317 = arith.constant 6.000000e+00 : f32
      %add3A_318 = vector.broadcast %add3A_317 : f32 to vector<512xf32>
      %add3A_319 = arith.addf %mul3A_316, %add3A_318 : vector<512xf32>
      %mul3A_320 = arith.constant 512 : i32
      %mul3A_321 = arith.muli %add3A_184, %mul3A_320 : i32
      %swap3A_322 = arith.index_cast %mul3A_321 : i32 to index
      %swap3A_323 = vector.load %arg3[%swap3A_322] : memref<18432xf32, #tpu.memory_space<vmem>>, vector<512xf32>
      tpu.vector_store %arg3[%swap3A_322], %add3A_319 {strides = array<i32>} : memref<18432xf32, #tpu.memory_space<vmem>>, vector<512xf32>,
      %add3A_324 = arith.constant 4 : i32
      %add3A_325 = arith.addi %add3A_184, %add3A_324 : i32
      %lt3A_326 = arith.constant 36 : i32
      %lt3A_327 = arith.cmpi slt, %add3A_325, %lt3A_326 : i32
      %convert_element_type3A_328 = arith.extui %lt3A_327 : i1 to i32
      %cond3A_329 = arith.constant 0 : i32
      %cond3A_330 = arith.cmpi ne, %convert_element_type3A_328, %cond3A_329 : i32
      scf.if %cond3A_330 {
        %add3A_631 = arith.constant 4 : i32
        %add3A_632 = arith.addi %add3A_184, %add3A_631 : i32
        %mul3A_633 = arith.constant 512 : i32
        %mul3A_634 = arith.muli %add3A_632, %mul3A_633 : i32
        %dma_start3A_635 = arith.constant 1 : i32
        %dma_start3A_636 = arith.constant 1 : i32
        %dma_start3A_637 = tpu.memref_slice %arg4[%dma_start3A_636] : memref<4x!tpu.dma_semaphore, #tpu.memory_space<semaphore_mem>> -> memref<1x!tpu.dma_semaphore, #tpu.memory_space<semaphore_mem>>
        %dma_start3A_638 = tpu.memref_squeeze %dma_start3A_637 : memref<1x!tpu.dma_semaphore, #tpu.memory_space<semaphore_mem>> -> memref<!tpu.dma_semaphore, #tpu.memory_space<semaphore_mem>>
        %dma_start3A_639 = arith.constant 0 : i32
        %dma_start3A_640 = arith.constant 0 : i32
        %dma_start3A_641 = tpu.memref_slice %arg2[%dma_start3A_635, %dma_start3A_639, %dma_start3A_640] : memref<4x512x1024xf32, #tpu.memory_space<vmem>> -> memref<1x512x1024xf32, #tpu.memory_space<vmem>>
        %dma_start3A_642 = tpu.memref_squeeze %dma_start3A_641 : memref<1x512x1024xf32, #tpu.memory_space<vmem>> -> memref<512x1024xf32, #tpu.memory_space<vmem>>
        %dma_start3A_643 = arith.constant 0 : i32
        %dma_start3A_644 = tpu.memref_slice %arg0[%mul3A_634, %dma_start3A_643] : memref<32768x1024xf32, #tpu.memory_space<any>> -> memref<512x1024xf32, #tpu.memory_space<any>>
        tpu.enqueue_dma source(%dma_start3A_644 : memref<512x1024xf32, #tpu.memory_space<any>>) target(%dma_start3A_642 : memref<512x1024xf32, #tpu.memory_space<vmem>>) target_semaphore(%dma_start3A_638 : memref<!tpu.dma_semaphore, #tpu.memory_space<semaphore_mem>>)
      } else {
      }
      %mul3A_331 = arith.constant 4 : i32
      %mul3A_332 = arith.muli %scan3A_47, %mul3A_331 : i32
      %add3A_333 = arith.constant 2 : i32
      %add3A_334 = arith.addi %mul3A_332, %add3A_333 : i32
      %mul3A_335 = arith.constant 512 : i32
      %mul3A_336 = arith.muli %add3A_334, %mul3A_335 : i32
      %dma_wait3A_337 = arith.constant 2 : i32
      %dma_wait3A_338 = arith.constant 2 : i32
      %dma_wait3A_339 = tpu.memref_slice %arg4[%dma_wait3A_338] : memref<4x!tpu.dma_semaphore, #tpu.memory_space<semaphore_mem>> -> memref<1x!tpu.dma_semaphore, #tpu.memory_space<semaphore_mem>>
      %dma_wait3A_340 = tpu.memref_squeeze %dma_wait3A_339 : memref<1x!tpu.dma_semaphore, #tpu.memory_space<semaphore_mem>> -> memref<!tpu.dma_semaphore, #tpu.memory_space<semaphore_mem>>
      %dma_wait3A_341 = arith.constant 0 : i32
      %dma_wait3A_342 = arith.constant 0 : i32
      %dma_wait3A_343 = tpu.memref_slice %arg2[%dma_wait3A_337, %dma_wait3A_341, %dma_wait3A_342] : memref<4x512x1024xf32, #tpu.memory_space<vmem>> -> memref<1x512x1024xf32, #tpu.memory_space<vmem>>
      %dma_wait3A_344 = tpu.memref_squeeze %dma_wait3A_343 : memref<1x512x1024xf32, #tpu.memory_space<vmem>> -> memref<512x1024xf32, #tpu.memory_space<vmem>>
      %dma_wait3A_345 = arith.constant 0 : i32
      %dma_wait3A_346 = tpu.memref_slice %arg0[%mul3A_336, %dma_wait3A_345] : memref<32768x1024xf32, #tpu.memory_space<any>> -> memref<512x1024xf32, #tpu.memory_space<any>>
      tpu.wait_dma2 semaphore(%dma_wait3A_340 : memref<!tpu.dma_semaphore, #tpu.memory_space<semaphore_mem>>) src(%dma_wait3A_346 : memref<512x1024xf32, #tpu.memory_space<any>>) dst(%dma_wait3A_344 : memref<512x1024xf32, #tpu.memory_space<vmem>>)
      %get3A_347 = arith.constant 2 : i32
      %get3A_348 = arith.constant 0 : i32
      %get3A_349 = arith.constant 0 : i32
      %get3A_350 = tpu.memref_slice %arg2[%get3A_347, %get3A_348, %get3A_349] : memref<4x512x1024xf32, #tpu.memory_space<vmem>> -> memref<1x512x1024xf32, #tpu.memory_space<vmem>>
      %get3A_351 = tpu.memref_squeeze %get3A_350 : memref<1x512x1024xf32, #tpu.memory_space<vmem>> -> memref<512x1024xf32, #tpu.memory_space<vmem>>
      %get3A_352 = arith.constant 0 : index
      %get3A_353 = arith.constant 0 : index
      %get3A_354 = vector.load %get3A_351[%get3A_352, %get3A_353] : memref<512x1024xf32, #tpu.memory_space<vmem>>, vector<512x128xf32>
      %broadcast_in_dim3A_355 = arith.constant 0 : i32
      %broadcast_in_dim3A_356 = vector.broadcast %broadcast_in_dim3A_355 : i32 to vector<512x128xi32>
      %get3A_357 = arith.constant 2 : i32
      %get3A_358 = arith.constant 0 : i32
      %get3A_359 = arith.constant 0 : i32
      %get3A_360 = tpu.memref_slice %arg2[%get3A_357, %get3A_358, %get3A_359] : memref<4x512x1024xf32, #tpu.memory_space<vmem>> -> memref<1x512x1024xf32, #tpu.memory_space<vmem>>
      %get3A_361 = tpu.memref_squeeze %get3A_360 : memref<1x512x1024xf32, #tpu.memory_space<vmem>> -> memref<512x1024xf32, #tpu.memory_space<vmem>>
      %get3A_362 = arith.constant 0 : index
      %get3A_363 = arith.constant 128 : index
      %get3A_364 = vector.load %get3A_361[%get3A_362, %get3A_363] : memref<512x1024xf32, #tpu.memory_space<vmem>>, vector<512x128xf32>
      %gt3A_365 = arith.cmpf ogt, %get3A_364, %get3A_354 : vector<512x128xf32>
      %max3A_366 = arith.maximumf %get3A_354, %get3A_364 : vector<512x128xf32>
      %jit3A_367 = arith.constant 1 : i32
      %broadcast_in_dim3A_368 = vector.broadcast %jit3A_367 : i32 to vector<512x128xi32>
      %select_n3A_369 = arith.select %gt3A_365, %broadcast_in_dim3A_368, %broadcast_in_dim3A_356 : vector<512x128xi1>, vector<512x128xi32>
      %get3A_370 = arith.constant 2 : i32
      %get3A_371 = arith.constant 0 : i32
      %get3A_372 = arith.constant 0 : i32
      %get3A_373 = tpu.memref_slice %arg2[%get3A_370, %get3A_371, %get3A_372] : memref<4x512x1024xf32, #tpu.memory_space<vmem>> -> memref<1x512x1024xf32, #tpu.memory_space<vmem>>
      %get3A_374 = tpu.memref_squeeze %get3A_373 : memref<1x512x1024xf32, #tpu.memory_space<vmem>> -> memref<512x1024xf32, #tpu.memory_space<vmem>>
      %get3A_375 = arith.constant 0 : index
      %get3A_376 = arith.constant 256 : index
      %get3A_377 = vector.load %get3A_374[%get3A_375, %get3A_376] : memref<512x1024xf32, #tpu.memory_space<vmem>>, vector<512x128xf32>
      %gt3A_378 = arith.cmpf ogt, %get3A_377, %max3A_366 : vector<512x128xf32>
      %max3A_379 = arith.maximumf %max3A_366, %get3A_377 : vector<512x128xf32>
      %jit3A_380 = arith.constant 2 : i32
      %broadcast_in_dim3A_381 = vector.broadcast %jit3A_380 : i32 to vector<512x128xi32>
      %select_n3A_382 = arith.select %gt3A_378, %broadcast_in_dim3A_381, %select_n3A_369 : vector<512x128xi1>, vector<512x128xi32>
      %get3A_383 = arith.constant 2 : i32
      %get3A_384 = arith.constant 0 : i32
      %get3A_385 = arith.constant 0 : i32
      %get3A_386 = tpu.memref_slice %arg2[%get3A_383, %get3A_384, %get3A_385] : memref<4x512x1024xf32, #tpu.memory_space<vmem>> -> memref<1x512x1024xf32, #tpu.memory_space<vmem>>
      %get3A_387 = tpu.memref_squeeze %get3A_386 : memref<1x512x1024xf32, #tpu.memory_space<vmem>> -> memref<512x1024xf32, #tpu.memory_space<vmem>>
      %get3A_388 = arith.constant 0 : index
      %get3A_389 = arith.constant 384 : index
      %get3A_390 = vector.load %get3A_387[%get3A_388, %get3A_389] : memref<512x1024xf32, #tpu.memory_space<vmem>>, vector<512x128xf32>
      %gt3A_391 = arith.cmpf ogt, %get3A_390, %max3A_379 : vector<512x128xf32>
      %max3A_392 = arith.maximumf %max3A_379, %get3A_390 : vector<512x128xf32>
      %jit3A_393 = arith.constant 3 : i32
      %broadcast_in_dim3A_394 = vector.broadcast %jit3A_393 : i32 to vector<512x128xi32>
      %select_n3A_395 = arith.select %gt3A_391, %broadcast_in_dim3A_394, %select_n3A_382 : vector<512x128xi1>, vector<512x128xi32>
      %get3A_396 = arith.constant 2 : i32
      %get3A_397 = arith.constant 0 : i32
      %get3A_398 = arith.constant 0 : i32
      %get3A_399 = tpu.memref_slice %arg2[%get3A_396, %get3A_397, %get3A_398] : memref<4x512x1024xf32, #tpu.memory_space<vmem>> -> memref<1x512x1024xf32, #tpu.memory_space<vmem>>
      %get3A_400 = tpu.memref_squeeze %get3A_399 : memref<1x512x1024xf32, #tpu.memory_space<vmem>> -> memref<512x1024xf32, #tpu.memory_space<vmem>>
      %get3A_401 = arith.constant 0 : index
      %get3A_402 = arith.constant 512 : index
      %get3A_403 = vector.load %get3A_400[%get3A_401, %get3A_402] : memref<512x1024xf32, #tpu.memory_space<vmem>>, vector<512x128xf32>
      %gt3A_404 = arith.cmpf ogt, %get3A_403, %max3A_392 : vector<512x128xf32>
      %max3A_405 = arith.maximumf %max3A_392, %get3A_403 : vector<512x128xf32>
      %jit3A_406 = arith.constant 4 : i32
      %broadcast_in_dim3A_407 = vector.broadcast %jit3A_406 : i32 to vector<512x128xi32>
      %select_n3A_408 = arith.select %gt3A_404, %broadcast_in_dim3A_407, %select_n3A_395 : vector<512x128xi1>, vector<512x128xi32>
      %get3A_409 = arith.constant 2 : i32
      %get3A_410 = arith.constant 0 : i32
      %get3A_411 = arith.constant 0 : i32
      %get3A_412 = tpu.memref_slice %arg2[%get3A_409, %get3A_410, %get3A_411] : memref<4x512x1024xf32, #tpu.memory_space<vmem>> -> memref<1x512x1024xf32, #tpu.memory_space<vmem>>
      %get3A_413 = tpu.memref_squeeze %get3A_412 : memref<1x512x1024xf32, #tpu.memory_space<vmem>> -> memref<512x1024xf32, #tpu.memory_space<vmem>>
      %get3A_414 = arith.constant 0 : index
      %get3A_415 = arith.constant 640 : index
      %get3A_416 = vector.load %get3A_413[%get3A_414, %get3A_415] : memref<512x1024xf32, #tpu.memory_space<vmem>>, vector<512x128xf32>
      %gt3A_417 = arith.cmpf ogt, %get3A_416, %max3A_405 : vector<512x128xf32>
      %max3A_418 = arith.maximumf %max3A_405, %get3A_416 : vector<512x128xf32>
      %jit3A_419 = arith.constant 5 : i32
      %broadcast_in_dim3A_420 = vector.broadcast %jit3A_419 : i32 to vector<512x128xi32>
      %select_n3A_421 = arith.select %gt3A_417, %broadcast_in_dim3A_420, %select_n3A_408 : vector<512x128xi1>, vector<512x128xi32>
      %get3A_422 = arith.constant 2 : i32
      %get3A_423 = arith.constant 0 : i32
      %get3A_424 = arith.constant 0 : i32
      %get3A_425 = tpu.memref_slice %arg2[%get3A_422, %get3A_423, %get3A_424] : memref<4x512x1024xf32, #tpu.memory_space<vmem>> -> memref<1x512x1024xf32, #tpu.memory_space<vmem>>
      %get3A_426 = tpu.memref_squeeze %get3A_425 : memref<1x512x1024xf32, #tpu.memory_space<vmem>> -> memref<512x1024xf32, #tpu.memory_space<vmem>>
      %get3A_427 = arith.constant 0 : index
      %get3A_428 = arith.constant 768 : index
      %get3A_429 = vector.load %get3A_426[%get3A_427, %get3A_428] : memref<512x1024xf32, #tpu.memory_space<vmem>>, vector<512x128xf32>
      %gt3A_430 = arith.cmpf ogt, %get3A_429, %max3A_418 : vector<512x128xf32>
      %max3A_431 = arith.maximumf %max3A_418, %get3A_429 : vector<512x128xf32>
      %jit3A_432 = arith.constant 6 : i32
      %broadcast_in_dim3A_433 = vector.broadcast %jit3A_432 : i32 to vector<512x128xi32>
      %select_n3A_434 = arith.select %gt3A_430, %broadcast_in_dim3A_433, %select_n3A_421 : vector<512x128xi1>, vector<512x128xi32>
      %get3A_435 = arith.constant 2 : i32
      %get3A_436 = arith.constant 0 : i32
      %get3A_437 = arith.constant 0 : i32
      %get3A_438 = tpu.memref_slice %arg2[%get3A_435, %get3A_436, %get3A_437] : memref<4x512x1024xf32, #tpu.memory_space<vmem>> -> memref<1x512x1024xf32, #tpu.memory_space<vmem>>
      %get3A_439 = tpu.memref_squeeze %get3A_438 : memref<1x512x1024xf32, #tpu.memory_space<vmem>> -> memref<512x1024xf32, #tpu.memory_space<vmem>>
      %get3A_440 = arith.constant 0 : index
      %get3A_441 = arith.constant 896 : index
      %get3A_442 = vector.load %get3A_439[%get3A_440, %get3A_441] : memref<512x1024xf32, #tpu.memory_space<vmem>>, vector<512x128xf32>
      %gt3A_443 = arith.cmpf ogt, %get3A_442, %max3A_431 : vector<512x128xf32>
      %max3A_444 = arith.maximumf %max3A_431, %get3A_442 : vector<512x128xf32>
      %jit3A_445 = arith.constant 7 : i32
      %broadcast_in_dim3A_446 = vector.broadcast %jit3A_445 : i32 to vector<512x128xi32>
      %select_n3A_447 = arith.select %gt3A_443, %broadcast_in_dim3A_446, %select_n3A_434 : vector<512x128xi1>, vector<512x128xi32>
      %reduce_max3A_448 = arith.constant dense<0xFF800000> : vector<512xf32>
      %reduce_max3A_449 = vector.multi_reduction <maximumf>, %max3A_444, %reduce_max3A_448 [1] : vector<512x128xf32> to vector<512xf32>
      %broadcast_in_dim3A_450 = vector.shape_cast %reduce_max3A_449 : vector<512xf32> to vector<512x1xf32>
      %iota3A_451 = tpu.iota {dimensions = array<i32: 1>} : vector<512x128xi32>
      %mul3A_452 = arith.constant 128 : i32
      %mul3A_453 = vector.broadcast %mul3A_452 : i32 to vector<512x128xi32>
      %mul3A_454 = arith.muli %select_n3A_447, %mul3A_453 : vector<512x128xi32>
      %add3A_455 = arith.addi %mul3A_454, %iota3A_451 : vector<512x128xi32>
      %eq3A_456 = vector.broadcast %broadcast_in_dim3A_450 : vector<512x1xf32> to vector<512x128xf32>
      %eq3A_457 = arith.cmpf oeq, %max3A_444, %eq3A_456 : vector<512x128xf32>
      %jit3A_458 = arith.constant 1024 : i32
      %broadcast_in_dim3A_459 = vector.broadcast %jit3A_458 : i32 to vector<512x128xi32>
      %select_n3A_460 = arith.select %eq3A_457, %add3A_455, %broadcast_in_dim3A_459 : vector<512x128xi1>, vector<512x128xi32>
      %reduce_min3A_461 = arith.constant dense<2147483647> : vector<512xi32>
      %reduce_min3A_462 = vector.multi_reduction <minsi>, %select_n3A_460, %reduce_min3A_461 [1] : vector<512x128xi32> to vector<512xi32>
      %convert_element_type3A_463 = arith.sitofp %reduce_min3A_462 : vector<512xi32> to vector<512xf32>
      %mul3A_464 = arith.constant 0.0234604105 : f32
      %mul3A_465 = vector.broadcast %mul3A_464 : f32 to vector<512xf32>
      %mul3A_466 = arith.mulf %convert_element_type3A_463, %mul3A_465 : vector<512xf32>
      %add3A_467 = arith.constant 6.000000e+00 : f32
      %add3A_468 = vector.broadcast %add3A_467 : f32 to vector<512xf32>
      %add3A_469 = arith.addf %mul3A_466, %add3A_468 : vector<512xf32>
      %mul3A_470 = arith.constant 512 : i32
      %mul3A_471 = arith.muli %add3A_334, %mul3A_470 : i32
      %swap3A_472 = arith.index_cast %mul3A_471 : i32 to index
      %swap3A_473 = vector.load %arg3[%swap3A_472] : memref<18432xf32, #tpu.memory_space<vmem>>, vector<512xf32>
      tpu.vector_store %arg3[%swap3A_472], %add3A_469 {strides = array<i32>} : memref<18432xf32, #tpu.memory_space<vmem>>, vector<512xf32>,
      %add3A_474 = arith.constant 4 : i32
      %add3A_475 = arith.addi %add3A_334, %add3A_474 : i32
      %lt3A_476 = arith.constant 36 : i32
      %lt3A_477 = arith.cmpi slt, %add3A_475, %lt3A_476 : i32
      %convert_element_type3A_478 = arith.extui %lt3A_477 : i1 to i32
      %cond3A_479 = arith.constant 0 : i32
      %cond3A_480 = arith.cmpi ne, %convert_element_type3A_478, %cond3A_479 : i32
      scf.if %cond3A_480 {
        %add3A_631 = arith.constant 4 : i32
        %add3A_632 = arith.addi %add3A_334, %add3A_631 : i32
        %mul3A_633 = arith.constant 512 : i32
        %mul3A_634 = arith.muli %add3A_632, %mul3A_633 : i32
        %dma_start3A_635 = arith.constant 2 : i32
        %dma_start3A_636 = arith.constant 2 : i32
        %dma_start3A_637 = tpu.memref_slice %arg4[%dma_start3A_636] : memref<4x!tpu.dma_semaphore, #tpu.memory_space<semaphore_mem>> -> memref<1x!tpu.dma_semaphore, #tpu.memory_space<semaphore_mem>>
        %dma_start3A_638 = tpu.memref_squeeze %dma_start3A_637 : memref<1x!tpu.dma_semaphore, #tpu.memory_space<semaphore_mem>> -> memref<!tpu.dma_semaphore, #tpu.memory_space<semaphore_mem>>
        %dma_start3A_639 = arith.constant 0 : i32
        %dma_start3A_640 = arith.constant 0 : i32
        %dma_start3A_641 = tpu.memref_slice %arg2[%dma_start3A_635, %dma_start3A_639, %dma_start3A_640] : memref<4x512x1024xf32, #tpu.memory_space<vmem>> -> memref<1x512x1024xf32, #tpu.memory_space<vmem>>
        %dma_start3A_642 = tpu.memref_squeeze %dma_start3A_641 : memref<1x512x1024xf32, #tpu.memory_space<vmem>> -> memref<512x1024xf32, #tpu.memory_space<vmem>>
        %dma_start3A_643 = arith.constant 0 : i32
        %dma_start3A_644 = tpu.memref_slice %arg0[%mul3A_634, %dma_start3A_643] : memref<32768x1024xf32, #tpu.memory_space<any>> -> memref<512x1024xf32, #tpu.memory_space<any>>
        tpu.enqueue_dma source(%dma_start3A_644 : memref<512x1024xf32, #tpu.memory_space<any>>) target(%dma_start3A_642 : memref<512x1024xf32, #tpu.memory_space<vmem>>) target_semaphore(%dma_start3A_638 : memref<!tpu.dma_semaphore, #tpu.memory_space<semaphore_mem>>)
      } else {
      }
      %mul3A_481 = arith.constant 4 : i32
      %mul3A_482 = arith.muli %scan3A_47, %mul3A_481 : i32
      %add3A_483 = arith.constant 3 : i32
      %add3A_484 = arith.addi %mul3A_482, %add3A_483 : i32
      %mul3A_485 = arith.constant 512 : i32
      %mul3A_486 = arith.muli %add3A_484, %mul3A_485 : i32
      %dma_wait3A_487 = arith.constant 3 : i32
      %dma_wait3A_488 = arith.constant 3 : i32
      %dma_wait3A_489 = tpu.memref_slice %arg4[%dma_wait3A_488] : memref<4x!tpu.dma_semaphore, #tpu.memory_space<semaphore_mem>> -> memref<1x!tpu.dma_semaphore, #tpu.memory_space<semaphore_mem>>
      %dma_wait3A_490 = tpu.memref_squeeze %dma_wait3A_489 : memref<1x!tpu.dma_semaphore, #tpu.memory_space<semaphore_mem>> -> memref<!tpu.dma_semaphore, #tpu.memory_space<semaphore_mem>>
      %dma_wait3A_491 = arith.constant 0 : i32
      %dma_wait3A_492 = arith.constant 0 : i32
      %dma_wait3A_493 = tpu.memref_slice %arg2[%dma_wait3A_487, %dma_wait3A_491, %dma_wait3A_492] : memref<4x512x1024xf32, #tpu.memory_space<vmem>> -> memref<1x512x1024xf32, #tpu.memory_space<vmem>>
      %dma_wait3A_494 = tpu.memref_squeeze %dma_wait3A_493 : memref<1x512x1024xf32, #tpu.memory_space<vmem>> -> memref<512x1024xf32, #tpu.memory_space<vmem>>
      %dma_wait3A_495 = arith.constant 0 : i32
      %dma_wait3A_496 = tpu.memref_slice %arg0[%mul3A_486, %dma_wait3A_495] : memref<32768x1024xf32, #tpu.memory_space<any>> -> memref<512x1024xf32, #tpu.memory_space<any>>
      tpu.wait_dma2 semaphore(%dma_wait3A_490 : memref<!tpu.dma_semaphore, #tpu.memory_space<semaphore_mem>>) src(%dma_wait3A_496 : memref<512x1024xf32, #tpu.memory_space<any>>) dst(%dma_wait3A_494 : memref<512x1024xf32, #tpu.memory_space<vmem>>)
      %get3A_497 = arith.constant 3 : i32
      %get3A_498 = arith.constant 0 : i32
      %get3A_499 = arith.constant 0 : i32
      %get3A_500 = tpu.memref_slice %arg2[%get3A_497, %get3A_498, %get3A_499] : memref<4x512x1024xf32, #tpu.memory_space<vmem>> -> memref<1x512x1024xf32, #tpu.memory_space<vmem>>
      %get3A_501 = tpu.memref_squeeze %get3A_500 : memref<1x512x1024xf32, #tpu.memory_space<vmem>> -> memref<512x1024xf32, #tpu.memory_space<vmem>>
      %get3A_502 = arith.constant 0 : index
      %get3A_503 = arith.constant 0 : index
      %get3A_504 = vector.load %get3A_501[%get3A_502, %get3A_503] : memref<512x1024xf32, #tpu.memory_space<vmem>>, vector<512x128xf32>
      %broadcast_in_dim3A_505 = arith.constant 0 : i32
      %broadcast_in_dim3A_506 = vector.broadcast %broadcast_in_dim3A_505 : i32 to vector<512x128xi32>
      %get3A_507 = arith.constant 3 : i32
      %get3A_508 = arith.constant 0 : i32
      %get3A_509 = arith.constant 0 : i32
      %get3A_510 = tpu.memref_slice %arg2[%get3A_507, %get3A_508, %get3A_509] : memref<4x512x1024xf32, #tpu.memory_space<vmem>> -> memref<1x512x1024xf32, #tpu.memory_space<vmem>>
      %get3A_511 = tpu.memref_squeeze %get3A_510 : memref<1x512x1024xf32, #tpu.memory_space<vmem>> -> memref<512x1024xf32, #tpu.memory_space<vmem>>
      %get3A_512 = arith.constant 0 : index
      %get3A_513 = arith.constant 128 : index
      %get3A_514 = vector.load %get3A_511[%get3A_512, %get3A_513] : memref<512x1024xf32, #tpu.memory_space<vmem>>, vector<512x128xf32>
      %gt3A_515 = arith.cmpf ogt, %get3A_514, %get3A_504 : vector<512x128xf32>
      %max3A_516 = arith.maximumf %get3A_504, %get3A_514 : vector<512x128xf32>
      %jit3A_517 = arith.constant 1 : i32
      %broadcast_in_dim3A_518 = vector.broadcast %jit3A_517 : i32 to vector<512x128xi32>
      %select_n3A_519 = arith.select %gt3A_515, %broadcast_in_dim3A_518, %broadcast_in_dim3A_506 : vector<512x128xi1>, vector<512x128xi32>
      %get3A_520 = arith.constant 3 : i32
      %get3A_521 = arith.constant 0 : i32
      %get3A_522 = arith.constant 0 : i32
      %get3A_523 = tpu.memref_slice %arg2[%get3A_520, %get3A_521, %get3A_522] : memref<4x512x1024xf32, #tpu.memory_space<vmem>> -> memref<1x512x1024xf32, #tpu.memory_space<vmem>>
      %get3A_524 = tpu.memref_squeeze %get3A_523 : memref<1x512x1024xf32, #tpu.memory_space<vmem>> -> memref<512x1024xf32, #tpu.memory_space<vmem>>
      %get3A_525 = arith.constant 0 : index
      %get3A_526 = arith.constant 256 : index
      %get3A_527 = vector.load %get3A_524[%get3A_525, %get3A_526] : memref<512x1024xf32, #tpu.memory_space<vmem>>, vector<512x128xf32>
      %gt3A_528 = arith.cmpf ogt, %get3A_527, %max3A_516 : vector<512x128xf32>
      %max3A_529 = arith.maximumf %max3A_516, %get3A_527 : vector<512x128xf32>
      %jit3A_530 = arith.constant 2 : i32
      %broadcast_in_dim3A_531 = vector.broadcast %jit3A_530 : i32 to vector<512x128xi32>
      %select_n3A_532 = arith.select %gt3A_528, %broadcast_in_dim3A_531, %select_n3A_519 : vector<512x128xi1>, vector<512x128xi32>
      %get3A_533 = arith.constant 3 : i32
      %get3A_534 = arith.constant 0 : i32
      %get3A_535 = arith.constant 0 : i32
      %get3A_536 = tpu.memref_slice %arg2[%get3A_533, %get3A_534, %get3A_535] : memref<4x512x1024xf32, #tpu.memory_space<vmem>> -> memref<1x512x1024xf32, #tpu.memory_space<vmem>>
      %get3A_537 = tpu.memref_squeeze %get3A_536 : memref<1x512x1024xf32, #tpu.memory_space<vmem>> -> memref<512x1024xf32, #tpu.memory_space<vmem>>
      %get3A_538 = arith.constant 0 : index
      %get3A_539 = arith.constant 384 : index
      %get3A_540 = vector.load %get3A_537[%get3A_538, %get3A_539] : memref<512x1024xf32, #tpu.memory_space<vmem>>, vector<512x128xf32>
      %gt3A_541 = arith.cmpf ogt, %get3A_540, %max3A_529 : vector<512x128xf32>
      %max3A_542 = arith.maximumf %max3A_529, %get3A_540 : vector<512x128xf32>
      %jit3A_543 = arith.constant 3 : i32
      %broadcast_in_dim3A_544 = vector.broadcast %jit3A_543 : i32 to vector<512x128xi32>
      %select_n3A_545 = arith.select %gt3A_541, %broadcast_in_dim3A_544, %select_n3A_532 : vector<512x128xi1>, vector<512x128xi32>
      %get3A_546 = arith.constant 3 : i32
      %get3A_547 = arith.constant 0 : i32
      %get3A_548 = arith.constant 0 : i32
      %get3A_549 = tpu.memref_slice %arg2[%get3A_546, %get3A_547, %get3A_548] : memref<4x512x1024xf32, #tpu.memory_space<vmem>> -> memref<1x512x1024xf32, #tpu.memory_space<vmem>>
      %get3A_550 = tpu.memref_squeeze %get3A_549 : memref<1x512x1024xf32, #tpu.memory_space<vmem>> -> memref<512x1024xf32, #tpu.memory_space<vmem>>
      %get3A_551 = arith.constant 0 : index
      %get3A_552 = arith.constant 512 : index
      %get3A_553 = vector.load %get3A_550[%get3A_551, %get3A_552] : memref<512x1024xf32, #tpu.memory_space<vmem>>, vector<512x128xf32>
      %gt3A_554 = arith.cmpf ogt, %get3A_553, %max3A_542 : vector<512x128xf32>
      %max3A_555 = arith.maximumf %max3A_542, %get3A_553 : vector<512x128xf32>
      %jit3A_556 = arith.constant 4 : i32
      %broadcast_in_dim3A_557 = vector.broadcast %jit3A_556 : i32 to vector<512x128xi32>
      %select_n3A_558 = arith.select %gt3A_554, %broadcast_in_dim3A_557, %select_n3A_545 : vector<512x128xi1>, vector<512x128xi32>
      %get3A_559 = arith.constant 3 : i32
      %get3A_560 = arith.constant 0 : i32
      %get3A_561 = arith.constant 0 : i32
      %get3A_562 = tpu.memref_slice %arg2[%get3A_559, %get3A_560, %get3A_561] : memref<4x512x1024xf32, #tpu.memory_space<vmem>> -> memref<1x512x1024xf32, #tpu.memory_space<vmem>>
      %get3A_563 = tpu.memref_squeeze %get3A_562 : memref<1x512x1024xf32, #tpu.memory_space<vmem>> -> memref<512x1024xf32, #tpu.memory_space<vmem>>
      %get3A_564 = arith.constant 0 : index
      %get3A_565 = arith.constant 640 : index
      %get3A_566 = vector.load %get3A_563[%get3A_564, %get3A_565] : memref<512x1024xf32, #tpu.memory_space<vmem>>, vector<512x128xf32>
      %gt3A_567 = arith.cmpf ogt, %get3A_566, %max3A_555 : vector<512x128xf32>
      %max3A_568 = arith.maximumf %max3A_555, %get3A_566 : vector<512x128xf32>
      %jit3A_569 = arith.constant 5 : i32
      %broadcast_in_dim3A_570 = vector.broadcast %jit3A_569 : i32 to vector<512x128xi32>
      %select_n3A_571 = arith.select %gt3A_567, %broadcast_in_dim3A_570, %select_n3A_558 : vector<512x128xi1>, vector<512x128xi32>
      %get3A_572 = arith.constant 3 : i32
      %get3A_573 = arith.constant 0 : i32
      %get3A_574 = arith.constant 0 : i32
      %get3A_575 = tpu.memref_slice %arg2[%get3A_572, %get3A_573, %get3A_574] : memref<4x512x1024xf32, #tpu.memory_space<vmem>> -> memref<1x512x1024xf32, #tpu.memory_space<vmem>>
      %get3A_576 = tpu.memref_squeeze %get3A_575 : memref<1x512x1024xf32, #tpu.memory_space<vmem>> -> memref<512x1024xf32, #tpu.memory_space<vmem>>
      %get3A_577 = arith.constant 0 : index
      %get3A_578 = arith.constant 768 : index
      %get3A_579 = vector.load %get3A_576[%get3A_577, %get3A_578] : memref<512x1024xf32, #tpu.memory_space<vmem>>, vector<512x128xf32>
      %gt3A_580 = arith.cmpf ogt, %get3A_579, %max3A_568 : vector<512x128xf32>
      %max3A_581 = arith.maximumf %max3A_568, %get3A_579 : vector<512x128xf32>
      %jit3A_582 = arith.constant 6 : i32
      %broadcast_in_dim3A_583 = vector.broadcast %jit3A_582 : i32 to vector<512x128xi32>
      %select_n3A_584 = arith.select %gt3A_580, %broadcast_in_dim3A_583, %select_n3A_571 : vector<512x128xi1>, vector<512x128xi32>
      %get3A_585 = arith.constant 3 : i32
      %get3A_586 = arith.constant 0 : i32
      %get3A_587 = arith.constant 0 : i32
      %get3A_588 = tpu.memref_slice %arg2[%get3A_585, %get3A_586, %get3A_587] : memref<4x512x1024xf32, #tpu.memory_space<vmem>> -> memref<1x512x1024xf32, #tpu.memory_space<vmem>>
      %get3A_589 = tpu.memref_squeeze %get3A_588 : memref<1x512x1024xf32, #tpu.memory_space<vmem>> -> memref<512x1024xf32, #tpu.memory_space<vmem>>
      %get3A_590 = arith.constant 0 : index
      %get3A_591 = arith.constant 896 : index
      %get3A_592 = vector.load %get3A_589[%get3A_590, %get3A_591] : memref<512x1024xf32, #tpu.memory_space<vmem>>, vector<512x128xf32>
      %gt3A_593 = arith.cmpf ogt, %get3A_592, %max3A_581 : vector<512x128xf32>
      %max3A_594 = arith.maximumf %max3A_581, %get3A_592 : vector<512x128xf32>
      %jit3A_595 = arith.constant 7 : i32
      %broadcast_in_dim3A_596 = vector.broadcast %jit3A_595 : i32 to vector<512x128xi32>
      %select_n3A_597 = arith.select %gt3A_593, %broadcast_in_dim3A_596, %select_n3A_584 : vector<512x128xi1>, vector<512x128xi32>
      %reduce_max3A_598 = arith.constant dense<0xFF800000> : vector<512xf32>
      %reduce_max3A_599 = vector.multi_reduction <maximumf>, %max3A_594, %reduce_max3A_598 [1] : vector<512x128xf32> to vector<512xf32>
      %broadcast_in_dim3A_600 = vector.shape_cast %reduce_max3A_599 : vector<512xf32> to vector<512x1xf32>
      %iota3A_601 = tpu.iota {dimensions = array<i32: 1>} : vector<512x128xi32>
      %mul3A_602 = arith.constant 128 : i32
      %mul3A_603 = vector.broadcast %mul3A_602 : i32 to vector<512x128xi32>
      %mul3A_604 = arith.muli %select_n3A_597, %mul3A_603 : vector<512x128xi32>
      %add3A_605 = arith.addi %mul3A_604, %iota3A_601 : vector<512x128xi32>
      %eq3A_606 = vector.broadcast %broadcast_in_dim3A_600 : vector<512x1xf32> to vector<512x128xf32>
      %eq3A_607 = arith.cmpf oeq, %max3A_594, %eq3A_606 : vector<512x128xf32>
      %jit3A_608 = arith.constant 1024 : i32
      %broadcast_in_dim3A_609 = vector.broadcast %jit3A_608 : i32 to vector<512x128xi32>
      %select_n3A_610 = arith.select %eq3A_607, %add3A_605, %broadcast_in_dim3A_609 : vector<512x128xi1>, vector<512x128xi32>
      %reduce_min3A_611 = arith.constant dense<2147483647> : vector<512xi32>
      %reduce_min3A_612 = vector.multi_reduction <minsi>, %select_n3A_610, %reduce_min3A_611 [1] : vector<512x128xi32> to vector<512xi32>
      %convert_element_type3A_613 = arith.sitofp %reduce_min3A_612 : vector<512xi32> to vector<512xf32>
      %mul3A_614 = arith.constant 0.0234604105 : f32
      %mul3A_615 = vector.broadcast %mul3A_614 : f32 to vector<512xf32>
      %mul3A_616 = arith.mulf %convert_element_type3A_613, %mul3A_615 : vector<512xf32>
      %add3A_617 = arith.constant 6.000000e+00 : f32
      %add3A_618 = vector.broadcast %add3A_617 : f32 to vector<512xf32>
      %add3A_619 = arith.addf %mul3A_616, %add3A_618 : vector<512xf32>
      %mul3A_620 = arith.constant 512 : i32
      %mul3A_621 = arith.muli %add3A_484, %mul3A_620 : i32
      %swap3A_622 = arith.index_cast %mul3A_621 : i32 to index
      %swap3A_623 = vector.load %arg3[%swap3A_622] : memref<18432xf32, #tpu.memory_space<vmem>>, vector<512xf32>
      tpu.vector_store %arg3[%swap3A_622], %add3A_619 {strides = array<i32>} : memref<18432xf32, #tpu.memory_space<vmem>>, vector<512xf32>,
      %add3A_624 = arith.constant 4 : i32
      %add3A_625 = arith.addi %add3A_484, %add3A_624 : i32
      %lt3A_626 = arith.constant 36 : i32
      %lt3A_627 = arith.cmpi slt, %add3A_625, %lt3A_626 : i32
      %convert_element_type3A_628 = arith.extui %lt3A_627 : i1 to i32
      %cond3A_629 = arith.constant 0 : i32
      %cond3A_630 = arith.cmpi ne, %convert_element_type3A_628, %cond3A_629 : i32
      scf.if %cond3A_630 {
        %add3A_631 = arith.constant 4 : i32
        %add3A_632 = arith.addi %add3A_484, %add3A_631 : i32
        %mul3A_633 = arith.constant 512 : i32
        %mul3A_634 = arith.muli %add3A_632, %mul3A_633 : i32
        %dma_start3A_635 = arith.constant 3 : i32
        %dma_start3A_636 = arith.constant 3 : i32
        %dma_start3A_637 = tpu.memref_slice %arg4[%dma_start3A_636] : memref<4x!tpu.dma_semaphore, #tpu.memory_space<semaphore_mem>> -> memref<1x!tpu.dma_semaphore, #tpu.memory_space<semaphore_mem>>
        %dma_start3A_638 = tpu.memref_squeeze %dma_start3A_637 : memref<1x!tpu.dma_semaphore, #tpu.memory_space<semaphore_mem>> -> memref<!tpu.dma_semaphore, #tpu.memory_space<semaphore_mem>>
        %dma_start3A_639 = arith.constant 0 : i32
        %dma_start3A_640 = arith.constant 0 : i32
        %dma_start3A_641 = tpu.memref_slice %arg2[%dma_start3A_635, %dma_start3A_639, %dma_start3A_640] : memref<4x512x1024xf32, #tpu.memory_space<vmem>> -> memref<1x512x1024xf32, #tpu.memory_space<vmem>>
        %dma_start3A_642 = tpu.memref_squeeze %dma_start3A_641 : memref<1x512x1024xf32, #tpu.memory_space<vmem>> -> memref<512x1024xf32, #tpu.memory_space<vmem>>
        %dma_start3A_643 = arith.constant 0 : i32
        %dma_start3A_644 = tpu.memref_slice %arg0[%mul3A_634, %dma_start3A_643] : memref<32768x1024xf32, #tpu.memory_space<any>> -> memref<512x1024xf32, #tpu.memory_space<any>>
        tpu.enqueue_dma source(%dma_start3A_644 : memref<512x1024xf32, #tpu.memory_space<any>>) target(%dma_start3A_642 : memref<512x1024xf32, #tpu.memory_space<vmem>>) target_semaphore(%dma_start3A_638 : memref<!tpu.dma_semaphore, #tpu.memory_space<semaphore_mem>>)
      } else {
      }
    }
    %scan3A_46 = arith.constant 9 : i32
    "tpu.region"() ({
      %run_scoped3A = tpu.sem_alloc : memref<!tpu.dma_semaphore, #tpu.memory_space<semaphore_mem>>
      tpu.enqueue_dma source(%arg3 : memref<18432xf32, #tpu.memory_space<vmem>>) target(%arg1 : memref<18432xf32, #tpu.memory_space<any>>) target_semaphore(%run_scoped3A : memref<!tpu.dma_semaphore, #tpu.memory_space<semaphore_mem>>)
      tpu.wait_dma2 semaphore(%run_scoped3A : memref<!tpu.dma_semaphore, #tpu.memory_space<semaphore_mem>>) src(%arg3 : memref<18432xf32, #tpu.memory_space<vmem>>) dst(%arg1 : memref<18432xf32, #tpu.memory_space<any>>)
      tpu.yield
    }) : () -> ()
    return
  }
}

</mosaic_0001>

<sc_bundles>
// kernel: _psd_peaks.4.cloned.1.call-start
scs
__scs_entry_jumppad:
0x0: {  	(pc) =	sbr.rel $0x88, $3  }
0x1: {  	(tag) =	ssettag $0x0;
	lr =	simm.s32 $0x1  }
0x2: {  	[smem:$0x3FA0] =	sst lr;
	_ =	strace $0xD0000000  }
0x3: {  	_ = 	snop  }
0x4: {  	_ = 	snop  }
0x5: {  	_ = 	snop  }
0x6: {  	_ = 	snop  }
0x7: {  	_ = 	snop  }
__scs_overlays_trampoline_lowered:
0x8: {  	[smem:$0x3FAF] =	sst s0  }
0x9: {  	[smem:$0x3FB0] =	sst s1  }
0xa: {  	[smem:$0x3FB1] =	sst s2  }
0xb: {  	[smem:$0x3FB2] =	sst s3  }
0xc: {  	[smem:$0x3FB3] =	sst s4  }
0xd: {  	[smem:$0x3FB4] =	sst s5  }
0xe: {  	[smem:$0x3FB5] =	sst s6  }
0xf: {  	[smem:$0x3FB6] =	sst s7  }
0x10: {  	[smem:$0x3FB7] =	sst s8  }
0x11: {  	[smem:$0x3FB8] =	sst s9;
	s0 =	simm.s32 @!p0 $0x0  }
0x12: {  	s1 =	sld [smem:$0x3F9E];
	s0 =	simm.s32 @p0 $0x1  }
0x13: {  	[smem:$0x3FB9] =	sst s0;
	s0 =	simm.s32 @!p1 $0x0  }
0x14: {  	s2 =	sld [smem:$0x3F9D];
	s0 =	simm.s32 @p1 $0x1  }
0x15: {  	[smem:$0x3FBA] =	sst s0;
	s0 =	simm.s32 @!p2 $0x0  }
0x16: {  	s3 =	sld [smem:$0x3FDB];
	s0 =	simm.s32 @p2 $0x1  }
0x17: {  	s4 =	simm.s32 $0x1BF5;
	[smem:$0x3FBC] =	sst s0  }
0x18: {  	s0 =	sld [smem:$0x3F9F];
	_ =	swait.ge [sflag:s4], $0x0  }
0x19: {  	s7 =	sld [smem:$0x3FA0]  }
0x1a: {  	s8 =	sadd.s32 $0xFFFFE003, lr  }
0x1b: {  	s9 =	sadd.s32 $0xFFFFFEF7, lr;
	s5 =	simm.s32 $0xFFFFFFFF;
	p2 =	slt.u32 s8, $0xFFFFF086  }
0x1c: {  	p1 =	slt.u32 s9, $0xF7A;
	s5 =	simm.s32 @!p2 $0x0  }
0x1d: {  	s5 =	simm.s32 @p1 $0x1;
	p0 =	seq.s32 s7, s2  }
0x1e: {  	s7 =	smul.u32 @!p0 $0xF7A, s2;
	p2 =	seq.s32 @!p0 s5, $0x0  }
0x1f: {  	s9 =	smul.u32 $0xF7A, s1;
	s8 =	simm.s32 @!p0 $0x1BF5;
	p2 =	por !p2, p0  }
0x20: {  	[sflag:s8] =	ssyncset.s32 @!p0 $0xFFFFF086;
	s6 =	sadd.s32 @!p0 s3, s7;
	s7 =	simm.s32 @!p0 $0x108  }
0x21: {  	s3 =	sadd.s32 s3, s9;
	s6 =	sadd.s32 @!p0 $0x88, s6;
	s7 =	simm.s32 @p2 $0x1082  }
0x22: {  	[simem:s7], [sflag:s8] =	dma.local @!p0 [hbm:s6], $0xF7A  }
0x23: {  	s9 =	sor.u32 $0xD0000000, s2;
	s6 =	simm.s32 $0x108;
	_ =	swait.ge @!p0 [sflag:s8], $0x0  }
0x24: {  	s3 =	sadd.s32 $0x88, s3;
	s6 =	simm.s32 @!p1 $0x1082;
	[sflag:s4] =	ssyncset.s32 $0xFFFFF086  }
0x25: {  	[simem:s6], [sflag:s4] =	dma.local [hbm:s3], $0xF7A  }
0x26: {  	[smem:$0x3FA0] =	sst s1;
	(tag) =	ssettag s2;
	_ =	strace s9  }
0x27: {  	s1 =	sld [smem:$0x3FB0]  }
0x28: {  	s2 =	sld [smem:$0x3FB1]  }
0x29: {  	s4 =	sld [smem:$0x3FB3]  }
0x2a: {  	p0 =	seq.s32 s5, $0x0;
	s5 =	sld [smem:$0x3FB4]  }
0x2b: {  	s6 =	sld [smem:$0x3FB5]  }
0x2c: {  	s7 =	sld [smem:$0x3FB6]  }
0x2d: {  	s3 =	simm.s32 $0x108;
	s8 =	sld [smem:$0x3FB7]  }
0x2e: {  	s3 =	simm.s32 @!p0 $0x1082;
	s9 =	sld [smem:$0x3FB8]  }
0x2f: {  	lr =	sadd.s32 s0, s3;
	s0 =	sld [smem:$0x3FAF]  }
0x30: {  	s3 =	sld [smem:$0x3FB2]  }
0x31: {  	[smem:$0x3FBB] =	sst s10  }
0x32: {  	s10 =	sld [smem:$0x3FB9];
	_ =	sdelay $0x3  }
0x33: {  	p0 =	seq.s32 s10, $0x1;
	s10 =	sld [smem:$0x3FBB];
	_ =	sdelay $0x3  }
0x34: {  	[smem:$0x3FBB] =	sst s10  }
0x35: {  	s10 =	sld [smem:$0x3FBA];
	_ =	sdelay $0x3  }
0x36: {  	p1 =	seq.s32 s10, $0x1;
	s10 =	sld [smem:$0x3FBB];
	_ =	sdelay $0x3  }
0x37: {  	[smem:$0x3FBB] =	sst s10  }
0x38: {  	s10 =	sld [smem:$0x3FBC]  }
0x39: {  	_ = 	snop;
	(pc) =	sbr.ind lr, $3  }
0x3a: {  	_ = 	snop  }
0x3b: {  	_ = 	snop  }
0x3c: {  	p2 =	seq.s32 s10, $0x1;
	s10 =	sld [smem:$0x3FBB]  }
0x3d: {  	_ =	shalt  }
0x3e: {  	_ =	shalt  }
0x3f: {  	_ =	shalt  }
0x40: {  	_ =	shalt  }
0x41: {  	_ =	shalt  }
0x42: {  	_ =	shalt  }
0x43: {  	_ =	shalt  }
0x44: {  	_ =	shalt  }
0x45: {  	_ =	shalt  }
0x46: {  	_ =	shalt  }
0x47: {  	_ =	shalt  }
0x48: {  	_ =	shalt  }
0x49: {  	_ =	shalt  }
0x4a: {  	_ =	shalt  }
0x4b: {  	_ =	shalt  }
0x4c: {  	_ =	shalt  }
0x4d: {  	_ =	shalt  }
0x4e: {  	_ =	shalt  }
0x4f: {  	_ =	shalt  }
0x50: {  	_ =	shalt  }
0x51: {  	_ =	shalt  }
0x52: {  	_ =	shalt  }
0x53: {  	_ =	shalt  }
0x54: {  	_ =	shalt  }
0x55: {  	_ =	shalt  }
0x56: {  	_ =	shalt  }
0x57: {  	_ =	shalt  }
0x58: {  	_ =	shalt  }
0x59: {  	_ =	shalt  }
0x5a: {  	_ =	shalt  }
0x5b: {  	_ =	shalt  }
0x5c: {  	_ =	shalt  }
0x5d: {  	_ =	shalt  }
0x5e: {  	_ =	shalt  }
0x5f: {  	_ =	shalt  }
0x60: {  	_ =	shalt  }
0x61: {  	_ =	shalt  }
0x62: {  	_ =	shalt  }
0x63: {  	_ =	shalt  }
0x64: {  	_ =	shalt  }
0x65: {  	_ =	shalt  }
0x66: {  	_ =	shalt  }
0x67: {  	_ =	shalt  }
0x68: {  	_ =	shalt  }
0x69: {  	_ =	shalt  }
0x6a: {  	_ =	shalt  }
0x6b: {  	_ =	shalt  }
0x6c: {  	_ =	shalt  }
0x6d: {  	_ =	shalt  }
0x6e: {  	_ =	shalt  }
0x6f: {  	_ =	shalt  }
0x70: {  	_ =	shalt  }
0x71: {  	_ =	shalt  }
0x72: {  	_ =	shalt  }
0x73: {  	_ =	shalt  }
0x74: {  	_ =	shalt  }
0x75: {  	_ =	shalt  }
0x76: {  	_ =	shalt  }
0x77: {  	_ =	shalt  }
0x78: {  	_ =	shalt  }
0x79: {  	_ =	shalt  }
0x7a: {  	_ =	shalt  }
0x7b: {  	_ =	shalt  }
0x7c: {  	_ =	shalt  }
0x7d: {  	_ =	shalt  }
0x7e: {  	_ =	shalt  }
0x7f: {  	_ =	shalt  }
0x80: {  	_ =	shalt  }
0x81: {  	_ =	shalt  }
0x82: {  	_ =	shalt  }
0x83: {  	_ =	shalt  }
0x84: {  	_ =	shalt  }
0x85: {  	_ =	shalt  }
0x86: {  	_ =	shalt  }
0x87: {  	_ =	shalt  }
.Lfunc_end0:
.L_simem_size_0:
called_computation_lowered:
.L_overlay_start_0:
0x88: {  	s2 =	sld [smem:$0x3FD9]  }
0x89: {  	s3 =	sld [smem:$0x3FFE];
	_ =	sdelay $0x1  }
0x8a: {  	s1 =	srdreg.scid  }
0x8b: {  	s0 =	sand.u32 $0x1, s1  }
0x8c: {  	s17 =	sshll.u32 s0, $0xA;
	s2 =	sadd.s32 s3, s2  }
0x8d: {  	s2 =	sadd.s32 s2, s17  }
0x8e: {  	[smem:$0x3FC7] =	sst s2  }
0x8f: {  	_ = 	snop  }
0x90: {  	s2 =	sld [smem:$0x3FC9];
	(tm) =	ssettm $0x1  }
0x91: {  	s18 =	sld [smem:$0x3FFB];
	_ =	sdelay $0x3  }
0x92: {  	_ =	strace s18  }
0x93: {  	s3 =	sld [smem:$0x3FFC];
	_ =	sdelay $0x3  }
0x94: {  	_ =	strace s3  }
0x95: {  	s3 =	sld [smem:$0x3FFD];
	_ =	sdelay $0x3  }
0x96: {  	_ =	strace s3  }
0x97: {  	_ =	strace $0x8FFFFFFF  }
0x98: {  	s19 =	sld [smem:$0x3FDB];
	_ =	sdelay $0x1  }
0x99: {  	s4 =	simm.s32 $_scs_section_size  }
0x9a: {  	s5 =	simm.s32 $_size__tile_overlayer_lowered;
	s6 =	simm.s32 $_tile_overlayer_lowered  }
0x9b: {  	s22 =	simm.s32 $0x1BFF;
	s21 =	sshll.u32 s6, $0x1;
	s3 =	sadd.s32 s4, s19  }
0x9c: {  	s7 =	simm.s32 $0x0;
	s20 =	sshll.u32 s5, $0x1;
	s5 =	sadd.s32 s21, s3  }
0x9d: {  	[timem:s7], [sflag:s22] =	dma.local [hbm:s5], s20  }
0x9e: {  	_ =	swait.ge [sflag:s22], s20  }
0x9f: {  	s4 =	ssub.s32 $0x0, s20;
	[sflag:s22] =	ssyncset.done $0x0  }
0xa0: {  	[sflag:s22] =	ssyncadd.s32 s4;
	_ =	sdelay $0x1  }
0xa1: {  	s23 =	simm.s32 $0x1B8B  }
0xa2: {  	_ =	swait.ge [sflag:s23], $0x1  }
0xa3: {  	[sflag:s23] =	ssyncset.done $0x0  }
0xa4: {  	s25 =	simm.s32 $0x1B8E;
	s24 =	sld [smem:$0x3FFE];
	[sflag:s23] =	ssyncadd.s32 $0xFFFFFFFF  }
0xa5: {  	s26 =	simm.s32 $execute0_lowered;
	[smem:$0x3FD2] =	sst s25  }
0xa6: {  	s5 =	sshll.u32 s26, $0x1;
	_ =	strace $0x80000046;
	[dreg:$0x1] =	wrdreg $0xFFFFFFFF  }
0xa7: {  	s28 =	simm.s32 $_size_execute0_lowered;
	s3 =	sadd.s32 s3, s5;
	[dreg:$0x0] =	wrdreg $0x0  }
0xa8: {  	s5 =	sshll.u32 s28, $0x1;
	[dreg:$0x2] =	wrdreg s3  }
0xa9: {  	[dreg:$0x3] =	wrdreg s5  }
0xaa: {  	[dreg:$0x4] =	wrdreg $0xC0  }
0xab: {  	_ =	task [dreg:s7], $0x5FFFF  }
0xac: {  	[dreg:$0x1] =	wrdreg $0xFFFFFFFF  }
0xad: {  	[dreg:$0x0] =	wrdreg $0x60  }
0xae: {  	[dreg:$0x2] =	wrdreg s2  }
0xaf: {  	[dreg:$0x3] =	wrdreg s24  }
0xb0: {  	[dreg:$0x4] =	wrdreg $0x9  }
0xb1: {  	_ =	task.clear_ibuf [dreg:s7], $0x5FFFF;
	_ =	strace $0x90000046  }
0xb2: {  	s29 =	simm.s32 $0x9;
	_ =	strace $0x80000048  }
0xb3: {  	_ =	swait.ge [sflag:s29], $0x1  }
0xb4: {  	[sflag:s29] =	ssyncadd.s32 $0xFFFFFFFF  }
0xb5: {  	_ =	strace $0x90000048  }
0xb6: {  	_ =	sfence  }
0xb7: {  	s30 =	sld [smem:$0x0];
	_ =	sdelay $0x2  }
0xb8: {  	s31 =	sshll.u32 s1, $0xD;
	s1 =	sshrl.u32 s1, $0x2  }
0xb9: {  	s3 =	sand.u32 $0x4000, s31;
	s1 =	sadd.s32 s1, s30  }
0xba: {  	s0 =	sor.u32 s3, s0;
	s1 =	sshll.u32 s1, $0x11  }
0xbb: {  	s0 =	sor.u32 s1, s0  }
0xbc: {  	s0 =	sadd.s32 $0x8F2B, s0  }
0xbd: {  	[sflag:s0] =	ssyncadd.remote.s32 $0x1  }
0xbe: {  	_ =	sfence.sel $0xFFFF  }
0xbf: {  	[dreg:$0x0] =	wrdreg $0xFFFFFFFF;
	(pc) =	sbr.abs _section_cstart, $3  }
0xc0: {  	[dreg:$0x1] =	wrdreg $0xFFFFFFFF  }
0xc1: {  	_ =	task.clear_ibuf [dreg:s7], $0x2FFFF;
	_ =	strace $0x9FFFFFFF  }
0xc2: {  	(tm) =	ssettm $0x7FFFFFFF  }
0xc3: {  	_ =	shalt  }
tec
execute0_lowered:
.L_overlay_start_1:
0x0: {  	(tag) =	ssettag $0x1  }
0x1: {  	v0 =	vimm.s32 $0xFEDCBA98;
	v1 =	vimm.s32 $0x76543210  }
0x2: {  	v2 =	vimm.s32 $0xBA98FEDC;
	v3 =	vimm.s32 $0x32107654;
	v4 =	vimm.s32 $0xDCFE98BA  }
0x3: {  	s1 =	srdreg.scid;
	s0 =	stileid.u32;
	v5 =	vimm.s32 $0x54761032;
	v6 =	vimm.s32 $0xEFCDAB89;
	v7 =	vimm.s32 $0x67452301  }
0x4: {  	s5 =	rddreg [dreg:$0x1];
	s3 =	simm.s32 $0x0;
	s11 =	simm.s32 $0x2;
	v0 =	vunpack.c.l.s4.s8 v0;
	v1 =	vunpack.c.l.s4.s8 v1;
	v2 =	vunpack.c.l.s4.s8 v2  }
0x5: {  	s12 =	simm.s32 $0x10000;
	s4 =	sand.u32 $0x1, s1;
	s2 =	sshll.u32 s0, $0x1;
	v3 =	vunpack.c.l.s4.s8 v3;
	v4 =	vunpack.c.l.s4.s8 v4;
	v5 =	vunpack.c.l.s4.s8 v5  }
0x6: {  	s13 =	simm.s32 $0x3;
	s1 =	rddreg [dreg:$0x0];
	v6 =	vunpack.c.l.s4.s8 v6;
	v7 =	vunpack.c.l.s4.s8 v7;
	s2 =	sor.u32 s4, s2;
	v0 =	vunpack.c.0.s8.s32 v0  }
0x7: {  	s14 =	simm.s32 $0x0;
	[smem:$0x7FF] =	sst s3;
	s6 =	smul.u32 $0x1C0, s2;
	v2 =	vunpack.c.0.s8.s32 v2;
	v3 =	vunpack.c.0.s8.s32 v3;
	v4 =	vunpack.c.0.s8.s32 v4  }
0x8: {  	s7 =	ssub.s32 $0x2, s4;
	s2 =	rddreg [dreg:$0x2];
	_ =	strace $0x80000047;
	v5 =	vunpack.c.0.s8.s32 v5;
	v6 =	vunpack.c.0.s8.s32 v6;
	v7 =	vunpack.c.0.s8.s32 v7  }
0x9: {  	s9 =	sshrl.u32 s7, $0x1;
	v1 =	vunpack.c.0.s8.s32 v1;
	s4 =	sadd.s32 $0x4800, s6;
	s8 =	sshrl.u32 s6, $0x3;
	v2 =	vcombine.low v3, v2  }
0xa: {  	s9 =	ssub.s32 s7, s9;
	v3 =	vcombine.low v5, v4;
	v4 =	vcombine.low v7, v6;
	v0 =	vand.u32 $0xF, v0;
	s10 =	sshll.u32 s4, $0x7;
	s8 =	sadd.s32 s8, s5  }
0xb: {  	s6 =	sadd.s32 $0x4840, s6;
	v0 =	vcombine.low v0, v1;
	s5 =	sadd.s32 s1, s10;
	s7 =	sadd.s32 $0x400, s8;
	v1 =	vand.u32 $0xF, v2  }
0xc: {  	s8 =	smax.u32 s9, $0x1;
	s9 =	simm.s32 $0x1;
	s10 =	simm.s32 $0x8000;
	v2 =	vand.u32 $0xF, v3;
	v3 =	vand.u32 $0xF, v4;
	v4 =	vlaneseq.u32  }
.LBB2_1:
0xd: {  	[tilespmem:s3], [sflag:$0x1] =	stream.linear.gather [hbm4b:s5+s3], $0x8000, $0x38;
	[tilespmem:$0x10200] =	vst v63  }
0xe: {  	s15 =	simm.s32 $0x0  }
.LBB2_2:
0xf: {  	s17 =	sshll.u32 s15, $0x6  }
0x10: {  	s16 =	sor.u32 $0x20, s17  }
0x11: {  	_ =	swait.ge [sflag:s9], $0x8000;
	s18 =	sadd.s32 s4, s16  }
0x12: {  	[sflag:s9] =	ssyncset.done $0x0;
	s31 =	sand.u32 $0x3FFFFFC0, s17;
	s18 =	sshll.u32 s18, $0x7  }
0x13: {  	[sflag:s9] =	ssyncadd.s32 $0xFFFF8000;
	s19 =	sadd.s32 s1, s18;
	s18 =	simm.s32 $0x0  }
0x14: {  	[tilespmem:s10], [sflag:$0x2] =	stream.linear.gather [hbm4b:s19+s18], $0x8000, $0x38;
	[tilespmem:$0x10200] =	vst v63  }
0x15: {  	s19 =	sadd.s32 $0x10000, s31  }
0x16: {  	p1 =	por $0x1, $0x1;
	v5 =	vmov s19  }
.LBB2_3:
0x17: {  	s19 =	sshll.u32 s18, $0xE;
	p0 =	por p1, p1  }
0x18: {  	v7 =	vimm.f32 $0.0e+00;
	p2 =	por $0x1, $0x1;
	s20 =	simm.s32 $0x0;
	s19 =	sand.u32 $0x3FFFC000, s19  }
.LBB2_4:
0x19: {  	s21 =	sshll.u32 s20, $0xD  }
0x1a: {  	s22 =	simm.s32 $0x0;
	s21 =	sand.u32 $0x3FFFE000, s21  }
0x1b: {  	s31 =	sand.u32 $0x1C00, s22;
	s23 =	sadd.s32 s21, s19  }
0x1c: {  	s24 =	sand.u32 $0x40, s22;
	s21 =	sadd.s32 s31, s23  }
0x1d: {  	s21 =	sadd.s32 s24, s21  }
0x1e: {  	v6 =	vld [tilespmem:s21+$0x3B0]  }
0x1f: {  	v15 =	vld [tilespmem:s21+$0x330]  }
0x20: {  	v11 =	vld [tilespmem:s21+$0x110]  }
0x21: {  	v13 =	vld [tilespmem:s21+$0x1A0]  }
0x22: {  	v10 =	vld [tilespmem:s21+$0x120]  }
0x23: {  	v16 =	vld [tilespmem:s21+$0x390]  }
0x24: {  	v9 =	vld [tilespmem:s21+$0x100]  }
0x25: {  	v17 =	vld [tilespmem:s21+$0x380]  }
0x26: {  	v21 =	vld [tilespmem:s21+$0x300]  }
0x27: {  	v24 =	vld [tilespmem:s21+$0x280]  }
0x28: {  	v28 =	vld [tilespmem:s21+$0x0]  }
0x29: {  	v14 =	vimm.f32 $-Inf;
	v12 =	vlaneseq.u32;
	v36 =	vld [tilespmem:s21+$0x80]  }
0x2a: {  	v8 =	vadd.s32 $0x10, v12;
	v22 =	vld [tilespmem:s21+$0x320];
	vm0 =	vgt.f32 v9, v14;
	v25 =	vmax.f32 v14, v9  }
0x2b: {  	v27 =	vld [tilespmem:s21+$0x310];
	v9 =	vadd.s32 $0x40, v12;
	vm1 =	vgt.f32 v17, v14;
	v17 =	vmax.f32 v14, v17  }
0x2c: {  	v33 =	vld [tilespmem:s21+$0x180];
	v29 =	vmax.f32 v14, v21;
	vm4 =	vgt.f32 v24, v14;
	v32 =	vmax.f32 v14, v24  }
0x2d: {  	v18 =	vld [tilespmem:s21+$0x10];
	vm3 =	vgt.f32 v21, v14;
	vm9 =	vgt.f32 v28, v14;
	v31 =	vmax.f32 v14, v28  }
0x2e: {  	v23 =	vld [tilespmem:s21+$0x3A0];
	vm10 =	vgt.f32 v36, v14;
	v26 =	vmax.f32 v25, v11;
	v30 =	vmax.f32 v17, v16  }
0x2f: {  	v41 =	vld [tilespmem:s21+$0x190];
	v19 =	vsel vm0, v12, v12;
	vm2 =	vgt.f32 v16, v17;
	v17 =	vsel vm1, v12, v12  }
0x30: {  	v43 =	vld [tilespmem:s21+$0x210];
	v35 =	vsel vm4, v12, v12;
	vm1 =	vgt.f32 v27, v29;
	v16 =	vadd.s32 $0x20, v12  }
0x31: {  	v34 =	vld [tilespmem:s21+$0x290];
	vm6 =	vgt.f32 v11, v25;
	vm4 =	vgt.f32 v33, v14;
	v11 =	vmax.f32 v14, v33  }
0x32: {  	v40 =	vld [tilespmem:s21+$0x90];
	v27 =	vmax.f32 v29, v27;
	v29 =	vmax.f32 v31, v18;
	v33 =	vsel vm9, v12, v12  }
0x33: {  	v39 =	vld [tilespmem:s21+$0x220];
	v38 =	vsel vm10, v12, v12;
	v20 =	vmax.f32 v26, v10;
	vm0 =	vgt.f32 v10, v26  }
0x34: {  	vm7 =	vgt.f32 v23, v30;
	v10 =	vadd.s32 $0x30, v12;
	v26 =	vld [tilespmem:s21+$0x200];
	v23 =	vmax.f32 v30, v23  }
0x35: {  	v42 =	vld [tilespmem:s21+$0xA0];
	v24 =	vsel vm4, v12, v12;
	v25 =	vsel vm2, v8, v17;
	vm5 =	vgt.f32 v41, v11  }
0x36: {  	v21 =	vld [tilespmem:s21+$0x20];
	vm2 =	vgt.f32 v22, v27;
	v37 =	vmax.f32 v27, v22;
	v22 =	vmax.f32 v14, v36  }
0x37: {  	v28 =	vld [tilespmem:s21+$0x230];
	v27 =	vmax.f32 v32, v34;
	v41 =	vmax.f32 v11, v41;
	vm8 =	vgt.f32 v6, v23  }
0x38: {  	v36 =	vld [tilespmem:s21+$0x130];
	v6 =	vmax.f32 v23, v6;
	v30 =	vsel vm7, v16, v25;
	vm7 =	vgt.f32 v40, v22  }
0x39: {  	v25 =	vld [tilespmem:s21+$0x2A0];
	v40 =	vmax.f32 v22, v40;
	v22 =	vlaneseq.u32;
	v44 =	vmax.f32 v14, v26  }
0x3a: {  	p1 =	por p2, p2;
	s25 =	simm.s32 $0x200;
	s24 =	simm.s32 $0x0;
	v17 =	vld [tilespmem:s21+$0x2B0];
	v23 =	vlaneseq.u32;
	vm4 =	vgt.f32 v43, v44;
	v43 =	vmax.f32 v44, v43  }
.LBB2_5:
0x3b: {  	s26 =	sand.u32 $0x1C00, s25;
	s24 =	sadd.s32 $0x4, s24;
	v44 =	vmax.f32 v43, v39;
	v45 =	vld [tilespmem:s21+$0x30];
	v46 =	vmax.f32 v37, v15;
	v47 =	vsel vm8, v10, v30;
	s22 =	sadd.s32 $0x40, s22  }
0x3c: {  	v19 =	vsel vm6, v8, v19;
	vm6 =	vgt.f32 v34, v32;
	s28 =	sand.u32 $0x40, s22;
	s26 =	sadd.s32 s26, s23;
	p2 =	slt.u32 s24, $0x3C;
	v32 =	vld [tilespmem:s21+$0xB0];
	v11 =	vmax.f32 v44, v28  }
0x3d: {  	vm11 =	vgt.f32 v39, v43;
	v34 =	vsel vm6, v8, v35;
	v35 =	vmax.f32 v20, v36;
	v39 =	vld [tilespmem:s21+$0x1B0];
	s21 =	sadd.s32 s28, s26  }
0x3e: {  	v43 =	vmax.f32 v41, v13;
	vm8 =	vgt.f32 v25, v27;
	v30 =	vld [tilespmem:s21+$0x3B0];
	vm12 =	vgt.f32 v42, v40  }
0x3f: {  	vm13 =	vgt.f32 v26, v14;
	vm10 =	vgt.f32 v13, v41;
	v14 =	vmovc v11;
	v26 =	vmax.f32 v40, v42;
	v48 =	vld [tilespmem:s21+$0x330]  }
0x40: {  	vm9 =	vgt.f32 v18, v31;
	v18 =	vsel vm7, v8, v38;
	vm6 =	vgt.f32 v15, v37;
	v40 =	vld [tilespmem:s21+$0x110]  }
0x41: {  	v15 =	vsel vm13, v12, v22;
	vm7 =	vgt.f32 v36, v20;
	v13 =	vld [tilespmem:s21+$0x1A0];
	v38 =	vmax.f32 v26, v32  }
0x42: {  	v20 =	vsel vm5, v8, v24;
	vm14 =	vgt.f32 v28, v44;
	vm13 =	vgt.f32 v32, v26;
	v31 =	vld [tilespmem:s21+$0x120]  }
0x43: {  	v22 =	vmax.f32 v29, v21;
	v18 =	vsel vm12, v16, v18;
	vm5 =	vgt.f32 v39, v43;
	v36 =	vld [tilespmem:s21+$0x320]  }
0x44: {  	v23 =	vsel vm3, v12, v23;
	v32 =	vsel vm4, v8, v15;
	v41 =	vsel vm13, v10, v18;
	v24 =	vld [tilespmem:s21+$0x3A0];
	v15 =	vmovc v48  }
0x45: {  	v19 =	vsel vm0, v16, v19;
	v12 =	vmovc v9;
	v37 =	vmax.f32 v22, v45;
	v28 =	vsel vm11, v16, v32;
	v26 =	vld [tilespmem:s21+$0x390]  }
0x46: {  	v25 =	vmax.f32 v27, v25;
	vm0 =	vgt.f32 v45, v22;
	v22 =	vsel vm14, v10, v28;
	v18 =	vld [tilespmem:s21+$0x10]  }
0x47: {  	v23 =	vsel vm1, v8, v23;
	v27 =	vadd.s32 $0x10, v9;
	v28 =	vmax.f32 v25, v17;
	v44 =	vld [tilespmem:s21+$0x190]  }
0x48: {  	v20 =	vsel vm10, v16, v20;
	v34 =	vsel vm8, v16, v34;
	vm1 =	vgt.f32 v17, v25;
	v32 =	vld [tilespmem:s21+$0x100]  }
0x49: {  	vm3 =	vgt.f32 v21, v29;
	v29 =	vmax.f32 v43, v39;
	v25 =	vsel vm9, v8, v33;
	v8 =	vmovc v27;
	v17 =	vld [tilespmem:s21+$0x380]  }
0x4a: {  	v21 =	vsel vm3, v16, v25;
	v16 =	vsel vm2, v16, v23;
	v25 =	vsel vm5, v10, v20;
	v27 =	vld [tilespmem:s21+$0x300]  }
0x4b: {  	v19 =	vsel vm7, v10, v19;
	v42 =	vsel vm0, v10, v21;
	v23 =	vsel vm6, v10, v16;
	v33 =	vld [tilespmem:s21+$0x180]  }
0x4c: {  	v39 =	vsel vm1, v10, v34;
	v16 =	vld [tilespmem:s21+$0x280]  }
0x4d: {  	v9 =	vadd.s32 $0x40, v9;
	vm0 =	vgt.f32 v32, v35;
	v43 =	vmax.f32 v35, v32;
	v45 =	vld [tilespmem:s21+$0x310]  }
0x4e: {  	v48 =	vld [tilespmem:s21+$0x0];
	vm1 =	vgt.f32 v17, v6;
	v6 =	vmax.f32 v6, v17;
	v10 =	vmax.f32 v43, v40  }
0x4f: {  	v49 =	vmax.f32 v46, v27;
	v34 =	vld [tilespmem:s21+$0x290];
	v50 =	vmax.f32 v6, v26;
	v20 =	vmax.f32 v10, v31  }
0x50: {  	v19 =	vsel vm0, v12, v19;
	vm2 =	vgt.f32 v26, v6;
	vm0 =	vgt.f32 v31, v10;
	v21 =	vld [tilespmem:s21+$0x20]  }
0x51: {  	vm7 =	vgt.f32 v24, v50;
	vm4 =	vgt.f32 v16, v28;
	v32 =	vmax.f32 v28, v16;
	v17 =	vld [tilespmem:s21+$0x2B0]  }
0x52: {  	vm3 =	vgt.f32 v27, v46;
	v6 =	vsel vm1, v12, v47;
	v10 =	vadd.s32 $0x30, v12;
	v51 =	vld [tilespmem:s21+$0x80]  }
0x53: {  	v16 =	vadd.s32 $0x20, v12;
	v35 =	vsel vm4, v12, v39;
	vm1 =	vgt.f32 v45, v49;
	v26 =	vld [tilespmem:s21+$0x200]  }
0x54: {  	vm6 =	vgt.f32 v40, v43;
	vm9 =	vgt.f32 v48, v37;
	v31 =	vmax.f32 v37, v48;
	v43 =	vld [tilespmem:s21+$0x210]  }
0x55: {  	v46 =	vmax.f32 v29, v33;
	v27 =	vmax.f32 v50, v24;
	vm4 =	vgt.f32 v33, v29  }
0x56: {  	v47 =	vsel vm2, v8, v6;
	vm8 =	vgt.f32 v30, v27;
	v24 =	vsel vm4, v12, v25;
	v40 =	vld [tilespmem:s21+$0x90]  }
0x57: {  	vm5 =	vgt.f32 v44, v46;
	v25 =	vmax.f32 v49, v45;
	vm10 =	vgt.f32 v51, v38;
	v28 =	vld [tilespmem:s21+$0x230]  }
.Ltmp0:
0x58: {  	v6 =	vmax.f32 v27, v30;
	vm2 =	vgt.f32 v36, v25;
	v11 =	vmax.f32 v11, v26;
	v39 =	vld [tilespmem:s21+$0x220];
	(pc) =	sbr.rel @p2 .LBB2_5-.Ltmp0, $4  }
0x59: {  	v29 =	vmax.f32 v31, v18;
	v37 =	vmax.f32 v25, v36;
	vm4 =	vgt.f32 v43, v11;
	v36 =	vld [tilespmem:s21+$0x130]  }
0x5a: {  	v30 =	vsel vm7, v16, v47;
	v33 =	vsel vm9, v12, v42;
	v45 =	vmax.f32 v38, v51;
	v25 =	vld [tilespmem:s21+$0x2A0]  }
0x5b: {  	v27 =	vmax.f32 v32, v34;
	v38 =	vsel vm10, v12, v41;
	vm7 =	vgt.f32 v40, v45;
	v42 =	vld [tilespmem:s21+$0xA0]  }
0x5c: {  	s25 =	sadd.s32 $0x200, s25;
	v41 =	vmax.f32 v46, v44;
	v43 =	vmax.f32 v11, v43;
	v40 =	vmax.f32 v45, v40  }
0x5d: {  	v44 =	vmax.f32 v43, v39  }
0x5e: {  	v11 =	vmax.f32 v37, v15;
	v9 =	vsel vm8, v10, v30;
	vm15 =	vgt.f32 v34, v32  }
0x5f: {  	v50 =	vsel vm6, v8, v19;
	vm9 =	vgt.f32 v39, v43;
	vm11 =	vgt.f32 v18, v31  }
0x60: {  	v51 =	vmax.f32 v29, v21;
	vm12 =	vgt.f32 v21, v29;
	v53 =	vmax.f32 v41, v13  }
0x61: {  	vm10 =	vgt.f32 v13, v41;
	v57 =	vsel vm7, v8, v38;
	vm6 =	vgt.f32 v15, v37  }
0x62: {  	v61 =	vsel vm5, v8, v24;
	v29 =	vsel vm3, v12, v23;
	v19 =	vmax.f32 v44, v28  }
0x63: {  	v45 =	vld [tilespmem:s21+$0x30];
	v32 =	vsel vm15, v8, v35;
	v34 =	vmax.f32 v20, v36;
	v31 =	vsel vm11, v8, v33  }
0x64: {  	v52 =	vld [tilespmem:s21+$0xB0];
	v37 =	vsel vm0, v16, v50;
	v21 =	vsel vm12, v16, v31;
	vm8 =	vgt.f32 v25, v27  }
0x65: {  	vm12 =	vgt.f32 v26, v14;
	v41 =	vmax.f32 v27, v25;
	vm11 =	vgt.f32 v42, v40  }
0x66: {  	v58 =	vld [tilespmem:s21+$0x1B0];
	v56 =	vmax.f32 v40, v42;
	v22 =	vsel vm12, v12, v22;
	v12 =	vmax.f32 v41, v17  }
0x67: {  	s25 =	sshll.u32 s20, $0x3;
	v13 =	vsel vm11, v16, v57;
	v35 =	vsel vm4, v8, v22;
	v8 =	vsel vm1, v8, v29  }
0x68: {  	vm1 =	vgt.f32 v17, v41;
	v57 =	vmov s25;
	vm13 =	vgt.f32 v45, v51  }
0x69: {  	v18 =	vmax.f32 v51, v45;
	v59 =	vmax.f32 v56, v52;
	v21 =	vsel vm13, v10, v21  }
0x6a: {  	vm5 =	vgt.f32 v52, v56;
	v54 =	vperm.xlane v18, v0;
	v55 =	vperm.xlane v21, v0  }
0x6b: {  	vm3 =	vgt.f32 v58, v53;
	v38 =	vsel vm9, v16, v35;
	v15 =	vmax.f32 v53, v58  }
0x6c: {  	v8 =	vsel vm2, v16, v8;
	vm7 =	veq.f32 v54, v18;
	vm13 =	vlt.s32 v55, v21  }
0x6d: {  	s22 =	sor.u32 $0x1, s25;
	v56 =	vperm.xlane v34, v0;
	vm7 =	vmand vm7, vm13;
	vm13 =	vgt.f32 v54, v18  }
0x6e: {  	v35 =	vmov s22;
	v42 =	vperm.xlane v59, v0;
	vm12 =	vmor vm13, vm7  }
0x6f: {  	v8 =	vsel vm6, v10, v8;
	v18 =	vsel vm12, v54, v18;
	v60 =	vsel vm12, v55, v21  }
0x70: {  	vm7 =	vgt.f32 v36, v20;
	v62 =	vperm.xlane v18, v1;
	v63 =	vperm.xlane v60, v1  }
0x71: {  	v36 =	vsel vm5, v10, v13;
	vm12 =	vgt.f32 v28, v44;
	v21 =	vsel vm10, v16, v61  }
0x72: {  	v43 =	vperm.xlane v36, v0;
	vm11 =	veq.f32 v62, v18;
	vm13 =	vlt.s32 v63, v60  }
0x73: {  	v44 =	vsel vm8, v16, v32;
	vm11 =	vmand vm11, vm13;
	vm13 =	vgt.f32 v62, v18  }
0x74: {  	v51 =	vsel vm7, v10, v37;
	v13 =	vsel vm12, v10, v38;
	vm14 =	vmor vm13, vm11  }
0x75: {  	v50 =	vsel vm3, v10, v21;
	v18 =	vsel vm14, v62, v18;
	v20 =	vsel vm14, v63, v60  }
0x76: {  	v53 =	vsel vm1, v10, v44;
	v39 =	vperm.xlane v18, v2;
	v40 =	vperm.xlane v20, v2  }
0x77: {  	v23 =	vperm.xlane v51, v0;
	vm12 =	vlt.s32 v43, v36;
	v28 =	vperm.xlane v50, v0  }
0x78: {  	v37 =	vperm.xlane v13, v0;
	vm15 =	veq.f32 v39, v18;
	vm9 =	vlt.s32 v40, v20  }
0x79: {  	vm11 =	veq.f32 v42, v59;
	vm10 =	vgt.f32 v39, v18;
	vm0 =	vmand vm15, vm9  }
0x7a: {  	vm13 =	vgt.f32 v42, v59;
	v63 =	vperm.xlane v15, v0;
	vm0 =	vmor vm10, vm0  }
0x7b: {  	s26 =	sor.u32 $0x2, s25;
	v14 =	vsel vm0, v39, v18;
	v45 =	vsel vm0, v40, v20;
	vm0 =	vmand vm11, vm12  }
0x7c: {  	vm12 =	veq.f32 v56, v34;
	v40 =	vmov s26;
	v18 =	vperm.xlane v14, v3  }
0x7d: {  	v20 =	vperm.xlane v45, v3;
	vm0 =	vmor vm13, vm0;
	vm13 =	vlt.s32 v23, v51  }
0x7e: {  	v46 =	vsel vm0, v42, v59;
	v22 =	vsel vm0, v43, v36;
	v36 =	vperm.xlane v19, v0  }
0x7f: {  	vm1 =	vmand vm12, vm13;
	v42 =	vperm.xlane v12, v0;
	v43 =	vperm.xlane v53, v0  }
0x80: {  	vm14 =	veq.f32 v18, v14;
	vm15 =	vlt.s32 v20, v45;
	v47 =	vperm.xlane v46, v1  }
0x81: {  	v48 =	vperm.xlane v22, v1;
	vm5 =	vgt.f32 v18, v14;
	vm0 =	vmand vm14, vm15  }
0x82: {  	vm15 =	vgt.f32 v56, v34;
	vm0 =	vmor vm5, vm0;
	vm8 =	veq.f32 v47, v46  }
0x83: {  	vm9 =	vlt.s32 v48, v22;
	vm10 =	vgt.f32 v47, v46;
	vm1 =	vmor vm15, vm1  }
0x84: {  	v49 =	vsel vm0, v20, v45;
	vm2 =	vmand vm8, vm9;
	v17 =	vsel vm1, v23, v51  }
0x85: {  	v51 =	vperm.xlane v11, v0;
	v14 =	vcvt.s32.f32 v49;
	vm0 =	vmor vm10, vm2  }
0x86: {  	v23 =	vperm.xlane v17, v1;
	v52 =	vsel vm0, v47, v46;
	v55 =	vsel vm0, v48, v22  }
0x87: {  	s28 =	sor.u32 $0x3, s25;
	v22 =	vsel vm1, v56, v34;
	v14 =	vmul.f32 $2.346041050e-02, v14;
	v54 =	vperm.xlane v52, v2  }
0x88: {  	v48 =	vmov s28;
	v58 =	vperm.xlane v55, v2;
	v59 =	vperm.xlane v22, v1  }
0x89: {  	vm9 =	vlt.s32 v23, v17;
	v14 =	vadd.f32 $6.000000000e+00, v14;
	vm11 =	veq.f32 v54, v52  }
0x8a: {  	vm14 =	vlt.s32 v58, v55;
	vm7 =	vgt.f32 v54, v52;
	vm8 =	veq.f32 v59, v22  }
0x8b: {  	vm0 =	vmand vm11, vm14;
	vm11 =	vgt.f32 v59, v22;
	vm1 =	vmand vm8, vm9  }
0x8c: {  	vm9 =	veq.f32 v63, v15;
	vm2 =	vmor vm7, vm0;
	vm0 =	veq.s32 v57, v4  }
0x8d: {  	vm1 =	vmor vm11, vm1;
	vm11 =	vgt.f32 v63, v15;
	v18 =	vsel vm2, v54, v52  }
0x8e: {  	v21 =	vsel vm2, v58, v55;
	v61 =	vsel vm1, v59, v22;
	v52 =	vperm.xlane v8, v0  }
0x8f: {  	v17 =	vsel vm1, v23, v17;
	v54 =	vperm.xlane v6, v0;
	v60 =	vperm.xlane v18, v3  }
0x90: {  	v7 =	vsel vm0, v14, v7;
	v25 =	vperm.xlane v21, v3;
	v20 =	vperm.xlane v61, v2  }
0x91: {  	v55 =	vperm.xlane v9, v0;
	v62 =	vperm.xlane v17, v2;
	vm10 =	vgt.f32 v60, v18  }
0x92: {  	vm12 =	veq.f32 v60, v18;
	vm13 =	vlt.s32 v25, v21;
	vm15 =	vgt.f32 v20, v61  }
0x93: {  	vm7 =	veq.f32 v20, v61;
	vm8 =	vlt.s32 v62, v17;
	vm2 =	vmand vm12, vm13  }
0x94: {  	vm14 =	vmor vm10, vm2;
	vm2 =	vmand vm7, vm8;
	vm10 =	vlt.s32 v28, v50  }
0x95: {  	vm8 =	veq.s32 v35, v4;
	v21 =	vsel vm14, v25, v21;
	vm1 =	vmor vm15, vm2  }
0x96: {  	vm3 =	vmand vm9, vm10;
	v21 =	vcvt.s32.f32 v21;
	v18 =	vsel vm1, v20, v61  }
0x97: {  	vm2 =	vmor vm11, vm3;
	v17 =	vsel vm1, v62, v17;
	v20 =	vperm.xlane v18, v3  }
0x98: {  	s30 =	sor.u32 $0x5, s25;
	v15 =	vsel vm2, v63, v15;
	v16 =	vsel vm2, v28, v50;
	v32 =	vperm.xlane v17, v3  }
0x99: {  	v61 =	vmov s30;
	v29 =	vperm.xlane v15, v1;
	v30 =	vperm.xlane v16, v1  }
0x9a: {  	v31 =	vmul.f32 $2.346041050e-02, v21;
	vm12 =	veq.f32 v20, v18;
	vm14 =	vlt.s32 v32, v17  }
0x9b: {  	vm7 =	vgt.f32 v20, v18;
	vm13 =	veq.f32 v29, v15;
	vm2 =	vlt.s32 v30, v16  }
0x9c: {  	vm15 =	vgt.f32 v29, v15;
	vm0 =	vmand vm12, vm14;
	v14 =	vadd.f32 $6.000000000e+00, v31  }
0x9d: {  	vm12 =	veq.f32 v36, v19;
	vm14 =	vgt.f32 v36, v19;
	vm1 =	vmand vm13, vm2  }
0x9e: {  	vm0 =	vmor vm7, vm0;
	vm13 =	vlt.s32 v37, v13;
	vm1 =	vmor vm15, vm1  }
0x9f: {  	vm7 =	veq.s32 v40, v4;
	v15 =	vsel vm1, v29, v15;
	v16 =	vsel vm1, v30, v16  }
0xa0: {  	v17 =	vsel vm0, v32, v17;
	v33 =	vperm.xlane v15, v2;
	v34 =	vperm.xlane v16, v2  }
0xa1: {  	v7 =	vsel vm8, v14, v7;
	vm0 =	vmand vm12, vm13;
	vm12 =	veq.f32 v42, v12  }
0xa2: {  	v17 =	vcvt.s32.f32 v17;
	vm9 =	veq.f32 v33, v15;
	vm10 =	vlt.s32 v34, v16  }
0xa3: {  	vm0 =	vmor vm14, vm0;
	vm11 =	vgt.f32 v33, v15;
	vm1 =	vmand vm9, vm10  }
0xa4: {  	v19 =	vsel vm0, v36, v19;
	v17 =	vmul.f32 $2.346041050e-02, v17;
	vm1 =	vmor vm11, vm1  }
0xa5: {  	v21 =	vperm.xlane v19, v1;
	v15 =	vsel vm1, v33, v15;
	v16 =	vsel vm1, v34, v16  }
0xa6: {  	v13 =	vsel vm0, v37, v13;
	v39 =	vperm.xlane v15, v3;
	v20 =	vperm.xlane v16, v3  }
0xa7: {  	vm13 =	vlt.s32 v43, v53;
	v22 =	vperm.xlane v13, v1;
	v38 =	vadd.f32 $6.000000000e+00, v17  }
0xa8: {  	vm9 =	veq.f32 v21, v19;
	vm15 =	veq.f32 v39, v15;
	vm6 =	vlt.s32 v20, v16  }
0xa9: {  	vm10 =	vlt.s32 v22, v13;
	vm8 =	vgt.f32 v39, v15;
	vm0 =	vmand vm15, vm6  }
0xaa: {  	vm11 =	vgt.f32 v21, v19;
	vm1 =	vmand vm9, vm10;
	vm0 =	vmor vm8, vm0  }
0xab: {  	vm14 =	vgt.f32 v42, v12;
	v41 =	vsel vm0, v20, v16;
	vm0 =	vmor vm11, vm1  }
0xac: {  	v7 =	vsel vm7, v38, v7;
	v44 =	vcvt.s32.f32 v41;
	v45 =	vsel vm0, v21, v19  }
0xad: {  	v13 =	vsel vm0, v22, v13;
	vm0 =	vmand vm12, vm13;
	v46 =	vperm.xlane v45, v2  }
0xae: {  	v47 =	vperm.xlane v13, v2;
	vm0 =	vmor vm14, vm0;
	v14 =	vmul.f32 $2.346041050e-02, v44  }
0xaf: {  	v12 =	vsel vm0, v42, v12;
	v10 =	vsel vm0, v43, v53;
	vm15 =	veq.f32 v46, v45  }
0xb0: {  	vm4 =	vlt.s32 v47, v13;
	v16 =	vperm.xlane v12, v1;
	v17 =	vperm.xlane v10, v1  }
0xb1: {  	vm5 =	vgt.f32 v46, v45;
	v14 =	vadd.f32 $6.000000000e+00, v14;
	vm0 =	vmand vm15, vm4  }
0xb2: {  	vm0 =	vmor vm5, vm0;
	vm6 =	veq.f32 v16, v12;
	vm7 =	vlt.s32 v17, v10  }
0xb3: {  	vm8 =	vgt.f32 v16, v12;
	v15 =	vsel vm0, v46, v45;
	vm1 =	vmand vm6, vm7  }
0xb4: {  	v13 =	vsel vm0, v47, v13;
	vm0 =	veq.s32 v48, v4;
	vm9 =	vmor vm8, vm1  }
0xb5: {  	v18 =	vperm.xlane v15, v3;
	v19 =	vperm.xlane v13, v3;
	v12 =	vsel vm9, v16, v12  }
0xb6: {  	vm8 =	veq.f32 v51, v11;
	v10 =	vsel vm9, v17, v10;
	v49 =	vperm.xlane v12, v2  }
0xb7: {  	v50 =	vperm.xlane v10, v2;
	vm11 =	veq.f32 v18, v15;
	vm12 =	vlt.s32 v19, v13  }
0xb8: {  	vm9 =	vlt.s32 v52, v8;
	vm10 =	vgt.f32 v18, v15;
	vm1 =	vmand vm11, vm12  }
0xb9: {  	vm13 =	veq.f32 v49, v12;
	vm14 =	vlt.s32 v50, v10;
	vm1 =	vmor vm10, vm1  }
0xba: {  	vm15 =	vgt.f32 v49, v12;
	vm10 =	vgt.f32 v51, v11;
	vm2 =	vmand vm13, vm14  }
0xbb: {  	v13 =	vsel vm1, v19, v13;
	vm1 =	vmand vm8, vm9;
	vm13 =	veq.f32 v54, v6  }
0xbc: {  	vm14 =	vlt.s32 v55, v9;
	vm9 =	vgt.f32 v54, v6;
	vm7 =	vmor vm15, vm2  }
0xbd: {  	v13 =	vcvt.s32.f32 v13;
	vm1 =	vmor vm10, vm1;
	v12 =	vsel vm7, v49, v12  }
0xbe: {  	v10 =	vsel vm7, v50, v10;
	v11 =	vsel vm1, v51, v11;
	v8 =	vsel vm1, v52, v8  }
0xbf: {  	vm1 =	vmand vm13, vm14;
	v17 =	vperm.xlane v12, v3;
	v53 =	vperm.xlane v10, v3  }
0xc0: {  	v56 =	vperm.xlane v11, v1;
	v57 =	vperm.xlane v8, v1;
	vm1 =	vmor vm9, vm1  }
0xc1: {  	v13 =	vmul.f32 $2.346041050e-02, v13;
	v6 =	vsel vm1, v54, v6;
	v9 =	vsel vm1, v55, v9  }
0xc2: {  	vm3 =	vgt.f32 v17, v12;
	vm11 =	veq.f32 v17, v12;
	vm12 =	vlt.s32 v53, v10  }
0xc3: {  	vm15 =	vgt.f32 v56, v11;
	v12 =	vperm.xlane v6, v1;
	v15 =	vperm.xlane v9, v1  }
0xc4: {  	vm10 =	veq.f32 v56, v11;
	vm2 =	vmand vm11, vm12;
	vm11 =	vlt.s32 v57, v8  }
0xc5: {  	vm4 =	vmand vm10, vm11;
	vm13 =	veq.f32 v12, v6;
	vm14 =	vlt.s32 v15, v9  }
0xc6: {  	vm12 =	vmor vm15, vm4;
	vm15 =	vgt.f32 v12, v6;
	vm1 =	vmand vm13, vm14  }
0xc7: {  	v11 =	vsel vm12, v56, v11;
	v8 =	vsel vm12, v57, v8;
	vm1 =	vmor vm15, vm1  }
0xc8: {  	v16 =	vperm.xlane v11, v2;
	v17 =	vperm.xlane v8, v2;
	v6 =	vsel vm1, v12, v6  }
0xc9: {  	vm2 =	vmor vm3, vm2;
	v9 =	vsel vm1, v15, v9;
	v12 =	vperm.xlane v6, v2  }
0xca: {  	v15 =	vperm.xlane v9, v2;
	vm8 =	veq.f32 v16, v11;
	vm9 =	vlt.s32 v17, v8  }
0xcb: {  	v10 =	vsel vm2, v53, v10;
	vm10 =	vgt.f32 v16, v11;
	vm1 =	vmand vm8, vm9  }
0xcc: {  	vm11 =	veq.f32 v12, v6;
	vm12 =	vlt.s32 v15, v9;
	vm1 =	vmor vm10, vm1  }
0xcd: {  	vm13 =	vgt.f32 v12, v6;
	vm2 =	vmand vm11, vm12;
	v11 =	vsel vm1, v16, v11  }
0xce: {  	v8 =	vsel vm1, v17, v8;
	vm14 =	vmor vm13, vm2;
	v16 =	vperm.xlane v11, v3  }
0xcf: {  	v17 =	vperm.xlane v8, v3;
	v6 =	vsel vm14, v12, v6;
	v9 =	vsel vm14, v15, v9  }
0xd0: {  	v7 =	vsel vm0, v14, v7;
	v12 =	vperm.xlane v6, v3;
	v58 =	vperm.xlane v9, v3  }
0xd1: {  	vm15 =	vgt.f32 v16, v11;
	vm6 =	veq.f32 v16, v11;
	vm7 =	vlt.s32 v17, v8  }
0xd2: {  	vm1 =	vmand vm6, vm7;
	vm8 =	veq.f32 v12, v6;
	vm9 =	vlt.s32 v58, v9  }
0xd3: {  	vm10 =	vgt.f32 v12, v6;
	vm0 =	vmor vm15, vm1;
	vm2 =	vmand vm8, vm9  }
0xd4: {  	s29 =	sor.u32 $0x4, s25;
	v10 =	vcvt.s32.f32 v10;
	v8 =	vsel vm0, v17, v8;
	vm11 =	vmor vm10, vm2  }
0xd5: {  	v6 =	vmov s29;
	v8 =	vcvt.s32.f32 v8;
	v9 =	vsel vm11, v58, v9  }
0xd6: {  	s21 =	sor.u32 $0x6, s25;
	v10 =	vmul.f32 $2.346041050e-02, v10;
	vm12 =	veq.s32 v6, v4;
	v6 =	vcvt.s32.f32 v9  }
0xd7: {  	s31 =	sshllo.u32 s20, $0x3;
	v62 =	vmov s21;
	v59 =	vadd.f32 $6.000000000e+00, v13;
	v8 =	vmul.f32 $2.346041050e-02, v8  }
.Ltmp1:
0xd8: {  	v63 =	vmov s31;
	v60 =	vadd.f32 $6.000000000e+00, v10;
	v6 =	vmul.f32 $2.346041050e-02, v6;
	(pc) =	sbr.rel @p1 .LBB2_4-.Ltmp1, $4  }
0xd9: {  	vm13 =	veq.s32 v61, v4;
	v7 =	vsel vm12, v59, v7;
	v8 =	vadd.f32 $6.000000000e+00, v8  }
0xda: {  	vm14 =	veq.s32 v62, v4;
	v7 =	vsel vm13, v60, v7;
	v6 =	vadd.f32 $6.000000000e+00, v6  }
0xdb: {  	vm15 =	veq.s32 v63, v4;
	v7 =	vsel vm14, v8, v7  }
0xdc: {  	s20 =	simm.s32 $0x1;
	p2 =	por $0x0, $0x0;
	v7 =	vsel vm15, v6, v7  }
.Ltmp2:
0xdd: {  	_ = 	snop;
	(pc) =	sbr.rel @p0 .LBB2_3-.Ltmp2, $4  }
0xde: {  	_ = 	snop  }
0xdf: {  	s18 =	sshll.u32 s18, $0x4  }
0xe0: {  	s18 =	sand.u32 $0x3FFFFFF0, s18  }
0xe1: {  	p1 =	por $0x0, $0x0;
	[tilespmem:v5+s18+$0x0 ss:$0x1] =	vst.idx.msk $0xffff, v7;
	s18 =	simm.s32 $0x1  }
0xe2: {  	p0 =	seq.s32 s15, $0x6;
	_ =	swait.ge [sflag:s11], $0x8000  }
0xe3: {  	s31 =	sadd.s32 $0x10000, s16;
	s16 =	simm.s32 $0x0;
	s17 =	sadd.s32 @!p0 s17, s6  }
0xe4: {  	p1 =	por $0x1, $0x1;
	[sflag:s11] =	ssyncset.done $0x0;
	s17 =	sshll.u32 @!p0 s17, $0x7  }
0xe5: {  	s18 =	simm.s32 @!p0 $0x0;
	[sflag:s11] =	ssyncadd.s32 $0xFFFF8000;
	s17 =	sadd.s32 @!p0 s1, s17  }
0xe6: {  	v5 =	vmov s31;
	[tilespmem:s18], [sflag:$0x1] =	stream.linear.gather @!p0 [hbm4b:s17+s18], $0x8000, $0x38;
	[tilespmem:$0x10200] =	vst v63  }
.LBB2_9:
0xe7: {  	s17 =	sshll.u32 s16, $0xE  }
0xe8: {  	p0 =	por p1, p1;
	s17 =	sand.u32 $0x3FFFC000, s17  }
0xe9: {  	v7 =	vimm.f32 $0.0e+00;
	p2 =	por $0x1, $0x1;
	s18 =	simm.s32 $0x0;
	s17 =	sadd.s32 $0x8000, s17  }
.LBB2_10:
0xea: {  	s19 =	sshll.u32 s18, $0xD  }
0xeb: {  	s20 =	simm.s32 $0x0;
	s19 =	sand.u32 $0x3FFFE000, s19  }
0xec: {  	s31 =	sand.u32 $0x1C00, s20;
	s21 =	sadd.s32 s19, s17  }
0xed: {  	s22 =	sand.u32 $0x40, s20;
	s19 =	sadd.s32 s31, s21  }
0xee: {  	s19 =	sadd.s32 s22, s19  }
0xef: {  	v6 =	vld [tilespmem:s19+$0x3B0]  }
0xf0: {  	v15 =	vld [tilespmem:s19+$0x330]  }
0xf1: {  	v11 =	vld [tilespmem:s19+$0x110]  }
0xf2: {  	v13 =	vld [tilespmem:s19+$0x1A0]  }
0xf3: {  	v10 =	vld [tilespmem:s19+$0x120]  }
0xf4: {  	v16 =	vld [tilespmem:s19+$0x390]  }
0xf5: {  	v9 =	vld [tilespmem:s19+$0x100]  }
0xf6: {  	v17 =	vld [tilespmem:s19+$0x380]  }
0xf7: {  	v21 =	vld [tilespmem:s19+$0x300]  }
0xf8: {  	v24 =	vld [tilespmem:s19+$0x280]  }
0xf9: {  	v28 =	vld [tilespmem:s19+$0x0]  }
0xfa: {  	v14 =	vimm.f32 $-Inf;
	v12 =	vlaneseq.u32;
	v36 =	vld [tilespmem:s19+$0x80]  }
0xfb: {  	v8 =	vadd.s32 $0x10, v12;
	v22 =	vld [tilespmem:s19+$0x320];
	vm0 =	vgt.f32 v9, v14;
	v25 =	vmax.f32 v14, v9  }
0xfc: {  	v27 =	vld [tilespmem:s19+$0x310];
	v9 =	vadd.s32 $0x40, v12;
	vm1 =	vgt.f32 v17, v14;
	v17 =	vmax.f32 v14, v17  }
0xfd: {  	v33 =	vld [tilespmem:s19+$0x180];
	v29 =	vmax.f32 v14, v21;
	vm4 =	vgt.f32 v24, v14;
	v32 =	vmax.f32 v14, v24  }
0xfe: {  	v18 =	vld [tilespmem:s19+$0x10];
	vm3 =	vgt.f32 v21, v14;
	vm9 =	vgt.f32 v28, v14;
	v31 =	vmax.f32 v14, v28  }
0xff: {  	v23 =	vld [tilespmem:s19+$0x3A0];
	vm10 =	vgt.f32 v36, v14;
	v26 =	vmax.f32 v25, v11;
	v30 =	vmax.f32 v17, v16  }
0x100: {  	v41 =	vld [tilespmem:s19+$0x190];
	v19 =	vsel vm0, v12, v12;
	vm2 =	vgt.f32 v16, v17;
	v17 =	vsel vm1, v12, v12  }
0x101: {  	v43 =	vld [tilespmem:s19+$0x210];
	v35 =	vsel vm4, v12, v12;
	vm1 =	vgt.f32 v27, v29;
	v16 =	vadd.s32 $0x20, v12  }
0x102: {  	v34 =	vld [tilespmem:s19+$0x290];
	vm6 =	vgt.f32 v11, v25;
	vm4 =	vgt.f32 v33, v14;
	v11 =	vmax.f32 v14, v33  }
0x103: {  	v40 =	vld [tilespmem:s19+$0x90];
	v27 =	vmax.f32 v29, v27;
	v29 =	vmax.f32 v31, v18;
	v33 =	vsel vm9, v12, v12  }
0x104: {  	v39 =	vld [tilespmem:s19+$0x220];
	v38 =	vsel vm10, v12, v12;
	v20 =	vmax.f32 v26, v10;
	vm0 =	vgt.f32 v10, v26  }
0x105: {  	vm7 =	vgt.f32 v23, v30;
	v10 =	vadd.s32 $0x30, v12;
	v26 =	vld [tilespmem:s19+$0x200];
	v23 =	vmax.f32 v30, v23  }
0x106: {  	v42 =	vld [tilespmem:s19+$0xA0];
	v24 =	vsel vm4, v12, v12;
	v25 =	vsel vm2, v8, v17;
	vm5 =	vgt.f32 v41, v11  }
0x107: {  	v21 =	vld [tilespmem:s19+$0x20];
	vm2 =	vgt.f32 v22, v27;
	v37 =	vmax.f32 v27, v22;
	v22 =	vmax.f32 v14, v36  }
0x108: {  	v28 =	vld [tilespmem:s19+$0x230];
	v27 =	vmax.f32 v32, v34;
	v41 =	vmax.f32 v11, v41;
	vm8 =	vgt.f32 v6, v23  }
0x109: {  	v36 =	vld [tilespmem:s19+$0x130];
	v6 =	vmax.f32 v23, v6;
	v30 =	vsel vm7, v16, v25;
	vm7 =	vgt.f32 v40, v22  }
0x10a: {  	v25 =	vld [tilespmem:s19+$0x2A0];
	v40 =	vmax.f32 v22, v40;
	v22 =	vlaneseq.u32;
	v44 =	vmax.f32 v14, v26  }
0x10b: {  	p1 =	por p2, p2;
	s23 =	simm.s32 $0x200;
	s22 =	simm.s32 $0x0;
	v17 =	vld [tilespmem:s19+$0x2B0];
	v23 =	vlaneseq.u32;
	vm4 =	vgt.f32 v43, v44;
	v43 =	vmax.f32 v44, v43  }
.LBB2_11:
0x10c: {  	s24 =	sand.u32 $0x1C00, s23;
	s22 =	sadd.s32 $0x4, s22;
	v44 =	vmax.f32 v43, v39;
	v45 =	vld [tilespmem:s19+$0x30];
	v46 =	vmax.f32 v37, v15;
	v47 =	vsel vm8, v10, v30;
	s20 =	sadd.s32 $0x40, s20  }
0x10d: {  	v19 =	vsel vm6, v8, v19;
	vm6 =	vgt.f32 v34, v32;
	s25 =	sand.u32 $0x40, s20;
	s24 =	sadd.s32 s24, s21;
	p2 =	slt.u32 s22, $0x3C;
	v32 =	vld [tilespmem:s19+$0xB0];
	v11 =	vmax.f32 v44, v28  }
0x10e: {  	vm11 =	vgt.f32 v39, v43;
	v34 =	vsel vm6, v8, v35;
	v35 =	vmax.f32 v20, v36;
	v39 =	vld [tilespmem:s19+$0x1B0];
	s19 =	sadd.s32 s25, s24  }
0x10f: {  	v43 =	vmax.f32 v41, v13;
	vm8 =	vgt.f32 v25, v27;
	v30 =	vld [tilespmem:s19+$0x3B0];
	vm12 =	vgt.f32 v42, v40  }
0x110: {  	vm13 =	vgt.f32 v26, v14;
	vm10 =	vgt.f32 v13, v41;
	v14 =	vmovc v11;
	v26 =	vmax.f32 v40, v42;
	v48 =	vld [tilespmem:s19+$0x330]  }
0x111: {  	vm9 =	vgt.f32 v18, v31;
	v18 =	vsel vm7, v8, v38;
	vm6 =	vgt.f32 v15, v37;
	v40 =	vld [tilespmem:s19+$0x110]  }
0x112: {  	v15 =	vsel vm13, v12, v22;
	vm7 =	vgt.f32 v36, v20;
	v13 =	vld [tilespmem:s19+$0x1A0];
	v38 =	vmax.f32 v26, v32  }
0x113: {  	v20 =	vsel vm5, v8, v24;
	vm14 =	vgt.f32 v28, v44;
	vm13 =	vgt.f32 v32, v26;
	v31 =	vld [tilespmem:s19+$0x120]  }
0x114: {  	v22 =	vmax.f32 v29, v21;
	v18 =	vsel vm12, v16, v18;
	vm5 =	vgt.f32 v39, v43;
	v36 =	vld [tilespmem:s19+$0x320]  }
0x115: {  	v23 =	vsel vm3, v12, v23;
	v32 =	vsel vm4, v8, v15;
	v41 =	vsel vm13, v10, v18;
	v24 =	vld [tilespmem:s19+$0x3A0];
	v15 =	vmovc v48  }
0x116: {  	v19 =	vsel vm0, v16, v19;
	v12 =	vmovc v9;
	v37 =	vmax.f32 v22, v45;
	v28 =	vsel vm11, v16, v32;
	v26 =	vld [tilespmem:s19+$0x390]  }
0x117: {  	v25 =	vmax.f32 v27, v25;
	vm0 =	vgt.f32 v45, v22;
	v22 =	vsel vm14, v10, v28;
	v18 =	vld [tilespmem:s19+$0x10]  }
0x118: {  	v23 =	vsel vm1, v8, v23;
	v27 =	vadd.s32 $0x10, v9;
	v28 =	vmax.f32 v25, v17;
	v44 =	vld [tilespmem:s19+$0x190]  }
0x119: {  	v20 =	vsel vm10, v16, v20;
	v34 =	vsel vm8, v16, v34;
	vm1 =	vgt.f32 v17, v25;
	v32 =	vld [tilespmem:s19+$0x100]  }
0x11a: {  	vm3 =	vgt.f32 v21, v29;
	v29 =	vmax.f32 v43, v39;
	v25 =	vsel vm9, v8, v33;
	v8 =	vmovc v27;
	v17 =	vld [tilespmem:s19+$0x380]  }
0x11b: {  	v21 =	vsel vm3, v16, v25;
	v16 =	vsel vm2, v16, v23;
	v25 =	vsel vm5, v10, v20;
	v27 =	vld [tilespmem:s19+$0x300]  }
0x11c: {  	v19 =	vsel vm7, v10, v19;
	v42 =	vsel vm0, v10, v21;
	v23 =	vsel vm6, v10, v16;
	v33 =	vld [tilespmem:s19+$0x180]  }
0x11d: {  	v39 =	vsel vm1, v10, v34;
	v16 =	vld [tilespmem:s19+$0x280]  }
0x11e: {  	v9 =	vadd.s32 $0x40, v9;
	vm0 =	vgt.f32 v32, v35;
	v43 =	vmax.f32 v35, v32;
	v45 =	vld [tilespmem:s19+$0x310]  }
0x11f: {  	v48 =	vld [tilespmem:s19+$0x0];
	vm1 =	vgt.f32 v17, v6;
	v6 =	vmax.f32 v6, v17;
	v10 =	vmax.f32 v43, v40  }
0x120: {  	v49 =	vmax.f32 v46, v27;
	v34 =	vld [tilespmem:s19+$0x290];
	v50 =	vmax.f32 v6, v26;
	v20 =	vmax.f32 v10, v31  }
0x121: {  	v19 =	vsel vm0, v12, v19;
	vm2 =	vgt.f32 v26, v6;
	vm0 =	vgt.f32 v31, v10;
	v21 =	vld [tilespmem:s19+$0x20]  }
0x122: {  	vm7 =	vgt.f32 v24, v50;
	vm4 =	vgt.f32 v16, v28;
	v32 =	vmax.f32 v28, v16;
	v17 =	vld [tilespmem:s19+$0x2B0]  }
0x123: {  	vm3 =	vgt.f32 v27, v46;
	v6 =	vsel vm1, v12, v47;
	v10 =	vadd.s32 $0x30, v12;
	v51 =	vld [tilespmem:s19+$0x80]  }
0x124: {  	v16 =	vadd.s32 $0x20, v12;
	v35 =	vsel vm4, v12, v39;
	vm1 =	vgt.f32 v45, v49;
	v26 =	vld [tilespmem:s19+$0x200]  }
0x125: {  	vm6 =	vgt.f32 v40, v43;
	vm9 =	vgt.f32 v48, v37;
	v31 =	vmax.f32 v37, v48;
	v43 =	vld [tilespmem:s19+$0x210]  }
0x126: {  	v46 =	vmax.f32 v29, v33;
	v27 =	vmax.f32 v50, v24;
	vm4 =	vgt.f32 v33, v29  }
0x127: {  	v47 =	vsel vm2, v8, v6;
	vm8 =	vgt.f32 v30, v27;
	v24 =	vsel vm4, v12, v25;
	v40 =	vld [tilespmem:s19+$0x90]  }
0x128: {  	vm5 =	vgt.f32 v44, v46;
	v25 =	vmax.f32 v49, v45;
	vm10 =	vgt.f32 v51, v38;
	v28 =	vld [tilespmem:s19+$0x230]  }
.Ltmp3:
0x129: {  	v6 =	vmax.f32 v27, v30;
	vm2 =	vgt.f32 v36, v25;
	v11 =	vmax.f32 v11, v26;
	v39 =	vld [tilespmem:s19+$0x220];
	(pc) =	sbr.rel @p2 .LBB2_11-.Ltmp3, $4  }
0x12a: {  	v29 =	vmax.f32 v31, v18;
	v37 =	vmax.f32 v25, v36;
	vm4 =	vgt.f32 v43, v11;
	v36 =	vld [tilespmem:s19+$0x130]  }
0x12b: {  	v30 =	vsel vm7, v16, v47;
	v33 =	vsel vm9, v12, v42;
	v45 =	vmax.f32 v38, v51;
	v25 =	vld [tilespmem:s19+$0x2A0]  }
0x12c: {  	v27 =	vmax.f32 v32, v34;
	v38 =	vsel vm10, v12, v41;
	vm7 =	vgt.f32 v40, v45;
	v42 =	vld [tilespmem:s19+$0xA0]  }
0x12d: {  	s23 =	sadd.s32 $0x200, s23;
	v41 =	vmax.f32 v46, v44;
	v43 =	vmax.f32 v11, v43;
	v40 =	vmax.f32 v45, v40  }
0x12e: {  	v44 =	vmax.f32 v43, v39  }
0x12f: {  	v11 =	vmax.f32 v37, v15;
	v9 =	vsel vm8, v10, v30;
	vm15 =	vgt.f32 v34, v32  }
0x130: {  	v50 =	vsel vm6, v8, v19;
	vm9 =	vgt.f32 v39, v43;
	vm11 =	vgt.f32 v18, v31  }
0x131: {  	v51 =	vmax.f32 v29, v21;
	vm12 =	vgt.f32 v21, v29;
	v53 =	vmax.f32 v41, v13  }
0x132: {  	vm10 =	vgt.f32 v13, v41;
	v57 =	vsel vm7, v8, v38;
	vm6 =	vgt.f32 v15, v37  }
0x133: {  	v61 =	vsel vm5, v8, v24;
	v29 =	vsel vm3, v12, v23;
	v19 =	vmax.f32 v44, v28  }
0x134: {  	v45 =	vld [tilespmem:s19+$0x30];
	v32 =	vsel vm15, v8, v35;
	v34 =	vmax.f32 v20, v36;
	v31 =	vsel vm11, v8, v33  }
0x135: {  	v52 =	vld [tilespmem:s19+$0xB0];
	v37 =	vsel vm0, v16, v50;
	v21 =	vsel vm12, v16, v31;
	vm8 =	vgt.f32 v25, v27  }
0x136: {  	vm12 =	vgt.f32 v26, v14;
	v41 =	vmax.f32 v27, v25;
	vm11 =	vgt.f32 v42, v40  }
0x137: {  	v58 =	vld [tilespmem:s19+$0x1B0];
	v56 =	vmax.f32 v40, v42;
	v22 =	vsel vm12, v12, v22;
	v12 =	vmax.f32 v41, v17  }
0x138: {  	s25 =	sshll.u32 s18, $0x3;
	v13 =	vsel vm11, v16, v57;
	v35 =	vsel vm4, v8, v22;
	v8 =	vsel vm1, v8, v29  }
0x139: {  	vm1 =	vgt.f32 v17, v41;
	v57 =	vmov s25;
	vm13 =	vgt.f32 v45, v51  }
0x13a: {  	v18 =	vmax.f32 v51, v45;
	v59 =	vmax.f32 v56, v52;
	v21 =	vsel vm13, v10, v21  }
0x13b: {  	vm5 =	vgt.f32 v52, v56;
	v54 =	vperm.xlane v18, v0;
	v55 =	vperm.xlane v21, v0  }
0x13c: {  	vm3 =	vgt.f32 v58, v53;
	v38 =	vsel vm9, v16, v35;
	v15 =	vmax.f32 v53, v58  }
0x13d: {  	v8 =	vsel vm2, v16, v8;
	vm7 =	veq.f32 v54, v18;
	vm13 =	vlt.s32 v55, v21  }
0x13e: {  	s20 =	sor.u32 $0x1, s25;
	v56 =	vperm.xlane v34, v0;
	vm7 =	vmand vm7, vm13;
	vm13 =	vgt.f32 v54, v18  }
0x13f: {  	v35 =	vmov s20;
	v42 =	vperm.xlane v59, v0;
	vm12 =	vmor vm13, vm7  }
0x140: {  	v8 =	vsel vm6, v10, v8;
	v18 =	vsel vm12, v54, v18;
	v60 =	vsel vm12, v55, v21  }
0x141: {  	vm7 =	vgt.f32 v36, v20;
	v62 =	vperm.xlane v18, v1;
	v63 =	vperm.xlane v60, v1  }
0x142: {  	v36 =	vsel vm5, v10, v13;
	vm12 =	vgt.f32 v28, v44;
	v21 =	vsel vm10, v16, v61  }
0x143: {  	v43 =	vperm.xlane v36, v0;
	vm11 =	veq.f32 v62, v18;
	vm13 =	vlt.s32 v63, v60  }
0x144: {  	v44 =	vsel vm8, v16, v32;
	vm11 =	vmand vm11, vm13;
	vm13 =	vgt.f32 v62, v18  }
0x145: {  	v51 =	vsel vm7, v10, v37;
	v13 =	vsel vm12, v10, v38;
	vm14 =	vmor vm13, vm11  }
0x146: {  	v50 =	vsel vm3, v10, v21;
	v18 =	vsel vm14, v62, v18;
	v20 =	vsel vm14, v63, v60  }
0x147: {  	v53 =	vsel vm1, v10, v44;
	v39 =	vperm.xlane v18, v2;
	v40 =	vperm.xlane v20, v2  }
0x148: {  	v23 =	vperm.xlane v51, v0;
	vm12 =	vlt.s32 v43, v36;
	v28 =	vperm.xlane v50, v0  }
0x149: {  	v37 =	vperm.xlane v13, v0;
	vm15 =	veq.f32 v39, v18;
	vm9 =	vlt.s32 v40, v20  }
0x14a: {  	vm11 =	veq.f32 v42, v59;
	vm10 =	vgt.f32 v39, v18;
	vm0 =	vmand vm15, vm9  }
0x14b: {  	vm13 =	vgt.f32 v42, v59;
	v63 =	vperm.xlane v15, v0;
	vm0 =	vmor vm10, vm0  }
0x14c: {  	s26 =	sor.u32 $0x2, s25;
	v14 =	vsel vm0, v39, v18;
	v45 =	vsel vm0, v40, v20;
	vm0 =	vmand vm11, vm12  }
0x14d: {  	vm12 =	veq.f32 v56, v34;
	v40 =	vmov s26;
	v18 =	vperm.xlane v14, v3  }
0x14e: {  	v20 =	vperm.xlane v45, v3;
	vm0 =	vmor vm13, vm0;
	vm13 =	vlt.s32 v23, v51  }
0x14f: {  	v46 =	vsel vm0, v42, v59;
	v22 =	vsel vm0, v43, v36;
	v36 =	vperm.xlane v19, v0  }
0x150: {  	vm1 =	vmand vm12, vm13;
	v42 =	vperm.xlane v12, v0;
	v43 =	vperm.xlane v53, v0  }
0x151: {  	vm14 =	veq.f32 v18, v14;
	vm15 =	vlt.s32 v20, v45;
	v47 =	vperm.xlane v46, v1  }
0x152: {  	v48 =	vperm.xlane v22, v1;
	vm5 =	vgt.f32 v18, v14;
	vm0 =	vmand vm14, vm15  }
0x153: {  	vm15 =	vgt.f32 v56, v34;
	vm0 =	vmor vm5, vm0;
	vm8 =	veq.f32 v47, v46  }
0x154: {  	vm9 =	vlt.s32 v48, v22;
	vm10 =	vgt.f32 v47, v46;
	vm1 =	vmor vm15, vm1  }
0x155: {  	v49 =	vsel vm0, v20, v45;
	vm2 =	vmand vm8, vm9;
	v17 =	vsel vm1, v23, v51  }
0x156: {  	v51 =	vperm.xlane v11, v0;
	v14 =	vcvt.s32.f32 v49;
	vm0 =	vmor vm10, vm2  }
0x157: {  	v23 =	vperm.xlane v17, v1;
	v52 =	vsel vm0, v47, v46;
	v55 =	vsel vm0, v48, v22  }
0x158: {  	s28 =	sor.u32 $0x3, s25;
	v22 =	vsel vm1, v56, v34;
	v14 =	vmul.f32 $2.346041050e-02, v14;
	v54 =	vperm.xlane v52, v2  }
0x159: {  	v48 =	vmov s28;
	v58 =	vperm.xlane v55, v2;
	v59 =	vperm.xlane v22, v1  }
0x15a: {  	vm9 =	vlt.s32 v23, v17;
	v14 =	vadd.f32 $6.000000000e+00, v14;
	vm11 =	veq.f32 v54, v52  }
0x15b: {  	vm14 =	vlt.s32 v58, v55;
	vm7 =	vgt.f32 v54, v52;
	vm8 =	veq.f32 v59, v22  }
0x15c: {  	vm0 =	vmand vm11, vm14;
	vm11 =	vgt.f32 v59, v22;
	vm1 =	vmand vm8, vm9  }
0x15d: {  	vm9 =	veq.f32 v63, v15;
	vm2 =	vmor vm7, vm0;
	vm0 =	veq.s32 v57, v4  }
0x15e: {  	vm1 =	vmor vm11, vm1;
	vm11 =	vgt.f32 v63, v15;
	v18 =	vsel vm2, v54, v52  }
0x15f: {  	v21 =	vsel vm2, v58, v55;
	v61 =	vsel vm1, v59, v22;
	v52 =	vperm.xlane v8, v0  }
0x160: {  	v17 =	vsel vm1, v23, v17;
	v54 =	vperm.xlane v6, v0;
	v60 =	vperm.xlane v18, v3  }
0x161: {  	v7 =	vsel vm0, v14, v7;
	v25 =	vperm.xlane v21, v3;
	v20 =	vperm.xlane v61, v2  }
0x162: {  	v55 =	vperm.xlane v9, v0;
	v62 =	vperm.xlane v17, v2;
	vm10 =	vgt.f32 v60, v18  }
0x163: {  	vm12 =	veq.f32 v60, v18;
	vm13 =	vlt.s32 v25, v21;
	vm15 =	vgt.f32 v20, v61  }
0x164: {  	vm7 =	veq.f32 v20, v61;
	vm8 =	vlt.s32 v62, v17;
	vm2 =	vmand vm12, vm13  }
0x165: {  	vm14 =	vmor vm10, vm2;
	vm2 =	vmand vm7, vm8;
	vm10 =	vlt.s32 v28, v50  }
0x166: {  	vm8 =	veq.s32 v35, v4;
	v21 =	vsel vm14, v25, v21;
	vm1 =	vmor vm15, vm2  }
0x167: {  	vm3 =	vmand vm9, vm10;
	v21 =	vcvt.s32.f32 v21;
	v18 =	vsel vm1, v20, v61  }
0x168: {  	vm2 =	vmor vm11, vm3;
	v17 =	vsel vm1, v62, v17;
	v20 =	vperm.xlane v18, v3  }
0x169: {  	s30 =	sor.u32 $0x5, s25;
	v15 =	vsel vm2, v63, v15;
	v16 =	vsel vm2, v28, v50;
	v32 =	vperm.xlane v17, v3  }
0x16a: {  	v61 =	vmov s30;
	v29 =	vperm.xlane v15, v1;
	v30 =	vperm.xlane v16, v1  }
0x16b: {  	v31 =	vmul.f32 $2.346041050e-02, v21;
	vm12 =	veq.f32 v20, v18;
	vm14 =	vlt.s32 v32, v17  }
0x16c: {  	vm7 =	vgt.f32 v20, v18;
	vm13 =	veq.f32 v29, v15;
	vm2 =	vlt.s32 v30, v16  }
0x16d: {  	vm15 =	vgt.f32 v29, v15;
	vm0 =	vmand vm12, vm14;
	v14 =	vadd.f32 $6.000000000e+00, v31  }
0x16e: {  	vm12 =	veq.f32 v36, v19;
	vm14 =	vgt.f32 v36, v19;
	vm1 =	vmand vm13, vm2  }
0x16f: {  	vm0 =	vmor vm7, vm0;
	vm13 =	vlt.s32 v37, v13;
	vm1 =	vmor vm15, vm1  }
0x170: {  	vm7 =	veq.s32 v40, v4;
	v15 =	vsel vm1, v29, v15;
	v16 =	vsel vm1, v30, v16  }
0x171: {  	v17 =	vsel vm0, v32, v17;
	v33 =	vperm.xlane v15, v2;
	v34 =	vperm.xlane v16, v2  }
0x172: {  	v7 =	vsel vm8, v14, v7;
	vm0 =	vmand vm12, vm13;
	vm12 =	veq.f32 v42, v12  }
0x173: {  	v17 =	vcvt.s32.f32 v17;
	vm9 =	veq.f32 v33, v15;
	vm10 =	vlt.s32 v34, v16  }
0x174: {  	vm0 =	vmor vm14, vm0;
	vm11 =	vgt.f32 v33, v15;
	vm1 =	vmand vm9, vm10  }
0x175: {  	v19 =	vsel vm0, v36, v19;
	v17 =	vmul.f32 $2.346041050e-02, v17;
	vm1 =	vmor vm11, vm1  }
0x176: {  	v21 =	vperm.xlane v19, v1;
	v15 =	vsel vm1, v33, v15;
	v16 =	vsel vm1, v34, v16  }
0x177: {  	v13 =	vsel vm0, v37, v13;
	v39 =	vperm.xlane v15, v3;
	v20 =	vperm.xlane v16, v3  }
0x178: {  	vm13 =	vlt.s32 v43, v53;
	v22 =	vperm.xlane v13, v1;
	v38 =	vadd.f32 $6.000000000e+00, v17  }
0x179: {  	vm9 =	veq.f32 v21, v19;
	vm15 =	veq.f32 v39, v15;
	vm6 =	vlt.s32 v20, v16  }
0x17a: {  	vm10 =	vlt.s32 v22, v13;
	vm8 =	vgt.f32 v39, v15;
	vm0 =	vmand vm15, vm6  }
0x17b: {  	vm11 =	vgt.f32 v21, v19;
	vm1 =	vmand vm9, vm10;
	vm0 =	vmor vm8, vm0  }
0x17c: {  	vm14 =	vgt.f32 v42, v12;
	v41 =	vsel vm0, v20, v16;
	vm0 =	vmor vm11, vm1  }
0x17d: {  	v7 =	vsel vm7, v38, v7;
	v44 =	vcvt.s32.f32 v41;
	v45 =	vsel vm0, v21, v19  }
0x17e: {  	v13 =	vsel vm0, v22, v13;
	vm0 =	vmand vm12, vm13;
	v46 =	vperm.xlane v45, v2  }
0x17f: {  	v47 =	vperm.xlane v13, v2;
	vm0 =	vmor vm14, vm0;
	v14 =	vmul.f32 $2.346041050e-02, v44  }
0x180: {  	v12 =	vsel vm0, v42, v12;
	v10 =	vsel vm0, v43, v53;
	vm15 =	veq.f32 v46, v45  }
0x181: {  	vm4 =	vlt.s32 v47, v13;
	v16 =	vperm.xlane v12, v1;
	v17 =	vperm.xlane v10, v1  }
0x182: {  	vm5 =	vgt.f32 v46, v45;
	v14 =	vadd.f32 $6.000000000e+00, v14;
	vm0 =	vmand vm15, vm4  }
0x183: {  	vm0 =	vmor vm5, vm0;
	vm6 =	veq.f32 v16, v12;
	vm7 =	vlt.s32 v17, v10  }
0x184: {  	vm8 =	vgt.f32 v16, v12;
	v15 =	vsel vm0, v46, v45;
	vm1 =	vmand vm6, vm7  }
0x185: {  	v13 =	vsel vm0, v47, v13;
	vm0 =	veq.s32 v48, v4;
	vm9 =	vmor vm8, vm1  }
0x186: {  	v18 =	vperm.xlane v15, v3;
	v19 =	vperm.xlane v13, v3;
	v12 =	vsel vm9, v16, v12  }
0x187: {  	vm8 =	veq.f32 v51, v11;
	v10 =	vsel vm9, v17, v10;
	v49 =	vperm.xlane v12, v2  }
0x188: {  	v50 =	vperm.xlane v10, v2;
	vm11 =	veq.f32 v18, v15;
	vm12 =	vlt.s32 v19, v13  }
0x189: {  	vm9 =	vlt.s32 v52, v8;
	vm10 =	vgt.f32 v18, v15;
	vm1 =	vmand vm11, vm12  }
0x18a: {  	vm13 =	veq.f32 v49, v12;
	vm14 =	vlt.s32 v50, v10;
	vm1 =	vmor vm10, vm1  }
0x18b: {  	vm15 =	vgt.f32 v49, v12;
	vm10 =	vgt.f32 v51, v11;
	vm2 =	vmand vm13, vm14  }
0x18c: {  	v13 =	vsel vm1, v19, v13;
	vm1 =	vmand vm8, vm9;
	vm13 =	veq.f32 v54, v6  }
0x18d: {  	vm14 =	vlt.s32 v55, v9;
	vm9 =	vgt.f32 v54, v6;
	vm7 =	vmor vm15, vm2  }
0x18e: {  	v13 =	vcvt.s32.f32 v13;
	vm1 =	vmor vm10, vm1;
	v12 =	vsel vm7, v49, v12  }
0x18f: {  	v10 =	vsel vm7, v50, v10;
	v11 =	vsel vm1, v51, v11;
	v8 =	vsel vm1, v52, v8  }
0x190: {  	vm1 =	vmand vm13, vm14;
	v17 =	vperm.xlane v12, v3;
	v53 =	vperm.xlane v10, v3  }
0x191: {  	v56 =	vperm.xlane v11, v1;
	v57 =	vperm.xlane v8, v1;
	vm1 =	vmor vm9, vm1  }
0x192: {  	v13 =	vmul.f32 $2.346041050e-02, v13;
	v6 =	vsel vm1, v54, v6;
	v9 =	vsel vm1, v55, v9  }
0x193: {  	vm3 =	vgt.f32 v17, v12;
	vm11 =	veq.f32 v17, v12;
	vm12 =	vlt.s32 v53, v10  }
0x194: {  	vm15 =	vgt.f32 v56, v11;
	v12 =	vperm.xlane v6, v1;
	v15 =	vperm.xlane v9, v1  }
0x195: {  	vm10 =	veq.f32 v56, v11;
	vm2 =	vmand vm11, vm12;
	vm11 =	vlt.s32 v57, v8  }
0x196: {  	vm4 =	vmand vm10, vm11;
	vm13 =	veq.f32 v12, v6;
	vm14 =	vlt.s32 v15, v9  }
0x197: {  	vm12 =	vmor vm15, vm4;
	vm15 =	vgt.f32 v12, v6;
	vm1 =	vmand vm13, vm14  }
0x198: {  	v11 =	vsel vm12, v56, v11;
	v8 =	vsel vm12, v57, v8;
	vm1 =	vmor vm15, vm1  }
0x199: {  	v16 =	vperm.xlane v11, v2;
	v17 =	vperm.xlane v8, v2;
	v6 =	vsel vm1, v12, v6  }
0x19a: {  	vm2 =	vmor vm3, vm2;
	v9 =	vsel vm1, v15, v9;
	v12 =	vperm.xlane v6, v2  }
0x19b: {  	v15 =	vperm.xlane v9, v2;
	vm8 =	veq.f32 v16, v11;
	vm9 =	vlt.s32 v17, v8  }
0x19c: {  	v10 =	vsel vm2, v53, v10;
	vm10 =	vgt.f32 v16, v11;
	vm1 =	vmand vm8, vm9  }
0x19d: {  	vm11 =	veq.f32 v12, v6;
	vm12 =	vlt.s32 v15, v9;
	vm1 =	vmor vm10, vm1  }
0x19e: {  	vm13 =	vgt.f32 v12, v6;
	vm2 =	vmand vm11, vm12;
	v11 =	vsel vm1, v16, v11  }
0x19f: {  	v8 =	vsel vm1, v17, v8;
	vm14 =	vmor vm13, vm2;
	v16 =	vperm.xlane v11, v3  }
0x1a0: {  	v17 =	vperm.xlane v8, v3;
	v6 =	vsel vm14, v12, v6;
	v9 =	vsel vm14, v15, v9  }
0x1a1: {  	v7 =	vsel vm0, v14, v7;
	v12 =	vperm.xlane v6, v3;
	v58 =	vperm.xlane v9, v3  }
0x1a2: {  	vm15 =	vgt.f32 v16, v11;
	vm6 =	veq.f32 v16, v11;
	vm7 =	vlt.s32 v17, v8  }
0x1a3: {  	vm1 =	vmand vm6, vm7;
	vm8 =	veq.f32 v12, v6;
	vm9 =	vlt.s32 v58, v9  }
0x1a4: {  	vm10 =	vgt.f32 v12, v6;
	vm0 =	vmor vm15, vm1;
	vm2 =	vmand vm8, vm9  }
0x1a5: {  	s29 =	sor.u32 $0x4, s25;
	v10 =	vcvt.s32.f32 v10;
	v8 =	vsel vm0, v17, v8;
	vm11 =	vmor vm10, vm2  }
0x1a6: {  	v6 =	vmov s29;
	v8 =	vcvt.s32.f32 v8;
	v9 =	vsel vm11, v58, v9  }
0x1a7: {  	s19 =	sor.u32 $0x6, s25;
	v10 =	vmul.f32 $2.346041050e-02, v10;
	vm12 =	veq.s32 v6, v4;
	v6 =	vcvt.s32.f32 v9  }
0x1a8: {  	s31 =	sshllo.u32 s18, $0x3;
	v62 =	vmov s19;
	v59 =	vadd.f32 $6.000000000e+00, v13;
	v8 =	vmul.f32 $2.346041050e-02, v8  }
.Ltmp4:
0x1a9: {  	v63 =	vmov s31;
	v60 =	vadd.f32 $6.000000000e+00, v10;
	v6 =	vmul.f32 $2.346041050e-02, v6;
	(pc) =	sbr.rel @p1 .LBB2_10-.Ltmp4, $4  }
0x1aa: {  	vm13 =	veq.s32 v61, v4;
	v7 =	vsel vm12, v59, v7;
	v8 =	vadd.f32 $6.000000000e+00, v8  }
0x1ab: {  	vm14 =	veq.s32 v62, v4;
	v7 =	vsel vm13, v60, v7;
	v6 =	vadd.f32 $6.000000000e+00, v6  }
0x1ac: {  	vm15 =	veq.s32 v63, v4;
	v7 =	vsel vm14, v8, v7  }
0x1ad: {  	s18 =	simm.s32 $0x1;
	p2 =	por $0x0, $0x0;
	v7 =	vsel vm15, v6, v7  }
.Ltmp5:
0x1ae: {  	_ = 	snop;
	(pc) =	sbr.rel @p0 .LBB2_9-.Ltmp5, $4  }
0x1af: {  	_ = 	snop  }
0x1b0: {  	s16 =	sshll.u32 s16, $0x4  }
0x1b1: {  	s16 =	sand.u32 $0x3FFFFFF0, s16  }
0x1b2: {  	p1 =	por $0x0, $0x0;
	[tilespmem:v5+s16+$0x0 ss:$0x1] =	vst.idx.msk $0xffff, v7;
	s16 =	simm.s32 $0x1  }
0x1b3: {  	s15 =	sadd.s32 $0x1, s15  }
0x1b4: {  	p0 =	sne.s32 s15, $0x7  }
.Ltmp6:
0x1b5: {  	_ = 	snop;
	(pc) =	sbr.rel @p0 .LBB2_2-.Ltmp6, $1  }
0x1b6: {  	_ =	sdelay $0x3  }
0x1b7: {  	s14 =	sadd.s32 $0x1, s14  }
0x1b8: {  	p0 =	sne.s32 s14, s8  }
.Ltmp7:
0x1b9: {  	_ = 	snop;
	(pc) =	sbr.rel @p0 .LBB2_1-.Ltmp7, $4  }
0x1ba: {  	[hbm4b:s7+s3] =	stream.linear.scatter [tilespmem:s12], [sflag:$0x3], $0x1C0, $0x38;
	[tilespmem:$0x10200] =	vst v63  }
0x1bb: {  	_ =	swait.ge [sflag:s13], $0x1C0  }
0x1bc: {  	[sflag:s13] =	ssyncset.done $0x0  }
0x1bd: {  	[sflag:s13] =	ssyncadd.s32 $0xFFFFFE40  }
0x1be: {  	_ =	sfence.sel $0x180000  }
0x1bf: {  	[bflag:$0x0] =	sbarrier.arrive $0xFFFF  }
0x1c0: {  	p0 =	sne.s32 s0, $0x0;
	_ =	strace $0x90000047  }
0x1c1: {  	s0 =	sadd.s32 @!p0 $0x100000, s2;
	[bflag:$0x2] =	sbarrier.arrive $0xFFFF  }
0x1c2: {  	[sflag:s0] =	ssyncadd.tile.s32 @!p0 $0x1;
	_ =	shalt  }
.Lfunc_end2:
_tile_overlayer_lowered:
.L_overlay_start_2:
0x1c3: {  	(tag) =	ssettag $0x2  }
0x1c4: {  	s0 =	rddreg [dreg:$0x0];
	s2 =	stileid.u32  }
0x1c5: {  	s1 =	rddreg [dreg:$0x1];
	p0 =	sne.s32 s2, $0x0  }
0x1c6: {  	s3 =	rddreg [dreg:$0x2];
	[bflag:$0x3] =	sbarrier.arrive $0xFFFF;
	s2 =	simm.s32 @!p0 $0x1C03  }
0x1c7: {  	[timem:s3], [sflag:s2] =	dma.local @!p0 [hbm:s0], s1  }
0x1c8: {  	s0 =	simm.s32 @!p0 $0x3  }
0x1c9: {  	_ =	swait.ge @!p0 [sflag:s0], s1  }
0x1ca: {  	s1 =	ssub.s32 @!p0 $0x0, s1;
	[sflag:s0] =	ssyncset.done @!p0 $0x0  }
0x1cb: {  	[sflag:s0] =	ssyncadd.s32 @!p0 s1  }
0x1cc: {  	[bflag:$0x3] =	sbarrier.arrive $0xFFFF  }
0x1cd: {  	_ =	shalt  }

</sc_bundles>
